<compile_context>
chip_gen: v7x
topology: tpu7x:2x2x1
jax: 0.10.2.dev20260603
libtpu: 0.0.44.dev20260713+nightly
codegen_flags: <defaults>
</compile_context>

<pallas_src>
import functools

import jax
import jax.numpy as jnp
from jax import lax
from jax.experimental import pallas as pl
from jax.experimental.pallas import tpu as pltpu
from jax.experimental.pallas import tpu_sc as plsc

N = 2 * 8192 * 2048
NLV = 127.0
_info = plsc.get_sparse_core_info()
NC, NS, L = _info.num_cores, _info.num_subcores, _info.num_lanes
NW = NC * NS
_ROWS, _COLS = 16384, 2048
RPW = _ROWS // NW
TR = 8
T = TR * _COLS
TILES = RPW // TR
VPR = _COLS // L
H1 = 65537 + 7
H2 = 32768

_mesh = plsc.VectorSubcoreMesh(core_axis_name="c", subcore_axis_name="s")
_params = pltpu.CompilerParams(needs_layout_passes=False)


def _zero_fill(ref, nbins):
    z = jnp.zeros((L,), jnp.int32)

    @plsc.parallel_loop(0, nbins // L, unroll=8)
    def _(j):
        ref[pl.ds(j * L, L)] = z


def _dma(x_hbm, buf_v, base, t, b, sem):
    return pltpu.make_async_copy(
        x_hbm.at[pl.ds(base + t * TR, TR)], buf_v.at[b], sem)


def _stream_tiles(x_hbm, buf_v, base, sem0, sem1, process):
    _dma(x_hbm, buf_v, base, 0, 0, sem0).start()
    _dma(x_hbm, buf_v, base, 1, 1, sem1).start()

    def outer(i):
        for b, sem in ((0, sem0), (1, sem1)):
            t = 2 * i + b
            _dma(x_hbm, buf_v, base, t, b, sem).wait()
            process(b)
            tn = jnp.minimum(t + 2, TILES - 2 + b)
            _dma(x_hbm, buf_v, base, tn, b, sem).start()

    pl.loop(0, TILES // 2)(outer)
    _dma(x_hbm, buf_v, base, TILES - 2, 0, sem0).wait()
    _dma(x_hbm, buf_v, base, TILES - 1, 1, sem1).wait()


@functools.partial(
    pl.kernel,
    out_type=jax.ShapeDtypeStruct((NW, H1), jnp.int32),
    mesh=_mesh,
    scratch_types=[
        pltpu.VMEM((H1,), jnp.int32),
        pltpu.VMEM((2, TR, _COLS), jnp.float32),
        pltpu.SemaphoreType.DMA,
        pltpu.SemaphoreType.DMA,
    ],
    compiler_params=_params,
)
def _hist1(x_hbm, hist_out, hist_v, buf_v, sem0, sem1):
    wid = lax.axis_index("s") * NC + lax.axis_index("c")
    base = wid * RPW
    _zero_fill(hist_v, H1)
    ones = jnp.ones((L,), jnp.int32)

    def process(b):
        for r in range(TR):
            @plsc.parallel_loop(0, VPR, unroll=8)
            def _(j, r=r):
                v = buf_v[b, r, pl.ds(j * L, L)]
                u = plsc.bitcast(v, jnp.int32)
                bins = ((u & jnp.int32(0x7FFFFFFF)) + jnp.int32(0x7FFF)) >> 15
                plsc.addupdate_scatter(hist_v, [bins], ones)

    _stream_tiles(x_hbm, buf_v, base, sem0, sem1, process)
    pltpu.sync_copy(hist_v, hist_out.at[wid])


@functools.partial(
    pl.kernel,
    out_type=jax.ShapeDtypeStruct((NW, H2), jnp.int32),
    mesh=_mesh,
    scratch_types=[
        pltpu.VMEM((H2,), jnp.int32),
        pltpu.VMEM((2, TR, _COLS), jnp.float32),
        pltpu.VMEM((L,), jnp.int32),
        pltpu.SemaphoreType.DMA,
        pltpu.SemaphoreType.DMA,
    ],
    compiler_params=_params,
)
def _hist2(x_hbm, base_hbm, hist_out, hist_v, buf_v, base_v, sem0, sem1):
    wid = lax.axis_index("s") * NC + lax.axis_index("c")
    base = wid * RPW
    _zero_fill(hist_v, H2)
    pltpu.sync_copy(base_hbm, base_v)
    basevec = base_v[...]
    ones = jnp.ones((L,), jnp.int32)

    def process(b):
        for r in range(TR):
            @plsc.parallel_loop(0, VPR, unroll=8)
            def _(j, r=r):
                v = buf_v[b, r, pl.ds(j * L, L)]
                u = plsc.bitcast(v, jnp.int32)
                t = (u & jnp.int32(0x7FFFFFFF)) - basevec
                m = plsc.bitcast(t, jnp.uint32) < jnp.uint32(H2)
                plsc.addupdate_scatter(
                    hist_v, [t & jnp.int32(H2 - 1)], ones, mask=m)

    _stream_tiles(x_hbm, buf_v, base, sem0, sem1, process)
    pltpu.sync_copy(hist_v, hist_out.at[wid])


_BLK = 1024


def _quant_body(th_ref, x_ref, o_ref):
    th = th_ref[0, 0]
    safe = jnp.where(th == 0.0, jnp.float32(1.0), th)
    x = x_ref[...]
    clipped = jnp.clip(x, -safe, safe)
    q = jnp.round(clipped / safe * NLV) / NLV * safe
    o_ref[...] = jnp.where(th == 0.0, x, q)


_quant = pl.pallas_call(
    _quant_body,
    grid=(_ROWS // _BLK,),
    in_specs=[
        pl.BlockSpec(memory_space=pltpu.SMEM),
        pl.BlockSpec((_BLK, _COLS), lambda i: (i, 0)),
    ],
    out_specs=pl.BlockSpec((_BLK, _COLS), lambda i: (i, 0)),
    out_shape=jax.ShapeDtypeStruct((_ROWS, _COLS), jnp.float32),
)


@jax.jit
def kernel(input):
    x2 = input.reshape(_ROWS, _COLS)
    h1p = _hist1(x2)
    hist1 = jnp.sum(h1p, axis=0)[:65537]
    num_zero = hist1[0]
    num_nonzero = jnp.int32(N) - num_zero
    idx = (0.9 * num_nonzero).astype(jnp.int32) + (N - num_nonzero).astype(jnp.int32)
    k = jnp.minimum(idx, N - 1)
    c1 = jnp.cumsum(hist1)
    b1 = jnp.sum(c1 <= k).astype(jnp.int32)
    r = k - (c1[b1] - hist1[b1])
    bin_base = ((b1 - 1) << 15) + 1
    h2p = _hist2(x2, jnp.full((L,), bin_base, jnp.int32))
    hist2 = jnp.sum(h2p, axis=0)
    c2 = jnp.cumsum(hist2)
    b2 = jnp.sum(c2 <= r).astype(jnp.int32)
    th_bits = jnp.where(b1 == 0, jnp.int32(0), bin_base + b2)
    th_val = lax.bitcast_convert_type(th_bits, jnp.float32)
    out = _quant(th_val.reshape(1, 1), x2)
    return out.reshape(input.shape)

# --- scband reference (transcript-rebuilt; emitter-appended) ---
"""Pipeline reference for scband-ol-operator-18408229830711 (READ-ONLY COPY).

The authoritative reference and input builder live on the scoring server;
editing this copy changes nothing except your own understanding.
"""

import jax, jax.numpy as jnp
import numpy as np

# OL (outlier) quantization parameters. The torch module defaults to bit_width=0
# (identity); realistic use calls ol_update(bit_width, threshold) first, so we
# model the active path with bit_width=8, threshold=0.9 (keep 90% quantile of
# nonzero |x| as clipping threshold, then uniform quantization).
BIT_WIDTH = 8
THRESHOLD = 0.9
POS_ONLY = False


def _ol_quant(x, bit_width, threshold, pos_only):
    if pos_only:
        N_lv_pos = 2 ** bit_width - 1
        x_abs = x
    else:
        N_lv_pos = 2 ** (bit_width - 1) - 1
        x_abs = jnp.abs(x)
    flat = x_abs.reshape(-1)
    numel = flat.shape[0]
    if threshold >= 1:
        th_val = jnp.max(flat)
    else:
        num_nonzero = jnp.sum(flat != 0)
        idx = (threshold * num_nonzero).astype(jnp.int32) + (numel - num_nonzero).astype(jnp.int32)
        idx = jnp.minimum(idx, numel - 1)
        s = jnp.sort(flat)
        th_val = s[idx]
    safe_th = jnp.where(th_val == 0, jnp.float32(1.0), th_val)
    lo = jnp.float32(0.0) if pos_only else -safe_th
    clipped = jnp.clip(x, lo, safe_th)
    q = jnp.round(clipped / safe_th * N_lv_pos) / N_lv_pos * safe_th
    q = jnp.where(th_val == 0, x, q)
    return q, th_val


def setup_inputs(seed: int = 0) -> dict:
    key = jax.random.key(seed)
    x = jax.random.normal(key, (2, 8192, 2048), dtype=jnp.float32)
    return {"input": x}


def reference(input) -> jnp.ndarray:
    q, _th = _ol_quant(input, BIT_WIDTH, THRESHOLD, POS_ONLY)
    # Straight-through: forward value is the quantized tensor; gradient is
    # identity, matching the custom autograd Function's backward (bparam
    # defaults to bit_width=0, i.e. pass-through of grad_output).
    out = input + jax.lax.stop_gradient(q - input)
    return out

if __name__ == "__main__":
    import jax
    _d = setup_inputs()
    print(jax.jit(kernel)(*tuple(_d.values())))

</pallas_src>

<mosaic_0001>
#map = affine_map<(d0, d1) -> (0, 0)>
#map1 = affine_map<(d0, d1) -> (0)>
module attributes {stable_mosaic.version = 14 : i64} {
  func.func @_hist2(%arg0: i32, %arg1: i32, %arg2: memref<16384x2048xf32, #tpu.memory_space<hbm>>, %arg3: memref<16xi32, #tpu.memory_space<hbm>>, %arg4: memref<32x32768xi32, #tpu.memory_space<hbm>>, %arg5: memref<32768xi32, #tpu.memory_space<vmem>>, %arg6: memref<2x8x2048xf32, #tpu.memory_space<vmem>>, %arg7: memref<16xi32, #tpu.memory_space<vmem>>, %arg8: memref<!tpu.dma_semaphore, #tpu.memory_space<semaphore_mem>>, %arg9: memref<!tpu.dma_semaphore, #tpu.memory_space<semaphore_mem>>) attributes {dimension_semantics = [#tpu.dimension_semantics<core_parallel>, #tpu.dimension_semantics<subcore_parallel>], iteration_bounds = array<i64: 2, 16>, scalar_prefetch = 0 : i64, scratch_operands = 5 : i64, tpu.core_type = #tpu.core_type<sc_vector_subcore>, window_params = [{transform_indices = #map}, {transform_indices = #map1}, {transform_indices = #map}]} {
    %mul3A = arith.constant 2 : i32
    %mul3A_0 = arith.muli %arg1, %mul3A : i32
    %add3A = arith.addi %mul3A_0, %arg0 : i32
    %mul3A_1 = arith.constant 512 : i32
    %mul3A_2 = arith.muli %add3A, %mul3A_1 : i32
    %broadcast_in_dim3A = arith.constant 0 : i32
    %broadcast_in_dim3A_3 = vector.broadcast %broadcast_in_dim3A : i32 to vector<16xi32>
    %parallel_loop3A = arith.constant 0 : i32
    %parallel_loop3A_4 = arith.constant 2048 : i32
    %parallel_loop3A_5 = arith.constant 1 : i32
    scf.for %parallel_loop3A_71 = %parallel_loop3A to %parallel_loop3A_4 step %parallel_loop3A_5  : i32 {
      %parallel_loop3A_72 = arith.constant 16 : i32
      %parallel_loop3A_73 = arith.muli %parallel_loop3A_71, %parallel_loop3A_72 : i32
      %parallel_loop3A_74 = arith.index_cast %parallel_loop3A_73 : i32 to index
      %parallel_loop3A_75 = tpu.vector_load %arg5[%parallel_loop3A_74] {strides = array<i32>} : memref<32768xi32, #tpu.memory_space<vmem>>, vector<16xi32>,
      tpu.vector_store %arg5[%parallel_loop3A_74], %broadcast_in_dim3A_3 {strides = array<i32>} : memref<32768xi32, #tpu.memory_space<vmem>>, vector<16xi32>,
    } {sc.loop_unroll_factor = 8 : i64, sc.parallel_access}
    "tpu.region"() ({
      %run_scoped3A = tpu.sem_alloc : memref<!tpu.dma_semaphore, #tpu.memory_space<semaphore_mem>>
      tpu.enqueue_dma source(%arg3 : memref<16xi32, #tpu.memory_space<hbm>>) target(%arg7 : memref<16xi32, #tpu.memory_space<vmem>>) target_semaphore(%run_scoped3A : memref<!tpu.dma_semaphore, #tpu.memory_space<semaphore_mem>>)
      tpu.wait_dma2 semaphore(%run_scoped3A : memref<!tpu.dma_semaphore, #tpu.memory_space<semaphore_mem>>) src(%arg3 : memref<16xi32, #tpu.memory_space<hbm>>) dst(%arg7 : memref<16xi32, #tpu.memory_space<vmem>>)
      tpu.yield
    }) : () -> ()
    %get3A = arith.constant 0 : index
    %get3A_6 = tpu.vector_load %arg7[%get3A] {strides = array<i32>} : memref<16xi32, #tpu.memory_space<vmem>>, vector<16xi32>,
    %broadcast_in_dim3A_7 = arith.constant 1 : i32
    %broadcast_in_dim3A_8 = vector.broadcast %broadcast_in_dim3A_7 : i32 to vector<16xi32>
    %add3A_9 = arith.constant 0 : i32
    %add3A_10 = arith.addi %mul3A_2, %add3A_9 : i32
    %dma_start3A = arith.constant 0 : i32
    %dma_start3A_11 = arith.constant 0 : i32
    %dma_start3A_12 = arith.constant 0 : i32
    %dma_start3A_13 = tpu.memref_slice %arg6[%dma_start3A, %dma_start3A_11, %dma_start3A_12] : memref<2x8x2048xf32, #tpu.memory_space<vmem>> -> memref<1x8x2048xf32, #tpu.memory_space<vmem>>
    %dma_start3A_14 = tpu.memref_squeeze %dma_start3A_13 : memref<1x8x2048xf32, #tpu.memory_space<vmem>> -> memref<8x2048xf32, #tpu.memory_space<vmem>>
    %dma_start3A_15 = arith.constant 0 : i32
    %dma_start3A_16 = tpu.memref_slice %arg2[%add3A_10, %dma_start3A_15] : memref<16384x2048xf32, #tpu.memory_space<hbm>> -> memref<8x2048xf32, #tpu.memory_space<hbm>>
    %dma_start3A_17 = arith.constant 0 : i32
    %dma_start3A_18 = arith.constant 0 : i32
    %dma_start3A_19 = tpu.memref_slice %arg6[%dma_start3A, %dma_start3A_17, %dma_start3A_18] : memref<2x8x2048xf32, #tpu.memory_space<vmem>> -> memref<1x8x2048xf32, #tpu.memory_space<vmem>>
    %dma_start3A_20 = tpu.memref_squeeze %dma_start3A_19 : memref<1x8x2048xf32, #tpu.memory_space<vmem>> -> memref<8x2048xf32, #tpu.memory_space<vmem>>
    %dma_start3A_21 = arith.constant 0 : i32
    %dma_start3A_22 = tpu.memref_slice %arg2[%add3A_10, %dma_start3A_21] : memref<16384x2048xf32, #tpu.memory_space<hbm>> -> memref<8x2048xf32, #tpu.memory_space<hbm>>
    tpu.enqueue_dma source(%dma_start3A_22 : memref<8x2048xf32, #tpu.memory_space<hbm>>) target(%dma_start3A_20 : memref<8x2048xf32, #tpu.memory_space<vmem>>) target_semaphore(%arg8 : memref<!tpu.dma_semaphore, #tpu.memory_space<semaphore_mem>>)
    %add3A_23 = arith.constant 8 : i32
    %add3A_24 = arith.addi %mul3A_2, %add3A_23 : i32
    %dma_start3A_25 = arith.constant 1 : i32
    %dma_start3A_26 = arith.constant 0 : i32
    %dma_start3A_27 = arith.constant 0 : i32
    %dma_start3A_28 = tpu.memref_slice %arg6[%dma_start3A_25, %dma_start3A_26, %dma_start3A_27] : memref<2x8x2048xf32, #tpu.memory_space<vmem>> -> memref<1x8x2048xf32, #tpu.memory_space<vmem>>
    %dma_start3A_29 = tpu.memref_squeeze %dma_start3A_28 : memref<1x8x2048xf32, #tpu.memory_space<vmem>> -> memref<8x2048xf32, #tpu.memory_space<vmem>>
    %dma_start3A_30 = arith.constant 0 : i32
    %dma_start3A_31 = tpu.memref_slice %arg2[%add3A_24, %dma_start3A_30] : memref<16384x2048xf32, #tpu.memory_space<hbm>> -> memref<8x2048xf32, #tpu.memory_space<hbm>>
    %dma_start3A_32 = arith.constant 0 : i32
    %dma_start3A_33 = arith.constant 0 : i32
    %dma_start3A_34 = tpu.memref_slice %arg6[%dma_start3A_25, %dma_start3A_32, %dma_start3A_33] : memref<2x8x2048xf32, #tpu.memory_space<vmem>> -> memref<1x8x2048xf32, #tpu.memory_space<vmem>>
    %dma_start3A_35 = tpu.memref_squeeze %dma_start3A_34 : memref<1x8x2048xf32, #tpu.memory_space<vmem>> -> memref<8x2048xf32, #tpu.memory_space<vmem>>
    %dma_start3A_36 = arith.constant 0 : i32
    %dma_start3A_37 = tpu.memref_slice %arg2[%add3A_24, %dma_start3A_36] : memref<16384x2048xf32, #tpu.memory_space<hbm>> -> memref<8x2048xf32, #tpu.memory_space<hbm>>
    tpu.enqueue_dma source(%dma_start3A_37 : memref<8x2048xf32, #tpu.memory_space<hbm>>) target(%dma_start3A_35 : memref<8x2048xf32, #tpu.memory_space<vmem>>) target_semaphore(%arg9 : memref<!tpu.dma_semaphore, #tpu.memory_space<semaphore_mem>>)
    %scan3A = arith.constant 0 : i32
    %scan3A_38 = arith.constant 32 : i32
    %scan3A_39 = arith.addi %scan3A, %scan3A_38 : i32
    %scan3A_40 = arith.constant 1 : i32
    scf.for %scan3A_71 = %scan3A to %scan3A_39 step %scan3A_40  : i32 {
      %mul3A_72 = arith.constant 1 : i32
      %mul3A_73 = arith.muli %scan3A_71, %mul3A_72 : i32
      %add3A_74 = arith.constant 0 : i32
      %add3A_75 = arith.addi %add3A_74, %mul3A_73 : i32
      %mul3A_76 = arith.constant 2 : i32
      %mul3A_77 = arith.muli %mul3A_76, %add3A_75 : i32
      %add3A_78 = arith.constant 0 : i32
      %add3A_79 = arith.addi %mul3A_77, %add3A_78 : i32
      %mul3A_80 = arith.constant 8 : i32
      %mul3A_81 = arith.muli %add3A_79, %mul3A_80 : i32
      %add3A_82 = arith.addi %mul3A_2, %mul3A_81 : i32
      %dma_wait3A_83 = arith.constant 0 : i32
      %dma_wait3A_84 = arith.constant 0 : i32
      %dma_wait3A_85 = arith.constant 0 : i32
      %dma_wait3A_86 = tpu.memref_slice %arg6[%dma_wait3A_83, %dma_wait3A_84, %dma_wait3A_85] : memref<2x8x2048xf32, #tpu.memory_space<vmem>> -> memref<1x8x2048xf32, #tpu.memory_space<vmem>>
      %dma_wait3A_87 = tpu.memref_squeeze %dma_wait3A_86 : memref<1x8x2048xf32, #tpu.memory_space<vmem>> -> memref<8x2048xf32, #tpu.memory_space<vmem>>
      %dma_wait3A_88 = arith.constant 0 : i32
      %dma_wait3A_89 = tpu.memref_slice %arg2[%add3A_82, %dma_wait3A_88] : memref<16384x2048xf32, #tpu.memory_space<hbm>> -> memref<8x2048xf32, #tpu.memory_space<hbm>>
      %dma_wait3A_90 = arith.constant 0 : i32
      %dma_wait3A_91 = arith.constant 0 : i32
      %dma_wait3A_92 = tpu.memref_slice %arg6[%dma_wait3A_83, %dma_wait3A_90, %dma_wait3A_91] : memref<2x8x2048xf32, #tpu.memory_space<vmem>> -> memref<1x8x2048xf32, #tpu.memory_space<vmem>>
      %dma_wait3A_93 = tpu.memref_squeeze %dma_wait3A_92 : memref<1x8x2048xf32, #tpu.memory_space<vmem>> -> memref<8x2048xf32, #tpu.memory_space<vmem>>
      %dma_wait3A_94 = arith.constant 0 : i32
      %dma_wait3A_95 = tpu.memref_slice %arg2[%add3A_82, %dma_wait3A_94] : memref<16384x2048xf32, #tpu.memory_space<hbm>> -> memref<8x2048xf32, #tpu.memory_space<hbm>>
      tpu.wait_dma2 semaphore(%arg8 : memref<!tpu.dma_semaphore, #tpu.memory_space<semaphore_mem>>) src(%dma_wait3A_95 : memref<8x2048xf32, #tpu.memory_space<hbm>>) dst(%dma_wait3A_93 : memref<8x2048xf32, #tpu.memory_space<vmem>>)
      %parallel_loop3A_96 = arith.constant 0 : i32
      %parallel_loop3A_97 = arith.constant 128 : i32
      %parallel_loop3A_98 = arith.constant 1 : i32
      scf.for %parallel_loop3A_203 = %parallel_loop3A_96 to %parallel_loop3A_97 step %parallel_loop3A_98  : i32 {
        %parallel_loop3A_204 = arith.constant 16 : i32
        %parallel_loop3A_205 = arith.muli %parallel_loop3A_203, %parallel_loop3A_204 : i32
        %parallel_loop3A_206 = arith.constant 0 : i32
        %parallel_loop3A_207 = arith.constant 0 : i32
        %parallel_loop3A_208 = arith.index_cast %parallel_loop3A_206 : i32 to index
        %parallel_loop3A_209 = arith.index_cast %parallel_loop3A_207 : i32 to index
        %parallel_loop3A_210 = arith.index_cast %parallel_loop3A_205 : i32 to index
        %parallel_loop3A_211 = tpu.vector_load %arg6[%parallel_loop3A_208, %parallel_loop3A_209, %parallel_loop3A_210] {strides = array<i32>} : memref<2x8x2048xf32, #tpu.memory_space<vmem>>, vector<16xf32>,
        %parallel_loop3A_212 = vector.bitcast %parallel_loop3A_211 : vector<16xf32> to vector<16xi32>
        %parallel_loop3A_213 = arith.constant 2147483647 : i32
        %parallel_loop3A_214 = vector.broadcast %parallel_loop3A_213 : i32 to vector<16xi32>
        %parallel_loop3A_215 = arith.andi %parallel_loop3A_212, %parallel_loop3A_214 : vector<16xi32>
        %parallel_loop3A_216 = arith.subi %parallel_loop3A_215, %get3A_6 : vector<16xi32>
        %parallel_loop3A_217 = vector.bitcast %parallel_loop3A_216 : vector<16xi32> to vector<16xi32>
        %parallel_loop3A_218 = arith.constant 32768 : i32
        %parallel_loop3A_219 = vector.broadcast %parallel_loop3A_218 : i32 to vector<16xi32>
        %parallel_loop3A_220 = arith.cmpi ult, %parallel_loop3A_217, %parallel_loop3A_219 : vector<16xi32>
        %parallel_loop3A_221 = arith.constant 32767 : i32
        %parallel_loop3A_222 = vector.broadcast %parallel_loop3A_221 : i32 to vector<16xi32>
        %parallel_loop3A_223 = arith.andi %parallel_loop3A_216, %parallel_loop3A_222 : vector<16xi32>
        tpu.vector_store_idx %arg5[%parallel_loop3A_223], %broadcast_in_dim3A_8 masked %parallel_loop3A_220 {add = true} : memref<32768xi32, #tpu.memory_space<vmem>>[vector<16xi32>], vector<16xi32>, vector<16xi1>
      } {sc.loop_unroll_factor = 8 : i64, sc.parallel_access}
      %parallel_loop3A_99 = arith.constant 0 : i32
      %parallel_loop3A_100 = arith.constant 128 : i32
      %parallel_loop3A_101 = arith.constant 1 : i32
      scf.for %parallel_loop3A_203 = %parallel_loop3A_99 to %parallel_loop3A_100 step %parallel_loop3A_101  : i32 {
        %parallel_loop3A_204 = arith.constant 16 : i32
        %parallel_loop3A_205 = arith.muli %parallel_loop3A_203, %parallel_loop3A_204 : i32
        %parallel_loop3A_206 = arith.constant 0 : i32
        %parallel_loop3A_207 = arith.constant 1 : i32
        %parallel_loop3A_208 = arith.index_cast %parallel_loop3A_206 : i32 to index
        %parallel_loop3A_209 = arith.index_cast %parallel_loop3A_207 : i32 to index
        %parallel_loop3A_210 = arith.index_cast %parallel_loop3A_205 : i32 to index
        %parallel_loop3A_211 = tpu.vector_load %arg6[%parallel_loop3A_208, %parallel_loop3A_209, %parallel_loop3A_210] {strides = array<i32>} : memref<2x8x2048xf32, #tpu.memory_space<vmem>>, vector<16xf32>,
        %parallel_loop3A_212 = vector.bitcast %parallel_loop3A_211 : vector<16xf32> to vector<16xi32>
        %parallel_loop3A_213 = arith.constant 2147483647 : i32
        %parallel_loop3A_214 = vector.broadcast %parallel_loop3A_213 : i32 to vector<16xi32>
        %parallel_loop3A_215 = arith.andi %parallel_loop3A_212, %parallel_loop3A_214 : vector<16xi32>
        %parallel_loop3A_216 = arith.subi %parallel_loop3A_215, %get3A_6 : vector<16xi32>
        %parallel_loop3A_217 = vector.bitcast %parallel_loop3A_216 : vector<16xi32> to vector<16xi32>
        %parallel_loop3A_218 = arith.constant 32768 : i32
        %parallel_loop3A_219 = vector.broadcast %parallel_loop3A_218 : i32 to vector<16xi32>
        %parallel_loop3A_220 = arith.cmpi ult, %parallel_loop3A_217, %parallel_loop3A_219 : vector<16xi32>
        %parallel_loop3A_221 = arith.constant 32767 : i32
        %parallel_loop3A_222 = vector.broadcast %parallel_loop3A_221 : i32 to vector<16xi32>
        %parallel_loop3A_223 = arith.andi %parallel_loop3A_216, %parallel_loop3A_222 : vector<16xi32>
        tpu.vector_store_idx %arg5[%parallel_loop3A_223], %broadcast_in_dim3A_8 masked %parallel_loop3A_220 {add = true} : memref<32768xi32, #tpu.memory_space<vmem>>[vector<16xi32>], vector<16xi32>, vector<16xi1>
      } {sc.loop_unroll_factor = 8 : i64, sc.parallel_access}
      %parallel_loop3A_102 = arith.constant 0 : i32
      %parallel_loop3A_103 = arith.constant 128 : i32
      %parallel_loop3A_104 = arith.constant 1 : i32
      scf.for %parallel_loop3A_203 = %parallel_loop3A_102 to %parallel_loop3A_103 step %parallel_loop3A_104  : i32 {
        %parallel_loop3A_204 = arith.constant 16 : i32
        %parallel_loop3A_205 = arith.muli %parallel_loop3A_203, %parallel_loop3A_204 : i32
        %parallel_loop3A_206 = arith.constant 0 : i32
        %parallel_loop3A_207 = arith.constant 2 : i32
        %parallel_loop3A_208 = arith.index_cast %parallel_loop3A_206 : i32 to index
        %parallel_loop3A_209 = arith.index_cast %parallel_loop3A_207 : i32 to index
        %parallel_loop3A_210 = arith.index_cast %parallel_loop3A_205 : i32 to index
        %parallel_loop3A_211 = tpu.vector_load %arg6[%parallel_loop3A_208, %parallel_loop3A_209, %parallel_loop3A_210] {strides = array<i32>} : memref<2x8x2048xf32, #tpu.memory_space<vmem>>, vector<16xf32>,
        %parallel_loop3A_212 = vector.bitcast %parallel_loop3A_211 : vector<16xf32> to vector<16xi32>
        %parallel_loop3A_213 = arith.constant 2147483647 : i32
        %parallel_loop3A_214 = vector.broadcast %parallel_loop3A_213 : i32 to vector<16xi32>
        %parallel_loop3A_215 = arith.andi %parallel_loop3A_212, %parallel_loop3A_214 : vector<16xi32>
        %parallel_loop3A_216 = arith.subi %parallel_loop3A_215, %get3A_6 : vector<16xi32>
        %parallel_loop3A_217 = vector.bitcast %parallel_loop3A_216 : vector<16xi32> to vector<16xi32>
        %parallel_loop3A_218 = arith.constant 32768 : i32
        %parallel_loop3A_219 = vector.broadcast %parallel_loop3A_218 : i32 to vector<16xi32>
        %parallel_loop3A_220 = arith.cmpi ult, %parallel_loop3A_217, %parallel_loop3A_219 : vector<16xi32>
        %parallel_loop3A_221 = arith.constant 32767 : i32
        %parallel_loop3A_222 = vector.broadcast %parallel_loop3A_221 : i32 to vector<16xi32>
        %parallel_loop3A_223 = arith.andi %parallel_loop3A_216, %parallel_loop3A_222 : vector<16xi32>
        tpu.vector_store_idx %arg5[%parallel_loop3A_223], %broadcast_in_dim3A_8 masked %parallel_loop3A_220 {add = true} : memref<32768xi32, #tpu.memory_space<vmem>>[vector<16xi32>], vector<16xi32>, vector<16xi1>
      } {sc.loop_unroll_factor = 8 : i64, sc.parallel_access}
      %parallel_loop3A_105 = arith.constant 0 : i32
      %parallel_loop3A_106 = arith.constant 128 : i32
      %parallel_loop3A_107 = arith.constant 1 : i32
      scf.for %parallel_loop3A_203 = %parallel_loop3A_105 to %parallel_loop3A_106 step %parallel_loop3A_107  : i32 {
        %parallel_loop3A_204 = arith.constant 16 : i32
        %parallel_loop3A_205 = arith.muli %parallel_loop3A_203, %parallel_loop3A_204 : i32
        %parallel_loop3A_206 = arith.constant 0 : i32
        %parallel_loop3A_207 = arith.constant 3 : i32
        %parallel_loop3A_208 = arith.index_cast %parallel_loop3A_206 : i32 to index
        %parallel_loop3A_209 = arith.index_cast %parallel_loop3A_207 : i32 to index
        %parallel_loop3A_210 = arith.index_cast %parallel_loop3A_205 : i32 to index
        %parallel_loop3A_211 = tpu.vector_load %arg6[%parallel_loop3A_208, %parallel_loop3A_209, %parallel_loop3A_210] {strides = array<i32>} : memref<2x8x2048xf32, #tpu.memory_space<vmem>>, vector<16xf32>,
        %parallel_loop3A_212 = vector.bitcast %parallel_loop3A_211 : vector<16xf32> to vector<16xi32>
        %parallel_loop3A_213 = arith.constant 2147483647 : i32
        %parallel_loop3A_214 = vector.broadcast %parallel_loop3A_213 : i32 to vector<16xi32>
        %parallel_loop3A_215 = arith.andi %parallel_loop3A_212, %parallel_loop3A_214 : vector<16xi32>
        %parallel_loop3A_216 = arith.subi %parallel_loop3A_215, %get3A_6 : vector<16xi32>
        %parallel_loop3A_217 = vector.bitcast %parallel_loop3A_216 : vector<16xi32> to vector<16xi32>
        %parallel_loop3A_218 = arith.constant 32768 : i32
        %parallel_loop3A_219 = vector.broadcast %parallel_loop3A_218 : i32 to vector<16xi32>
        %parallel_loop3A_220 = arith.cmpi ult, %parallel_loop3A_217, %parallel_loop3A_219 : vector<16xi32>
        %parallel_loop3A_221 = arith.constant 32767 : i32
        %parallel_loop3A_222 = vector.broadcast %parallel_loop3A_221 : i32 to vector<16xi32>
        %parallel_loop3A_223 = arith.andi %parallel_loop3A_216, %parallel_loop3A_222 : vector<16xi32>
        tpu.vector_store_idx %arg5[%parallel_loop3A_223], %broadcast_in_dim3A_8 masked %parallel_loop3A_220 {add = true} : memref<32768xi32, #tpu.memory_space<vmem>>[vector<16xi32>], vector<16xi32>, vector<16xi1>
      } {sc.loop_unroll_factor = 8 : i64, sc.parallel_access}
      %parallel_loop3A_108 = arith.constant 0 : i32
      %parallel_loop3A_109 = arith.constant 128 : i32
      %parallel_loop3A_110 = arith.constant 1 : i32
      scf.for %parallel_loop3A_203 = %parallel_loop3A_108 to %parallel_loop3A_109 step %parallel_loop3A_110  : i32 {
        %parallel_loop3A_204 = arith.constant 16 : i32
        %parallel_loop3A_205 = arith.muli %parallel_loop3A_203, %parallel_loop3A_204 : i32
        %parallel_loop3A_206 = arith.constant 0 : i32
        %parallel_loop3A_207 = arith.constant 4 : i32
        %parallel_loop3A_208 = arith.index_cast %parallel_loop3A_206 : i32 to index
        %parallel_loop3A_209 = arith.index_cast %parallel_loop3A_207 : i32 to index
        %parallel_loop3A_210 = arith.index_cast %parallel_loop3A_205 : i32 to index
        %parallel_loop3A_211 = tpu.vector_load %arg6[%parallel_loop3A_208, %parallel_loop3A_209, %parallel_loop3A_210] {strides = array<i32>} : memref<2x8x2048xf32, #tpu.memory_space<vmem>>, vector<16xf32>,
        %parallel_loop3A_212 = vector.bitcast %parallel_loop3A_211 : vector<16xf32> to vector<16xi32>
        %parallel_loop3A_213 = arith.constant 2147483647 : i32
        %parallel_loop3A_214 = vector.broadcast %parallel_loop3A_213 : i32 to vector<16xi32>
        %parallel_loop3A_215 = arith.andi %parallel_loop3A_212, %parallel_loop3A_214 : vector<16xi32>
        %parallel_loop3A_216 = arith.subi %parallel_loop3A_215, %get3A_6 : vector<16xi32>
        %parallel_loop3A_217 = vector.bitcast %parallel_loop3A_216 : vector<16xi32> to vector<16xi32>
        %parallel_loop3A_218 = arith.constant 32768 : i32
        %parallel_loop3A_219 = vector.broadcast %parallel_loop3A_218 : i32 to vector<16xi32>
        %parallel_loop3A_220 = arith.cmpi ult, %parallel_loop3A_217, %parallel_loop3A_219 : vector<16xi32>
        %parallel_loop3A_221 = arith.constant 32767 : i32
        %parallel_loop3A_222 = vector.broadcast %parallel_loop3A_221 : i32 to vector<16xi32>
        %parallel_loop3A_223 = arith.andi %parallel_loop3A_216, %parallel_loop3A_222 : vector<16xi32>
        tpu.vector_store_idx %arg5[%parallel_loop3A_223], %broadcast_in_dim3A_8 masked %parallel_loop3A_220 {add = true} : memref<32768xi32, #tpu.memory_space<vmem>>[vector<16xi32>], vector<16xi32>, vector<16xi1>
      } {sc.loop_unroll_factor = 8 : i64, sc.parallel_access}
      %parallel_loop3A_111 = arith.constant 0 : i32
      %parallel_loop3A_112 = arith.constant 128 : i32
      %parallel_loop3A_113 = arith.constant 1 : i32
      scf.for %parallel_loop3A_203 = %parallel_loop3A_111 to %parallel_loop3A_112 step %parallel_loop3A_113  : i32 {
        %parallel_loop3A_204 = arith.constant 16 : i32
        %parallel_loop3A_205 = arith.muli %parallel_loop3A_203, %parallel_loop3A_204 : i32
        %parallel_loop3A_206 = arith.constant 0 : i32
        %parallel_loop3A_207 = arith.constant 5 : i32
        %parallel_loop3A_208 = arith.index_cast %parallel_loop3A_206 : i32 to index
        %parallel_loop3A_209 = arith.index_cast %parallel_loop3A_207 : i32 to index
        %parallel_loop3A_210 = arith.index_cast %parallel_loop3A_205 : i32 to index
        %parallel_loop3A_211 = tpu.vector_load %arg6[%parallel_loop3A_208, %parallel_loop3A_209, %parallel_loop3A_210] {strides = array<i32>} : memref<2x8x2048xf32, #tpu.memory_space<vmem>>, vector<16xf32>,
        %parallel_loop3A_212 = vector.bitcast %parallel_loop3A_211 : vector<16xf32> to vector<16xi32>
        %parallel_loop3A_213 = arith.constant 2147483647 : i32
        %parallel_loop3A_214 = vector.broadcast %parallel_loop3A_213 : i32 to vector<16xi32>
        %parallel_loop3A_215 = arith.andi %parallel_loop3A_212, %parallel_loop3A_214 : vector<16xi32>
        %parallel_loop3A_216 = arith.subi %parallel_loop3A_215, %get3A_6 : vector<16xi32>
        %parallel_loop3A_217 = vector.bitcast %parallel_loop3A_216 : vector<16xi32> to vector<16xi32>
        %parallel_loop3A_218 = arith.constant 32768 : i32
        %parallel_loop3A_219 = vector.broadcast %parallel_loop3A_218 : i32 to vector<16xi32>
        %parallel_loop3A_220 = arith.cmpi ult, %parallel_loop3A_217, %parallel_loop3A_219 : vector<16xi32>
        %parallel_loop3A_221 = arith.constant 32767 : i32
        %parallel_loop3A_222 = vector.broadcast %parallel_loop3A_221 : i32 to vector<16xi32>
        %parallel_loop3A_223 = arith.andi %parallel_loop3A_216, %parallel_loop3A_222 : vector<16xi32>
        tpu.vector_store_idx %arg5[%parallel_loop3A_223], %broadcast_in_dim3A_8 masked %parallel_loop3A_220 {add = true} : memref<32768xi32, #tpu.memory_space<vmem>>[vector<16xi32>], vector<16xi32>, vector<16xi1>
      } {sc.loop_unroll_factor = 8 : i64, sc.parallel_access}
      %parallel_loop3A_114 = arith.constant 0 : i32
      %parallel_loop3A_115 = arith.constant 128 : i32
      %parallel_loop3A_116 = arith.constant 1 : i32
      scf.for %parallel_loop3A_203 = %parallel_loop3A_114 to %parallel_loop3A_115 step %parallel_loop3A_116  : i32 {
        %parallel_loop3A_204 = arith.constant 16 : i32
        %parallel_loop3A_205 = arith.muli %parallel_loop3A_203, %parallel_loop3A_204 : i32
        %parallel_loop3A_206 = arith.constant 0 : i32
        %parallel_loop3A_207 = arith.constant 6 : i32
        %parallel_loop3A_208 = arith.index_cast %parallel_loop3A_206 : i32 to index
        %parallel_loop3A_209 = arith.index_cast %parallel_loop3A_207 : i32 to index
        %parallel_loop3A_210 = arith.index_cast %parallel_loop3A_205 : i32 to index
        %parallel_loop3A_211 = tpu.vector_load %arg6[%parallel_loop3A_208, %parallel_loop3A_209, %parallel_loop3A_210] {strides = array<i32>} : memref<2x8x2048xf32, #tpu.memory_space<vmem>>, vector<16xf32>,
        %parallel_loop3A_212 = vector.bitcast %parallel_loop3A_211 : vector<16xf32> to vector<16xi32>
        %parallel_loop3A_213 = arith.constant 2147483647 : i32
        %parallel_loop3A_214 = vector.broadcast %parallel_loop3A_213 : i32 to vector<16xi32>
        %parallel_loop3A_215 = arith.andi %parallel_loop3A_212, %parallel_loop3A_214 : vector<16xi32>
        %parallel_loop3A_216 = arith.subi %parallel_loop3A_215, %get3A_6 : vector<16xi32>
        %parallel_loop3A_217 = vector.bitcast %parallel_loop3A_216 : vector<16xi32> to vector<16xi32>
        %parallel_loop3A_218 = arith.constant 32768 : i32
        %parallel_loop3A_219 = vector.broadcast %parallel_loop3A_218 : i32 to vector<16xi32>
        %parallel_loop3A_220 = arith.cmpi ult, %parallel_loop3A_217, %parallel_loop3A_219 : vector<16xi32>
        %parallel_loop3A_221 = arith.constant 32767 : i32
        %parallel_loop3A_222 = vector.broadcast %parallel_loop3A_221 : i32 to vector<16xi32>
        %parallel_loop3A_223 = arith.andi %parallel_loop3A_216, %parallel_loop3A_222 : vector<16xi32>
        tpu.vector_store_idx %arg5[%parallel_loop3A_223], %broadcast_in_dim3A_8 masked %parallel_loop3A_220 {add = true} : memref<32768xi32, #tpu.memory_space<vmem>>[vector<16xi32>], vector<16xi32>, vector<16xi1>
      } {sc.loop_unroll_factor = 8 : i64, sc.parallel_access}
      %parallel_loop3A_117 = arith.constant 0 : i32
      %parallel_loop3A_118 = arith.constant 128 : i32
      %parallel_loop3A_119 = arith.constant 1 : i32
      scf.for %parallel_loop3A_203 = %parallel_loop3A_117 to %parallel_loop3A_118 step %parallel_loop3A_119  : i32 {
        %parallel_loop3A_204 = arith.constant 16 : i32
        %parallel_loop3A_205 = arith.muli %parallel_loop3A_203, %parallel_loop3A_204 : i32
        %parallel_loop3A_206 = arith.constant 0 : i32
        %parallel_loop3A_207 = arith.constant 7 : i32
        %parallel_loop3A_208 = arith.index_cast %parallel_loop3A_206 : i32 to index
        %parallel_loop3A_209 = arith.index_cast %parallel_loop3A_207 : i32 to index
        %parallel_loop3A_210 = arith.index_cast %parallel_loop3A_205 : i32 to index
        %parallel_loop3A_211 = tpu.vector_load %arg6[%parallel_loop3A_208, %parallel_loop3A_209, %parallel_loop3A_210] {strides = array<i32>} : memref<2x8x2048xf32, #tpu.memory_space<vmem>>, vector<16xf32>,
        %parallel_loop3A_212 = vector.bitcast %parallel_loop3A_211 : vector<16xf32> to vector<16xi32>
        %parallel_loop3A_213 = arith.constant 2147483647 : i32
        %parallel_loop3A_214 = vector.broadcast %parallel_loop3A_213 : i32 to vector<16xi32>
        %parallel_loop3A_215 = arith.andi %parallel_loop3A_212, %parallel_loop3A_214 : vector<16xi32>
        %parallel_loop3A_216 = arith.subi %parallel_loop3A_215, %get3A_6 : vector<16xi32>
        %parallel_loop3A_217 = vector.bitcast %parallel_loop3A_216 : vector<16xi32> to vector<16xi32>
        %parallel_loop3A_218 = arith.constant 32768 : i32
        %parallel_loop3A_219 = vector.broadcast %parallel_loop3A_218 : i32 to vector<16xi32>
        %parallel_loop3A_220 = arith.cmpi ult, %parallel_loop3A_217, %parallel_loop3A_219 : vector<16xi32>
        %parallel_loop3A_221 = arith.constant 32767 : i32
        %parallel_loop3A_222 = vector.broadcast %parallel_loop3A_221 : i32 to vector<16xi32>
        %parallel_loop3A_223 = arith.andi %parallel_loop3A_216, %parallel_loop3A_222 : vector<16xi32>
        tpu.vector_store_idx %arg5[%parallel_loop3A_223], %broadcast_in_dim3A_8 masked %parallel_loop3A_220 {add = true} : memref<32768xi32, #tpu.memory_space<vmem>>[vector<16xi32>], vector<16xi32>, vector<16xi1>
      } {sc.loop_unroll_factor = 8 : i64, sc.parallel_access}
      %add3A_120 = arith.constant 2 : i32
      %add3A_121 = arith.addi %add3A_79, %add3A_120 : i32
      %min3A = arith.constant 62 : i32
      %min3A_122 = arith.minsi %add3A_121, %min3A : i32
      %mul3A_123 = arith.constant 8 : i32
      %mul3A_124 = arith.muli %min3A_122, %mul3A_123 : i32
      %add3A_125 = arith.addi %mul3A_2, %mul3A_124 : i32
      %dma_start3A_126 = arith.constant 0 : i32
      %dma_start3A_127 = arith.constant 0 : i32
      %dma_start3A_128 = arith.constant 0 : i32
      %dma_start3A_129 = tpu.memref_slice %arg6[%dma_start3A_126, %dma_start3A_127, %dma_start3A_128] : memref<2x8x2048xf32, #tpu.memory_space<vmem>> -> memref<1x8x2048xf32, #tpu.memory_space<vmem>>
      %dma_start3A_130 = tpu.memref_squeeze %dma_start3A_129 : memref<1x8x2048xf32, #tpu.memory_space<vmem>> -> memref<8x2048xf32, #tpu.memory_space<vmem>>
      %dma_start3A_131 = arith.constant 0 : i32
      %dma_start3A_132 = tpu.memref_slice %arg2[%add3A_125, %dma_start3A_131] : memref<16384x2048xf32, #tpu.memory_space<hbm>> -> memref<8x2048xf32, #tpu.memory_space<hbm>>
      %dma_start3A_133 = arith.constant 0 : i32
      %dma_start3A_134 = arith.constant 0 : i32
      %dma_start3A_135 = tpu.memref_slice %arg6[%dma_start3A_126, %dma_start3A_133, %dma_start3A_134] : memref<2x8x2048xf32, #tpu.memory_space<vmem>> -> memref<1x8x2048xf32, #tpu.memory_space<vmem>>
      %dma_start3A_136 = tpu.memref_squeeze %dma_start3A_135 : memref<1x8x2048xf32, #tpu.memory_space<vmem>> -> memref<8x2048xf32, #tpu.memory_space<vmem>>
      %dma_start3A_137 = arith.constant 0 : i32
      %dma_start3A_138 = tpu.memref_slice %arg2[%add3A_125, %dma_start3A_137] : memref<16384x2048xf32, #tpu.memory_space<hbm>> -> memref<8x2048xf32, #tpu.memory_space<hbm>>
      tpu.enqueue_dma source(%dma_start3A_138 : memref<8x2048xf32, #tpu.memory_space<hbm>>) target(%dma_start3A_136 : memref<8x2048xf32, #tpu.memory_space<vmem>>) target_semaphore(%arg8 : memref<!tpu.dma_semaphore, #tpu.memory_space<semaphore_mem>>)
      %mul3A_139 = arith.constant 2 : i32
      %mul3A_140 = arith.muli %mul3A_139, %add3A_75 : i32
      %add3A_141 = arith.constant 1 : i32
      %add3A_142 = arith.addi %mul3A_140, %add3A_141 : i32
      %mul3A_143 = arith.constant 8 : i32
      %mul3A_144 = arith.muli %add3A_142, %mul3A_143 : i32
      %add3A_145 = arith.addi %mul3A_2, %mul3A_144 : i32
      %dma_wait3A_146 = arith.constant 1 : i32
      %dma_wait3A_147 = arith.constant 0 : i32
      %dma_wait3A_148 = arith.constant 0 : i32
      %dma_wait3A_149 = tpu.memref_slice %arg6[%dma_wait3A_146, %dma_wait3A_147, %dma_wait3A_148] : memref<2x8x2048xf32, #tpu.memory_space<vmem>> -> memref<1x8x2048xf32, #tpu.memory_space<vmem>>
      %dma_wait3A_150 = tpu.memref_squeeze %dma_wait3A_149 : memref<1x8x2048xf32, #tpu.memory_space<vmem>> -> memref<8x2048xf32, #tpu.memory_space<vmem>>
      %dma_wait3A_151 = arith.constant 0 : i32
      %dma_wait3A_152 = tpu.memref_slice %arg2[%add3A_145, %dma_wait3A_151] : memref<16384x2048xf32, #tpu.memory_space<hbm>> -> memref<8x2048xf32, #tpu.memory_space<hbm>>
      %dma_wait3A_153 = arith.constant 0 : i32
      %dma_wait3A_154 = arith.constant 0 : i32
      %dma_wait3A_155 = tpu.memref_slice %arg6[%dma_wait3A_146, %dma_wait3A_153, %dma_wait3A_154] : memref<2x8x2048xf32, #tpu.memory_space<vmem>> -> memref<1x8x2048xf32, #tpu.memory_space<vmem>>
      %dma_wait3A_156 = tpu.memref_squeeze %dma_wait3A_155 : memref<1x8x2048xf32, #tpu.memory_space<vmem>> -> memref<8x2048xf32, #tpu.memory_space<vmem>>
      %dma_wait3A_157 = arith.constant 0 : i32
      %dma_wait3A_158 = tpu.memref_slice %arg2[%add3A_145, %dma_wait3A_157] : memref<16384x2048xf32, #tpu.memory_space<hbm>> -> memref<8x2048xf32, #tpu.memory_space<hbm>>
      tpu.wait_dma2 semaphore(%arg9 : memref<!tpu.dma_semaphore, #tpu.memory_space<semaphore_mem>>) src(%dma_wait3A_158 : memref<8x2048xf32, #tpu.memory_space<hbm>>) dst(%dma_wait3A_156 : memref<8x2048xf32, #tpu.memory_space<vmem>>)
      %parallel_loop3A_159 = arith.constant 0 : i32
      %parallel_loop3A_160 = arith.constant 128 : i32
      %parallel_loop3A_161 = arith.constant 1 : i32
      scf.for %parallel_loop3A_203 = %parallel_loop3A_159 to %parallel_loop3A_160 step %parallel_loop3A_161  : i32 {
        %parallel_loop3A_204 = arith.constant 16 : i32
        %parallel_loop3A_205 = arith.muli %parallel_loop3A_203, %parallel_loop3A_204 : i32
        %parallel_loop3A_206 = arith.constant 1 : i32
        %parallel_loop3A_207 = arith.constant 0 : i32
        %parallel_loop3A_208 = arith.index_cast %parallel_loop3A_206 : i32 to index
        %parallel_loop3A_209 = arith.index_cast %parallel_loop3A_207 : i32 to index
        %parallel_loop3A_210 = arith.index_cast %parallel_loop3A_205 : i32 to index
        %parallel_loop3A_211 = tpu.vector_load %arg6[%parallel_loop3A_208, %parallel_loop3A_209, %parallel_loop3A_210] {strides = array<i32>} : memref<2x8x2048xf32, #tpu.memory_space<vmem>>, vector<16xf32>,
        %parallel_loop3A_212 = vector.bitcast %parallel_loop3A_211 : vector<16xf32> to vector<16xi32>
        %parallel_loop3A_213 = arith.constant 2147483647 : i32
        %parallel_loop3A_214 = vector.broadcast %parallel_loop3A_213 : i32 to vector<16xi32>
        %parallel_loop3A_215 = arith.andi %parallel_loop3A_212, %parallel_loop3A_214 : vector<16xi32>
        %parallel_loop3A_216 = arith.subi %parallel_loop3A_215, %get3A_6 : vector<16xi32>
        %parallel_loop3A_217 = vector.bitcast %parallel_loop3A_216 : vector<16xi32> to vector<16xi32>
        %parallel_loop3A_218 = arith.constant 32768 : i32
        %parallel_loop3A_219 = vector.broadcast %parallel_loop3A_218 : i32 to vector<16xi32>
        %parallel_loop3A_220 = arith.cmpi ult, %parallel_loop3A_217, %parallel_loop3A_219 : vector<16xi32>
        %parallel_loop3A_221 = arith.constant 32767 : i32
        %parallel_loop3A_222 = vector.broadcast %parallel_loop3A_221 : i32 to vector<16xi32>
        %parallel_loop3A_223 = arith.andi %parallel_loop3A_216, %parallel_loop3A_222 : vector<16xi32>
        tpu.vector_store_idx %arg5[%parallel_loop3A_223], %broadcast_in_dim3A_8 masked %parallel_loop3A_220 {add = true} : memref<32768xi32, #tpu.memory_space<vmem>>[vector<16xi32>], vector<16xi32>, vector<16xi1>
      } {sc.loop_unroll_factor = 8 : i64, sc.parallel_access}
      %parallel_loop3A_162 = arith.constant 0 : i32
      %parallel_loop3A_163 = arith.constant 128 : i32
      %parallel_loop3A_164 = arith.constant 1 : i32
      scf.for %parallel_loop3A_203 = %parallel_loop3A_162 to %parallel_loop3A_163 step %parallel_loop3A_164  : i32 {
        %parallel_loop3A_204 = arith.constant 16 : i32
        %parallel_loop3A_205 = arith.muli %parallel_loop3A_203, %parallel_loop3A_204 : i32
        %parallel_loop3A_206 = arith.constant 1 : i32
        %parallel_loop3A_207 = arith.constant 1 : i32
        %parallel_loop3A_208 = arith.index_cast %parallel_loop3A_206 : i32 to index
        %parallel_loop3A_209 = arith.index_cast %parallel_loop3A_207 : i32 to index
        %parallel_loop3A_210 = arith.index_cast %parallel_loop3A_205 : i32 to index
        %parallel_loop3A_211 = tpu.vector_load %arg6[%parallel_loop3A_208, %parallel_loop3A_209, %parallel_loop3A_210] {strides = array<i32>} : memref<2x8x2048xf32, #tpu.memory_space<vmem>>, vector<16xf32>,
        %parallel_loop3A_212 = vector.bitcast %parallel_loop3A_211 : vector<16xf32> to vector<16xi32>
        %parallel_loop3A_213 = arith.constant 2147483647 : i32
        %parallel_loop3A_214 = vector.broadcast %parallel_loop3A_213 : i32 to vector<16xi32>
        %parallel_loop3A_215 = arith.andi %parallel_loop3A_212, %parallel_loop3A_214 : vector<16xi32>
        %parallel_loop3A_216 = arith.subi %parallel_loop3A_215, %get3A_6 : vector<16xi32>
        %parallel_loop3A_217 = vector.bitcast %parallel_loop3A_216 : vector<16xi32> to vector<16xi32>
        %parallel_loop3A_218 = arith.constant 32768 : i32
        %parallel_loop3A_219 = vector.broadcast %parallel_loop3A_218 : i32 to vector<16xi32>
        %parallel_loop3A_220 = arith.cmpi ult, %parallel_loop3A_217, %parallel_loop3A_219 : vector<16xi32>
        %parallel_loop3A_221 = arith.constant 32767 : i32
        %parallel_loop3A_222 = vector.broadcast %parallel_loop3A_221 : i32 to vector<16xi32>
        %parallel_loop3A_223 = arith.andi %parallel_loop3A_216, %parallel_loop3A_222 : vector<16xi32>
        tpu.vector_store_idx %arg5[%parallel_loop3A_223], %broadcast_in_dim3A_8 masked %parallel_loop3A_220 {add = true} : memref<32768xi32, #tpu.memory_space<vmem>>[vector<16xi32>], vector<16xi32>, vector<16xi1>
      } {sc.loop_unroll_factor = 8 : i64, sc.parallel_access}
      %parallel_loop3A_165 = arith.constant 0 : i32
      %parallel_loop3A_166 = arith.constant 128 : i32
      %parallel_loop3A_167 = arith.constant 1 : i32
      scf.for %parallel_loop3A_203 = %parallel_loop3A_165 to %parallel_loop3A_166 step %parallel_loop3A_167  : i32 {
        %parallel_loop3A_204 = arith.constant 16 : i32
        %parallel_loop3A_205 = arith.muli %parallel_loop3A_203, %parallel_loop3A_204 : i32
        %parallel_loop3A_206 = arith.constant 1 : i32
        %parallel_loop3A_207 = arith.constant 2 : i32
        %parallel_loop3A_208 = arith.index_cast %parallel_loop3A_206 : i32 to index
        %parallel_loop3A_209 = arith.index_cast %parallel_loop3A_207 : i32 to index
        %parallel_loop3A_210 = arith.index_cast %parallel_loop3A_205 : i32 to index
        %parallel_loop3A_211 = tpu.vector_load %arg6[%parallel_loop3A_208, %parallel_loop3A_209, %parallel_loop3A_210] {strides = array<i32>} : memref<2x8x2048xf32, #tpu.memory_space<vmem>>, vector<16xf32>,
        %parallel_loop3A_212 = vector.bitcast %parallel_loop3A_211 : vector<16xf32> to vector<16xi32>
        %parallel_loop3A_213 = arith.constant 2147483647 : i32
        %parallel_loop3A_214 = vector.broadcast %parallel_loop3A_213 : i32 to vector<16xi32>
        %parallel_loop3A_215 = arith.andi %parallel_loop3A_212, %parallel_loop3A_214 : vector<16xi32>
        %parallel_loop3A_216 = arith.subi %parallel_loop3A_215, %get3A_6 : vector<16xi32>
        %parallel_loop3A_217 = vector.bitcast %parallel_loop3A_216 : vector<16xi32> to vector<16xi32>
        %parallel_loop3A_218 = arith.constant 32768 : i32
        %parallel_loop3A_219 = vector.broadcast %parallel_loop3A_218 : i32 to vector<16xi32>
        %parallel_loop3A_220 = arith.cmpi ult, %parallel_loop3A_217, %parallel_loop3A_219 : vector<16xi32>
        %parallel_loop3A_221 = arith.constant 32767 : i32
        %parallel_loop3A_222 = vector.broadcast %parallel_loop3A_221 : i32 to vector<16xi32>
        %parallel_loop3A_223 = arith.andi %parallel_loop3A_216, %parallel_loop3A_222 : vector<16xi32>
        tpu.vector_store_idx %arg5[%parallel_loop3A_223], %broadcast_in_dim3A_8 masked %parallel_loop3A_220 {add = true} : memref<32768xi32, #tpu.memory_space<vmem>>[vector<16xi32>], vector<16xi32>, vector<16xi1>
      } {sc.loop_unroll_factor = 8 : i64, sc.parallel_access}
      %parallel_loop3A_168 = arith.constant 0 : i32
      %parallel_loop3A_169 = arith.constant 128 : i32
      %parallel_loop3A_170 = arith.constant 1 : i32
      scf.for %parallel_loop3A_203 = %parallel_loop3A_168 to %parallel_loop3A_169 step %parallel_loop3A_170  : i32 {
        %parallel_loop3A_204 = arith.constant 16 : i32
        %parallel_loop3A_205 = arith.muli %parallel_loop3A_203, %parallel_loop3A_204 : i32
        %parallel_loop3A_206 = arith.constant 1 : i32
        %parallel_loop3A_207 = arith.constant 3 : i32
        %parallel_loop3A_208 = arith.index_cast %parallel_loop3A_206 : i32 to index
        %parallel_loop3A_209 = arith.index_cast %parallel_loop3A_207 : i32 to index
        %parallel_loop3A_210 = arith.index_cast %parallel_loop3A_205 : i32 to index
        %parallel_loop3A_211 = tpu.vector_load %arg6[%parallel_loop3A_208, %parallel_loop3A_209, %parallel_loop3A_210] {strides = array<i32>} : memref<2x8x2048xf32, #tpu.memory_space<vmem>>, vector<16xf32>,
        %parallel_loop3A_212 = vector.bitcast %parallel_loop3A_211 : vector<16xf32> to vector<16xi32>
        %parallel_loop3A_213 = arith.constant 2147483647 : i32
        %parallel_loop3A_214 = vector.broadcast %parallel_loop3A_213 : i32 to vector<16xi32>
        %parallel_loop3A_215 = arith.andi %parallel_loop3A_212, %parallel_loop3A_214 : vector<16xi32>
        %parallel_loop3A_216 = arith.subi %parallel_loop3A_215, %get3A_6 : vector<16xi32>
        %parallel_loop3A_217 = vector.bitcast %parallel_loop3A_216 : vector<16xi32> to vector<16xi32>
        %parallel_loop3A_218 = arith.constant 32768 : i32
        %parallel_loop3A_219 = vector.broadcast %parallel_loop3A_218 : i32 to vector<16xi32>
        %parallel_loop3A_220 = arith.cmpi ult, %parallel_loop3A_217, %parallel_loop3A_219 : vector<16xi32>
        %parallel_loop3A_221 = arith.constant 32767 : i32
        %parallel_loop3A_222 = vector.broadcast %parallel_loop3A_221 : i32 to vector<16xi32>
        %parallel_loop3A_223 = arith.andi %parallel_loop3A_216, %parallel_loop3A_222 : vector<16xi32>
        tpu.vector_store_idx %arg5[%parallel_loop3A_223], %broadcast_in_dim3A_8 masked %parallel_loop3A_220 {add = true} : memref<32768xi32, #tpu.memory_space<vmem>>[vector<16xi32>], vector<16xi32>, vector<16xi1>
      } {sc.loop_unroll_factor = 8 : i64, sc.parallel_access}
      %parallel_loop3A_171 = arith.constant 0 : i32
      %parallel_loop3A_172 = arith.constant 128 : i32
      %parallel_loop3A_173 = arith.constant 1 : i32
      scf.for %parallel_loop3A_203 = %parallel_loop3A_171 to %parallel_loop3A_172 step %parallel_loop3A_173  : i32 {
        %parallel_loop3A_204 = arith.constant 16 : i32
        %parallel_loop3A_205 = arith.muli %parallel_loop3A_203, %parallel_loop3A_204 : i32
        %parallel_loop3A_206 = arith.constant 1 : i32
        %parallel_loop3A_207 = arith.constant 4 : i32
        %parallel_loop3A_208 = arith.index_cast %parallel_loop3A_206 : i32 to index
        %parallel_loop3A_209 = arith.index_cast %parallel_loop3A_207 : i32 to index
        %parallel_loop3A_210 = arith.index_cast %parallel_loop3A_205 : i32 to index
        %parallel_loop3A_211 = tpu.vector_load %arg6[%parallel_loop3A_208, %parallel_loop3A_209, %parallel_loop3A_210] {strides = array<i32>} : memref<2x8x2048xf32, #tpu.memory_space<vmem>>, vector<16xf32>,
        %parallel_loop3A_212 = vector.bitcast %parallel_loop3A_211 : vector<16xf32> to vector<16xi32>
        %parallel_loop3A_213 = arith.constant 2147483647 : i32
        %parallel_loop3A_214 = vector.broadcast %parallel_loop3A_213 : i32 to vector<16xi32>
        %parallel_loop3A_215 = arith.andi %parallel_loop3A_212, %parallel_loop3A_214 : vector<16xi32>
        %parallel_loop3A_216 = arith.subi %parallel_loop3A_215, %get3A_6 : vector<16xi32>
        %parallel_loop3A_217 = vector.bitcast %parallel_loop3A_216 : vector<16xi32> to vector<16xi32>
        %parallel_loop3A_218 = arith.constant 32768 : i32
        %parallel_loop3A_219 = vector.broadcast %parallel_loop3A_218 : i32 to vector<16xi32>
        %parallel_loop3A_220 = arith.cmpi ult, %parallel_loop3A_217, %parallel_loop3A_219 : vector<16xi32>
        %parallel_loop3A_221 = arith.constant 32767 : i32
        %parallel_loop3A_222 = vector.broadcast %parallel_loop3A_221 : i32 to vector<16xi32>
        %parallel_loop3A_223 = arith.andi %parallel_loop3A_216, %parallel_loop3A_222 : vector<16xi32>
        tpu.vector_store_idx %arg5[%parallel_loop3A_223], %broadcast_in_dim3A_8 masked %parallel_loop3A_220 {add = true} : memref<32768xi32, #tpu.memory_space<vmem>>[vector<16xi32>], vector<16xi32>, vector<16xi1>
      } {sc.loop_unroll_factor = 8 : i64, sc.parallel_access}
      %parallel_loop3A_174 = arith.constant 0 : i32
      %parallel_loop3A_175 = arith.constant 128 : i32
      %parallel_loop3A_176 = arith.constant 1 : i32
      scf.for %parallel_loop3A_203 = %parallel_loop3A_174 to %parallel_loop3A_175 step %parallel_loop3A_176  : i32 {
        %parallel_loop3A_204 = arith.constant 16 : i32
        %parallel_loop3A_205 = arith.muli %parallel_loop3A_203, %parallel_loop3A_204 : i32
        %parallel_loop3A_206 = arith.constant 1 : i32
        %parallel_loop3A_207 = arith.constant 5 : i32
        %parallel_loop3A_208 = arith.index_cast %parallel_loop3A_206 : i32 to index
        %parallel_loop3A_209 = arith.index_cast %parallel_loop3A_207 : i32 to index
        %parallel_loop3A_210 = arith.index_cast %parallel_loop3A_205 : i32 to index
        %parallel_loop3A_211 = tpu.vector_load %arg6[%parallel_loop3A_208, %parallel_loop3A_209, %parallel_loop3A_210] {strides = array<i32>} : memref<2x8x2048xf32, #tpu.memory_space<vmem>>, vector<16xf32>,
        %parallel_loop3A_212 = vector.bitcast %parallel_loop3A_211 : vector<16xf32> to vector<16xi32>
        %parallel_loop3A_213 = arith.constant 2147483647 : i32
        %parallel_loop3A_214 = vector.broadcast %parallel_loop3A_213 : i32 to vector<16xi32>
        %parallel_loop3A_215 = arith.andi %parallel_loop3A_212, %parallel_loop3A_214 : vector<16xi32>
        %parallel_loop3A_216 = arith.subi %parallel_loop3A_215, %get3A_6 : vector<16xi32>
        %parallel_loop3A_217 = vector.bitcast %parallel_loop3A_216 : vector<16xi32> to vector<16xi32>
        %parallel_loop3A_218 = arith.constant 32768 : i32
        %parallel_loop3A_219 = vector.broadcast %parallel_loop3A_218 : i32 to vector<16xi32>
        %parallel_loop3A_220 = arith.cmpi ult, %parallel_loop3A_217, %parallel_loop3A_219 : vector<16xi32>
        %parallel_loop3A_221 = arith.constant 32767 : i32
        %parallel_loop3A_222 = vector.broadcast %parallel_loop3A_221 : i32 to vector<16xi32>
        %parallel_loop3A_223 = arith.andi %parallel_loop3A_216, %parallel_loop3A_222 : vector<16xi32>
        tpu.vector_store_idx %arg5[%parallel_loop3A_223], %broadcast_in_dim3A_8 masked %parallel_loop3A_220 {add = true} : memref<32768xi32, #tpu.memory_space<vmem>>[vector<16xi32>], vector<16xi32>, vector<16xi1>
      } {sc.loop_unroll_factor = 8 : i64, sc.parallel_access}
      %parallel_loop3A_177 = arith.constant 0 : i32
      %parallel_loop3A_178 = arith.constant 128 : i32
      %parallel_loop3A_179 = arith.constant 1 : i32
      scf.for %parallel_loop3A_203 = %parallel_loop3A_177 to %parallel_loop3A_178 step %parallel_loop3A_179  : i32 {
        %parallel_loop3A_204 = arith.constant 16 : i32
        %parallel_loop3A_205 = arith.muli %parallel_loop3A_203, %parallel_loop3A_204 : i32
        %parallel_loop3A_206 = arith.constant 1 : i32
        %parallel_loop3A_207 = arith.constant 6 : i32
        %parallel_loop3A_208 = arith.index_cast %parallel_loop3A_206 : i32 to index
        %parallel_loop3A_209 = arith.index_cast %parallel_loop3A_207 : i32 to index
        %parallel_loop3A_210 = arith.index_cast %parallel_loop3A_205 : i32 to index
        %parallel_loop3A_211 = tpu.vector_load %arg6[%parallel_loop3A_208, %parallel_loop3A_209, %parallel_loop3A_210] {strides = array<i32>} : memref<2x8x2048xf32, #tpu.memory_space<vmem>>, vector<16xf32>,
        %parallel_loop3A_212 = vector.bitcast %parallel_loop3A_211 : vector<16xf32> to vector<16xi32>
        %parallel_loop3A_213 = arith.constant 2147483647 : i32
        %parallel_loop3A_214 = vector.broadcast %parallel_loop3A_213 : i32 to vector<16xi32>
        %parallel_loop3A_215 = arith.andi %parallel_loop3A_212, %parallel_loop3A_214 : vector<16xi32>
        %parallel_loop3A_216 = arith.subi %parallel_loop3A_215, %get3A_6 : vector<16xi32>
        %parallel_loop3A_217 = vector.bitcast %parallel_loop3A_216 : vector<16xi32> to vector<16xi32>
        %parallel_loop3A_218 = arith.constant 32768 : i32
        %parallel_loop3A_219 = vector.broadcast %parallel_loop3A_218 : i32 to vector<16xi32>
        %parallel_loop3A_220 = arith.cmpi ult, %parallel_loop3A_217, %parallel_loop3A_219 : vector<16xi32>
        %parallel_loop3A_221 = arith.constant 32767 : i32
        %parallel_loop3A_222 = vector.broadcast %parallel_loop3A_221 : i32 to vector<16xi32>
        %parallel_loop3A_223 = arith.andi %parallel_loop3A_216, %parallel_loop3A_222 : vector<16xi32>
        tpu.vector_store_idx %arg5[%parallel_loop3A_223], %broadcast_in_dim3A_8 masked %parallel_loop3A_220 {add = true} : memref<32768xi32, #tpu.memory_space<vmem>>[vector<16xi32>], vector<16xi32>, vector<16xi1>
      } {sc.loop_unroll_factor = 8 : i64, sc.parallel_access}
      %parallel_loop3A_180 = arith.constant 0 : i32
      %parallel_loop3A_181 = arith.constant 128 : i32
      %parallel_loop3A_182 = arith.constant 1 : i32
      scf.for %parallel_loop3A_203 = %parallel_loop3A_180 to %parallel_loop3A_181 step %parallel_loop3A_182  : i32 {
        %parallel_loop3A_204 = arith.constant 16 : i32
        %parallel_loop3A_205 = arith.muli %parallel_loop3A_203, %parallel_loop3A_204 : i32
        %parallel_loop3A_206 = arith.constant 1 : i32
        %parallel_loop3A_207 = arith.constant 7 : i32
        %parallel_loop3A_208 = arith.index_cast %parallel_loop3A_206 : i32 to index
        %parallel_loop3A_209 = arith.index_cast %parallel_loop3A_207 : i32 to index
        %parallel_loop3A_210 = arith.index_cast %parallel_loop3A_205 : i32 to index
        %parallel_loop3A_211 = tpu.vector_load %arg6[%parallel_loop3A_208, %parallel_loop3A_209, %parallel_loop3A_210] {strides = array<i32>} : memref<2x8x2048xf32, #tpu.memory_space<vmem>>, vector<16xf32>,
        %parallel_loop3A_212 = vector.bitcast %parallel_loop3A_211 : vector<16xf32> to vector<16xi32>
        %parallel_loop3A_213 = arith.constant 2147483647 : i32
        %parallel_loop3A_214 = vector.broadcast %parallel_loop3A_213 : i32 to vector<16xi32>
        %parallel_loop3A_215 = arith.andi %parallel_loop3A_212, %parallel_loop3A_214 : vector<16xi32>
        %parallel_loop3A_216 = arith.subi %parallel_loop3A_215, %get3A_6 : vector<16xi32>
        %parallel_loop3A_217 = vector.bitcast %parallel_loop3A_216 : vector<16xi32> to vector<16xi32>
        %parallel_loop3A_218 = arith.constant 32768 : i32
        %parallel_loop3A_219 = vector.broadcast %parallel_loop3A_218 : i32 to vector<16xi32>
        %parallel_loop3A_220 = arith.cmpi ult, %parallel_loop3A_217, %parallel_loop3A_219 : vector<16xi32>
        %parallel_loop3A_221 = arith.constant 32767 : i32
        %parallel_loop3A_222 = vector.broadcast %parallel_loop3A_221 : i32 to vector<16xi32>
        %parallel_loop3A_223 = arith.andi %parallel_loop3A_216, %parallel_loop3A_222 : vector<16xi32>
        tpu.vector_store_idx %arg5[%parallel_loop3A_223], %broadcast_in_dim3A_8 masked %parallel_loop3A_220 {add = true} : memref<32768xi32, #tpu.memory_space<vmem>>[vector<16xi32>], vector<16xi32>, vector<16xi1>
      } {sc.loop_unroll_factor = 8 : i64, sc.parallel_access}
      %add3A_183 = arith.constant 2 : i32
      %add3A_184 = arith.addi %add3A_142, %add3A_183 : i32
      %min3A_185 = arith.constant 63 : i32
      %min3A_186 = arith.minsi %add3A_184, %min3A_185 : i32
      %mul3A_187 = arith.constant 8 : i32
      %mul3A_188 = arith.muli %min3A_186, %mul3A_187 : i32
      %add3A_189 = arith.addi %mul3A_2, %mul3A_188 : i32
      %dma_start3A_190 = arith.constant 1 : i32
      %dma_start3A_191 = arith.constant 0 : i32
      %dma_start3A_192 = arith.constant 0 : i32
      %dma_start3A_193 = tpu.memref_slice %arg6[%dma_start3A_190, %dma_start3A_191, %dma_start3A_192] : memref<2x8x2048xf32, #tpu.memory_space<vmem>> -> memref<1x8x2048xf32, #tpu.memory_space<vmem>>
      %dma_start3A_194 = tpu.memref_squeeze %dma_start3A_193 : memref<1x8x2048xf32, #tpu.memory_space<vmem>> -> memref<8x2048xf32, #tpu.memory_space<vmem>>
      %dma_start3A_195 = arith.constant 0 : i32
      %dma_start3A_196 = tpu.memref_slice %arg2[%add3A_189, %dma_start3A_195] : memref<16384x2048xf32, #tpu.memory_space<hbm>> -> memref<8x2048xf32, #tpu.memory_space<hbm>>
      %dma_start3A_197 = arith.constant 0 : i32
      %dma_start3A_198 = arith.constant 0 : i32
      %dma_start3A_199 = tpu.memref_slice %arg6[%dma_start3A_190, %dma_start3A_197, %dma_start3A_198] : memref<2x8x2048xf32, #tpu.memory_space<vmem>> -> memref<1x8x2048xf32, #tpu.memory_space<vmem>>
      %dma_start3A_200 = tpu.memref_squeeze %dma_start3A_199 : memref<1x8x2048xf32, #tpu.memory_space<vmem>> -> memref<8x2048xf32, #tpu.memory_space<vmem>>
      %dma_start3A_201 = arith.constant 0 : i32
      %dma_start3A_202 = tpu.memref_slice %arg2[%add3A_189, %dma_start3A_201] : memref<16384x2048xf32, #tpu.memory_space<hbm>> -> memref<8x2048xf32, #tpu.memory_space<hbm>>
      tpu.enqueue_dma source(%dma_start3A_202 : memref<8x2048xf32, #tpu.memory_space<hbm>>) target(%dma_start3A_200 : memref<8x2048xf32, #tpu.memory_space<vmem>>) target_semaphore(%arg9 : memref<!tpu.dma_semaphore, #tpu.memory_space<semaphore_mem>>)
    }
    %scan3A_41 = arith.constant 32 : i32
    %add3A_42 = arith.constant 496 : i32
    %add3A_43 = arith.addi %mul3A_2, %add3A_42 : i32
    %dma_wait3A = arith.constant 0 : i32
    %dma_wait3A_44 = arith.constant 0 : i32
    %dma_wait3A_45 = arith.constant 0 : i32
    %dma_wait3A_46 = tpu.memref_slice %arg6[%dma_wait3A, %dma_wait3A_44, %dma_wait3A_45] : memref<2x8x2048xf32, #tpu.memory_space<vmem>> -> memref<1x8x2048xf32, #tpu.memory_space<vmem>>
    %dma_wait3A_47 = tpu.memref_squeeze %dma_wait3A_46 : memref<1x8x2048xf32, #tpu.memory_space<vmem>> -> memref<8x2048xf32, #tpu.memory_space<vmem>>
    %dma_wait3A_48 = arith.constant 0 : i32
    %dma_wait3A_49 = tpu.memref_slice %arg2[%add3A_43, %dma_wait3A_48] : memref<16384x2048xf32, #tpu.memory_space<hbm>> -> memref<8x2048xf32, #tpu.memory_space<hbm>>
    %dma_wait3A_50 = arith.constant 0 : i32
    %dma_wait3A_51 = arith.constant 0 : i32
    %dma_wait3A_52 = tpu.memref_slice %arg6[%dma_wait3A, %dma_wait3A_50, %dma_wait3A_51] : memref<2x8x2048xf32, #tpu.memory_space<vmem>> -> memref<1x8x2048xf32, #tpu.memory_space<vmem>>
    %dma_wait3A_53 = tpu.memref_squeeze %dma_wait3A_52 : memref<1x8x2048xf32, #tpu.memory_space<vmem>> -> memref<8x2048xf32, #tpu.memory_space<vmem>>
    %dma_wait3A_54 = arith.constant 0 : i32
    %dma_wait3A_55 = tpu.memref_slice %arg2[%add3A_43, %dma_wait3A_54] : memref<16384x2048xf32, #tpu.memory_space<hbm>> -> memref<8x2048xf32, #tpu.memory_space<hbm>>
    tpu.wait_dma2 semaphore(%arg8 : memref<!tpu.dma_semaphore, #tpu.memory_space<semaphore_mem>>) src(%dma_wait3A_55 : memref<8x2048xf32, #tpu.memory_space<hbm>>) dst(%dma_wait3A_53 : memref<8x2048xf32, #tpu.memory_space<vmem>>)
    %add3A_56 = arith.constant 504 : i32
    %add3A_57 = arith.addi %mul3A_2, %add3A_56 : i32
    %dma_wait3A_58 = arith.constant 1 : i32
    %dma_wait3A_59 = arith.constant 0 : i32
    %dma_wait3A_60 = arith.constant 0 : i32
    %dma_wait3A_61 = tpu.memref_slice %arg6[%dma_wait3A_58, %dma_wait3A_59, %dma_wait3A_60] : memref<2x8x2048xf32, #tpu.memory_space<vmem>> -> memref<1x8x2048xf32, #tpu.memory_space<vmem>>
    %dma_wait3A_62 = tpu.memref_squeeze %dma_wait3A_61 : memref<1x8x2048xf32, #tpu.memory_space<vmem>> -> memref<8x2048xf32, #tpu.memory_space<vmem>>
    %dma_wait3A_63 = arith.constant 0 : i32
    %dma_wait3A_64 = tpu.memref_slice %arg2[%add3A_57, %dma_wait3A_63] : memref<16384x2048xf32, #tpu.memory_space<hbm>> -> memref<8x2048xf32, #tpu.memory_space<hbm>>
    %dma_wait3A_65 = arith.constant 0 : i32
    %dma_wait3A_66 = arith.constant 0 : i32
    %dma_wait3A_67 = tpu.memref_slice %arg6[%dma_wait3A_58, %dma_wait3A_65, %dma_wait3A_66] : memref<2x8x2048xf32, #tpu.memory_space<vmem>> -> memref<1x8x2048xf32, #tpu.memory_space<vmem>>
    %dma_wait3A_68 = tpu.memref_squeeze %dma_wait3A_67 : memref<1x8x2048xf32, #tpu.memory_space<vmem>> -> memref<8x2048xf32, #tpu.memory_space<vmem>>
    %dma_wait3A_69 = arith.constant 0 : i32
    %dma_wait3A_70 = tpu.memref_slice %arg2[%add3A_57, %dma_wait3A_69] : memref<16384x2048xf32, #tpu.memory_space<hbm>> -> memref<8x2048xf32, #tpu.memory_space<hbm>>
    tpu.wait_dma2 semaphore(%arg9 : memref<!tpu.dma_semaphore, #tpu.memory_space<semaphore_mem>>) src(%dma_wait3A_70 : memref<8x2048xf32, #tpu.memory_space<hbm>>) dst(%dma_wait3A_68 : memref<8x2048xf32, #tpu.memory_space<vmem>>)
    "tpu.region"() ({
      %run_scoped3A = tpu.sem_alloc : memref<!tpu.dma_semaphore, #tpu.memory_space<semaphore_mem>>
      %dma_start3A_71 = arith.constant 0 : i32
      %dma_start3A_72 = tpu.memref_slice %arg4[%add3A, %dma_start3A_71] : memref<32x32768xi32, #tpu.memory_space<hbm>> -> memref<1x32768xi32, #tpu.memory_space<hbm>>
      %dma_start3A_73 = tpu.memref_squeeze %dma_start3A_72 : memref<1x32768xi32, #tpu.memory_space<hbm>> -> memref<32768xi32, #tpu.memory_space<hbm>>
      %dma_start3A_74 = arith.constant 0 : i32
      %dma_start3A_75 = tpu.memref_slice %arg4[%add3A, %dma_start3A_74] : memref<32x32768xi32, #tpu.memory_space<hbm>> -> memref<1x32768xi32, #tpu.memory_space<hbm>>
      %dma_start3A_76 = tpu.memref_squeeze %dma_start3A_75 : memref<1x32768xi32, #tpu.memory_space<hbm>> -> memref<32768xi32, #tpu.memory_space<hbm>>
      tpu.enqueue_dma source(%arg5 : memref<32768xi32, #tpu.memory_space<vmem>>) target(%dma_start3A_76 : memref<32768xi32, #tpu.memory_space<hbm>>) target_semaphore(%run_scoped3A : memref<!tpu.dma_semaphore, #tpu.memory_space<semaphore_mem>>)
      %dma_wait3A_77 = arith.constant 0 : i32
      %dma_wait3A_78 = tpu.memref_slice %arg4[%add3A, %dma_wait3A_77] : memref<32x32768xi32, #tpu.memory_space<hbm>> -> memref<1x32768xi32, #tpu.memory_space<hbm>>
      %dma_wait3A_79 = tpu.memref_squeeze %dma_wait3A_78 : memref<1x32768xi32, #tpu.memory_space<hbm>> -> memref<32768xi32, #tpu.memory_space<hbm>>
      %dma_wait3A_80 = arith.constant 0 : i32
      %dma_wait3A_81 = tpu.memref_slice %arg4[%add3A, %dma_wait3A_80] : memref<32x32768xi32, #tpu.memory_space<hbm>> -> memref<1x32768xi32, #tpu.memory_space<hbm>>
      %dma_wait3A_82 = tpu.memref_squeeze %dma_wait3A_81 : memref<1x32768xi32, #tpu.memory_space<hbm>> -> memref<32768xi32, #tpu.memory_space<hbm>>
      tpu.wait_dma2 semaphore(%run_scoped3A : memref<!tpu.dma_semaphore, #tpu.memory_space<semaphore_mem>>) src(%arg5 : memref<32768xi32, #tpu.memory_space<vmem>>) dst(%dma_wait3A_82 : memref<32768xi32, #tpu.memory_space<hbm>>)
      tpu.yield
    }) : () -> ()
    return
  }
}

#map = affine_map<(d0, d1) -> (0, 0)>
module attributes {stable_mosaic.version = 14 : i64} {
  func.func @_hist1(%arg0: i32, %arg1: i32, %arg2: memref<16384x2048xf32, #tpu.memory_space<hbm>>, %arg3: memref<32x65544xi32, #tpu.memory_space<hbm>>, %arg4: memref<65544xi32, #tpu.memory_space<vmem>>, %arg5: memref<2x8x2048xf32, #tpu.memory_space<vmem>>, %arg6: memref<!tpu.dma_semaphore, #tpu.memory_space<semaphore_mem>>, %arg7: memref<!tpu.dma_semaphore, #tpu.memory_space<semaphore_mem>>) attributes {dimension_semantics = [#tpu.dimension_semantics<core_parallel>, #tpu.dimension_semantics<subcore_parallel>], iteration_bounds = array<i64: 2, 16>, scalar_prefetch = 0 : i64, scratch_operands = 4 : i64, tpu.core_type = #tpu.core_type<sc_vector_subcore>, window_params = [{transform_indices = #map}, {transform_indices = #map}]} {
    %mul3A = arith.constant 2 : i32
    %mul3A_0 = arith.muli %arg1, %mul3A : i32
    %add3A = arith.addi %mul3A_0, %arg0 : i32
    %mul3A_1 = arith.constant 512 : i32
    %mul3A_2 = arith.muli %add3A, %mul3A_1 : i32
    %broadcast_in_dim3A = arith.constant 0 : i32
    %broadcast_in_dim3A_3 = vector.broadcast %broadcast_in_dim3A : i32 to vector<16xi32>
    %parallel_loop3A = arith.constant 0 : i32
    %parallel_loop3A_4 = arith.constant 4096 : i32
    %parallel_loop3A_5 = arith.constant 1 : i32
    scf.for %parallel_loop3A_70 = %parallel_loop3A to %parallel_loop3A_4 step %parallel_loop3A_5  : i32 {
      %parallel_loop3A_71 = arith.constant 16 : i32
      %parallel_loop3A_72 = arith.muli %parallel_loop3A_70, %parallel_loop3A_71 : i32
      %parallel_loop3A_73 = arith.index_cast %parallel_loop3A_72 : i32 to index
      %parallel_loop3A_74 = tpu.vector_load %arg4[%parallel_loop3A_73] {strides = array<i32>} : memref<65544xi32, #tpu.memory_space<vmem>>, vector<16xi32>,
      tpu.vector_store %arg4[%parallel_loop3A_73], %broadcast_in_dim3A_3 {strides = array<i32>} : memref<65544xi32, #tpu.memory_space<vmem>>, vector<16xi32>,
    } {sc.loop_unroll_factor = 8 : i64, sc.parallel_access}
    %broadcast_in_dim3A_6 = arith.constant 1 : i32
    %broadcast_in_dim3A_7 = vector.broadcast %broadcast_in_dim3A_6 : i32 to vector<16xi32>
    %add3A_8 = arith.constant 0 : i32
    %add3A_9 = arith.addi %mul3A_2, %add3A_8 : i32
    %dma_start3A = arith.constant 0 : i32
    %dma_start3A_10 = arith.constant 0 : i32
    %dma_start3A_11 = arith.constant 0 : i32
    %dma_start3A_12 = tpu.memref_slice %arg5[%dma_start3A, %dma_start3A_10, %dma_start3A_11] : memref<2x8x2048xf32, #tpu.memory_space<vmem>> -> memref<1x8x2048xf32, #tpu.memory_space<vmem>>
    %dma_start3A_13 = tpu.memref_squeeze %dma_start3A_12 : memref<1x8x2048xf32, #tpu.memory_space<vmem>> -> memref<8x2048xf32, #tpu.memory_space<vmem>>
    %dma_start3A_14 = arith.constant 0 : i32
    %dma_start3A_15 = tpu.memref_slice %arg2[%add3A_9, %dma_start3A_14] : memref<16384x2048xf32, #tpu.memory_space<hbm>> -> memref<8x2048xf32, #tpu.memory_space<hbm>>
    %dma_start3A_16 = arith.constant 0 : i32
    %dma_start3A_17 = arith.constant 0 : i32
    %dma_start3A_18 = tpu.memref_slice %arg5[%dma_start3A, %dma_start3A_16, %dma_start3A_17] : memref<2x8x2048xf32, #tpu.memory_space<vmem>> -> memref<1x8x2048xf32, #tpu.memory_space<vmem>>
    %dma_start3A_19 = tpu.memref_squeeze %dma_start3A_18 : memref<1x8x2048xf32, #tpu.memory_space<vmem>> -> memref<8x2048xf32, #tpu.memory_space<vmem>>
    %dma_start3A_20 = arith.constant 0 : i32
    %dma_start3A_21 = tpu.memref_slice %arg2[%add3A_9, %dma_start3A_20] : memref<16384x2048xf32, #tpu.memory_space<hbm>> -> memref<8x2048xf32, #tpu.memory_space<hbm>>
    tpu.enqueue_dma source(%dma_start3A_21 : memref<8x2048xf32, #tpu.memory_space<hbm>>) target(%dma_start3A_19 : memref<8x2048xf32, #tpu.memory_space<vmem>>) target_semaphore(%arg6 : memref<!tpu.dma_semaphore, #tpu.memory_space<semaphore_mem>>)
    %add3A_22 = arith.constant 8 : i32
    %add3A_23 = arith.addi %mul3A_2, %add3A_22 : i32
    %dma_start3A_24 = arith.constant 1 : i32
    %dma_start3A_25 = arith.constant 0 : i32
    %dma_start3A_26 = arith.constant 0 : i32
    %dma_start3A_27 = tpu.memref_slice %arg5[%dma_start3A_24, %dma_start3A_25, %dma_start3A_26] : memref<2x8x2048xf32, #tpu.memory_space<vmem>> -> memref<1x8x2048xf32, #tpu.memory_space<vmem>>
    %dma_start3A_28 = tpu.memref_squeeze %dma_start3A_27 : memref<1x8x2048xf32, #tpu.memory_space<vmem>> -> memref<8x2048xf32, #tpu.memory_space<vmem>>
    %dma_start3A_29 = arith.constant 0 : i32
    %dma_start3A_30 = tpu.memref_slice %arg2[%add3A_23, %dma_start3A_29] : memref<16384x2048xf32, #tpu.memory_space<hbm>> -> memref<8x2048xf32, #tpu.memory_space<hbm>>
    %dma_start3A_31 = arith.constant 0 : i32
    %dma_start3A_32 = arith.constant 0 : i32
    %dma_start3A_33 = tpu.memref_slice %arg5[%dma_start3A_24, %dma_start3A_31, %dma_start3A_32] : memref<2x8x2048xf32, #tpu.memory_space<vmem>> -> memref<1x8x2048xf32, #tpu.memory_space<vmem>>
    %dma_start3A_34 = tpu.memref_squeeze %dma_start3A_33 : memref<1x8x2048xf32, #tpu.memory_space<vmem>> -> memref<8x2048xf32, #tpu.memory_space<vmem>>
    %dma_start3A_35 = arith.constant 0 : i32
    %dma_start3A_36 = tpu.memref_slice %arg2[%add3A_23, %dma_start3A_35] : memref<16384x2048xf32, #tpu.memory_space<hbm>> -> memref<8x2048xf32, #tpu.memory_space<hbm>>
    tpu.enqueue_dma source(%dma_start3A_36 : memref<8x2048xf32, #tpu.memory_space<hbm>>) target(%dma_start3A_34 : memref<8x2048xf32, #tpu.memory_space<vmem>>) target_semaphore(%arg7 : memref<!tpu.dma_semaphore, #tpu.memory_space<semaphore_mem>>)
    %scan3A = arith.constant 0 : i32
    %scan3A_37 = arith.constant 32 : i32
    %scan3A_38 = arith.addi %scan3A, %scan3A_37 : i32
    %scan3A_39 = arith.constant 1 : i32
    scf.for %scan3A_70 = %scan3A to %scan3A_38 step %scan3A_39  : i32 {
      %mul3A_71 = arith.constant 1 : i32
      %mul3A_72 = arith.muli %scan3A_70, %mul3A_71 : i32
      %add3A_73 = arith.constant 0 : i32
      %add3A_74 = arith.addi %add3A_73, %mul3A_72 : i32
      %mul3A_75 = arith.constant 2 : i32
      %mul3A_76 = arith.muli %mul3A_75, %add3A_74 : i32
      %add3A_77 = arith.constant 0 : i32
      %add3A_78 = arith.addi %mul3A_76, %add3A_77 : i32
      %mul3A_79 = arith.constant 8 : i32
      %mul3A_80 = arith.muli %add3A_78, %mul3A_79 : i32
      %add3A_81 = arith.addi %mul3A_2, %mul3A_80 : i32
      %dma_wait3A_82 = arith.constant 0 : i32
      %dma_wait3A_83 = arith.constant 0 : i32
      %dma_wait3A_84 = arith.constant 0 : i32
      %dma_wait3A_85 = tpu.memref_slice %arg5[%dma_wait3A_82, %dma_wait3A_83, %dma_wait3A_84] : memref<2x8x2048xf32, #tpu.memory_space<vmem>> -> memref<1x8x2048xf32, #tpu.memory_space<vmem>>
      %dma_wait3A_86 = tpu.memref_squeeze %dma_wait3A_85 : memref<1x8x2048xf32, #tpu.memory_space<vmem>> -> memref<8x2048xf32, #tpu.memory_space<vmem>>
      %dma_wait3A_87 = arith.constant 0 : i32
      %dma_wait3A_88 = tpu.memref_slice %arg2[%add3A_81, %dma_wait3A_87] : memref<16384x2048xf32, #tpu.memory_space<hbm>> -> memref<8x2048xf32, #tpu.memory_space<hbm>>
      %dma_wait3A_89 = arith.constant 0 : i32
      %dma_wait3A_90 = arith.constant 0 : i32
      %dma_wait3A_91 = tpu.memref_slice %arg5[%dma_wait3A_82, %dma_wait3A_89, %dma_wait3A_90] : memref<2x8x2048xf32, #tpu.memory_space<vmem>> -> memref<1x8x2048xf32, #tpu.memory_space<vmem>>
      %dma_wait3A_92 = tpu.memref_squeeze %dma_wait3A_91 : memref<1x8x2048xf32, #tpu.memory_space<vmem>> -> memref<8x2048xf32, #tpu.memory_space<vmem>>
      %dma_wait3A_93 = arith.constant 0 : i32
      %dma_wait3A_94 = tpu.memref_slice %arg2[%add3A_81, %dma_wait3A_93] : memref<16384x2048xf32, #tpu.memory_space<hbm>> -> memref<8x2048xf32, #tpu.memory_space<hbm>>
      tpu.wait_dma2 semaphore(%arg6 : memref<!tpu.dma_semaphore, #tpu.memory_space<semaphore_mem>>) src(%dma_wait3A_94 : memref<8x2048xf32, #tpu.memory_space<hbm>>) dst(%dma_wait3A_92 : memref<8x2048xf32, #tpu.memory_space<vmem>>)
      %parallel_loop3A_95 = arith.constant 0 : i32
      %parallel_loop3A_96 = arith.constant 128 : i32
      %parallel_loop3A_97 = arith.constant 1 : i32
      scf.for %parallel_loop3A_202 = %parallel_loop3A_95 to %parallel_loop3A_96 step %parallel_loop3A_97  : i32 {
        %parallel_loop3A_203 = arith.constant 16 : i32
        %parallel_loop3A_204 = arith.muli %parallel_loop3A_202, %parallel_loop3A_203 : i32
        %parallel_loop3A_205 = arith.constant 0 : i32
        %parallel_loop3A_206 = arith.constant 0 : i32
        %parallel_loop3A_207 = arith.index_cast %parallel_loop3A_205 : i32 to index
        %parallel_loop3A_208 = arith.index_cast %parallel_loop3A_206 : i32 to index
        %parallel_loop3A_209 = arith.index_cast %parallel_loop3A_204 : i32 to index
        %parallel_loop3A_210 = tpu.vector_load %arg5[%parallel_loop3A_207, %parallel_loop3A_208, %parallel_loop3A_209] {strides = array<i32>} : memref<2x8x2048xf32, #tpu.memory_space<vmem>>, vector<16xf32>,
        %parallel_loop3A_211 = vector.bitcast %parallel_loop3A_210 : vector<16xf32> to vector<16xi32>
        %parallel_loop3A_212 = arith.constant 2147483647 : i32
        %parallel_loop3A_213 = vector.broadcast %parallel_loop3A_212 : i32 to vector<16xi32>
        %parallel_loop3A_214 = arith.andi %parallel_loop3A_211, %parallel_loop3A_213 : vector<16xi32>
        %parallel_loop3A_215 = arith.constant 32767 : i32
        %parallel_loop3A_216 = vector.broadcast %parallel_loop3A_215 : i32 to vector<16xi32>
        %parallel_loop3A_217 = arith.addi %parallel_loop3A_214, %parallel_loop3A_216 : vector<16xi32>
        %parallel_loop3A_218 = arith.constant 15 : i32
        %parallel_loop3A_219 = vector.broadcast %parallel_loop3A_218 : i32 to vector<16xi32>
        %parallel_loop3A_220 = arith.shrsi %parallel_loop3A_217, %parallel_loop3A_219 : vector<16xi32>
        tpu.vector_store_idx %arg4[%parallel_loop3A_220], %broadcast_in_dim3A_7 {add = true} : memref<65544xi32, #tpu.memory_space<vmem>>[vector<16xi32>], vector<16xi32>,
      } {sc.loop_unroll_factor = 8 : i64, sc.parallel_access}
      %parallel_loop3A_98 = arith.constant 0 : i32
      %parallel_loop3A_99 = arith.constant 128 : i32
      %parallel_loop3A_100 = arith.constant 1 : i32
      scf.for %parallel_loop3A_202 = %parallel_loop3A_98 to %parallel_loop3A_99 step %parallel_loop3A_100  : i32 {
        %parallel_loop3A_203 = arith.constant 16 : i32
        %parallel_loop3A_204 = arith.muli %parallel_loop3A_202, %parallel_loop3A_203 : i32
        %parallel_loop3A_205 = arith.constant 0 : i32
        %parallel_loop3A_206 = arith.constant 1 : i32
        %parallel_loop3A_207 = arith.index_cast %parallel_loop3A_205 : i32 to index
        %parallel_loop3A_208 = arith.index_cast %parallel_loop3A_206 : i32 to index
        %parallel_loop3A_209 = arith.index_cast %parallel_loop3A_204 : i32 to index
        %parallel_loop3A_210 = tpu.vector_load %arg5[%parallel_loop3A_207, %parallel_loop3A_208, %parallel_loop3A_209] {strides = array<i32>} : memref<2x8x2048xf32, #tpu.memory_space<vmem>>, vector<16xf32>,
        %parallel_loop3A_211 = vector.bitcast %parallel_loop3A_210 : vector<16xf32> to vector<16xi32>
        %parallel_loop3A_212 = arith.constant 2147483647 : i32
        %parallel_loop3A_213 = vector.broadcast %parallel_loop3A_212 : i32 to vector<16xi32>
        %parallel_loop3A_214 = arith.andi %parallel_loop3A_211, %parallel_loop3A_213 : vector<16xi32>
        %parallel_loop3A_215 = arith.constant 32767 : i32
        %parallel_loop3A_216 = vector.broadcast %parallel_loop3A_215 : i32 to vector<16xi32>
        %parallel_loop3A_217 = arith.addi %parallel_loop3A_214, %parallel_loop3A_216 : vector<16xi32>
        %parallel_loop3A_218 = arith.constant 15 : i32
        %parallel_loop3A_219 = vector.broadcast %parallel_loop3A_218 : i32 to vector<16xi32>
        %parallel_loop3A_220 = arith.shrsi %parallel_loop3A_217, %parallel_loop3A_219 : vector<16xi32>
        tpu.vector_store_idx %arg4[%parallel_loop3A_220], %broadcast_in_dim3A_7 {add = true} : memref<65544xi32, #tpu.memory_space<vmem>>[vector<16xi32>], vector<16xi32>,
      } {sc.loop_unroll_factor = 8 : i64, sc.parallel_access}
      %parallel_loop3A_101 = arith.constant 0 : i32
      %parallel_loop3A_102 = arith.constant 128 : i32
      %parallel_loop3A_103 = arith.constant 1 : i32
      scf.for %parallel_loop3A_202 = %parallel_loop3A_101 to %parallel_loop3A_102 step %parallel_loop3A_103  : i32 {
        %parallel_loop3A_203 = arith.constant 16 : i32
        %parallel_loop3A_204 = arith.muli %parallel_loop3A_202, %parallel_loop3A_203 : i32
        %parallel_loop3A_205 = arith.constant 0 : i32
        %parallel_loop3A_206 = arith.constant 2 : i32
        %parallel_loop3A_207 = arith.index_cast %parallel_loop3A_205 : i32 to index
        %parallel_loop3A_208 = arith.index_cast %parallel_loop3A_206 : i32 to index
        %parallel_loop3A_209 = arith.index_cast %parallel_loop3A_204 : i32 to index
        %parallel_loop3A_210 = tpu.vector_load %arg5[%parallel_loop3A_207, %parallel_loop3A_208, %parallel_loop3A_209] {strides = array<i32>} : memref<2x8x2048xf32, #tpu.memory_space<vmem>>, vector<16xf32>,
        %parallel_loop3A_211 = vector.bitcast %parallel_loop3A_210 : vector<16xf32> to vector<16xi32>
        %parallel_loop3A_212 = arith.constant 2147483647 : i32
        %parallel_loop3A_213 = vector.broadcast %parallel_loop3A_212 : i32 to vector<16xi32>
        %parallel_loop3A_214 = arith.andi %parallel_loop3A_211, %parallel_loop3A_213 : vector<16xi32>
        %parallel_loop3A_215 = arith.constant 32767 : i32
        %parallel_loop3A_216 = vector.broadcast %parallel_loop3A_215 : i32 to vector<16xi32>
        %parallel_loop3A_217 = arith.addi %parallel_loop3A_214, %parallel_loop3A_216 : vector<16xi32>
        %parallel_loop3A_218 = arith.constant 15 : i32
        %parallel_loop3A_219 = vector.broadcast %parallel_loop3A_218 : i32 to vector<16xi32>
        %parallel_loop3A_220 = arith.shrsi %parallel_loop3A_217, %parallel_loop3A_219 : vector<16xi32>
        tpu.vector_store_idx %arg4[%parallel_loop3A_220], %broadcast_in_dim3A_7 {add = true} : memref<65544xi32, #tpu.memory_space<vmem>>[vector<16xi32>], vector<16xi32>,
      } {sc.loop_unroll_factor = 8 : i64, sc.parallel_access}
      %parallel_loop3A_104 = arith.constant 0 : i32
      %parallel_loop3A_105 = arith.constant 128 : i32
      %parallel_loop3A_106 = arith.constant 1 : i32
      scf.for %parallel_loop3A_202 = %parallel_loop3A_104 to %parallel_loop3A_105 step %parallel_loop3A_106  : i32 {
        %parallel_loop3A_203 = arith.constant 16 : i32
        %parallel_loop3A_204 = arith.muli %parallel_loop3A_202, %parallel_loop3A_203 : i32
        %parallel_loop3A_205 = arith.constant 0 : i32
        %parallel_loop3A_206 = arith.constant 3 : i32
        %parallel_loop3A_207 = arith.index_cast %parallel_loop3A_205 : i32 to index
        %parallel_loop3A_208 = arith.index_cast %parallel_loop3A_206 : i32 to index
        %parallel_loop3A_209 = arith.index_cast %parallel_loop3A_204 : i32 to index
        %parallel_loop3A_210 = tpu.vector_load %arg5[%parallel_loop3A_207, %parallel_loop3A_208, %parallel_loop3A_209] {strides = array<i32>} : memref<2x8x2048xf32, #tpu.memory_space<vmem>>, vector<16xf32>,
        %parallel_loop3A_211 = vector.bitcast %parallel_loop3A_210 : vector<16xf32> to vector<16xi32>
        %parallel_loop3A_212 = arith.constant 2147483647 : i32
        %parallel_loop3A_213 = vector.broadcast %parallel_loop3A_212 : i32 to vector<16xi32>
        %parallel_loop3A_214 = arith.andi %parallel_loop3A_211, %parallel_loop3A_213 : vector<16xi32>
        %parallel_loop3A_215 = arith.constant 32767 : i32
        %parallel_loop3A_216 = vector.broadcast %parallel_loop3A_215 : i32 to vector<16xi32>
        %parallel_loop3A_217 = arith.addi %parallel_loop3A_214, %parallel_loop3A_216 : vector<16xi32>
        %parallel_loop3A_218 = arith.constant 15 : i32
        %parallel_loop3A_219 = vector.broadcast %parallel_loop3A_218 : i32 to vector<16xi32>
        %parallel_loop3A_220 = arith.shrsi %parallel_loop3A_217, %parallel_loop3A_219 : vector<16xi32>
        tpu.vector_store_idx %arg4[%parallel_loop3A_220], %broadcast_in_dim3A_7 {add = true} : memref<65544xi32, #tpu.memory_space<vmem>>[vector<16xi32>], vector<16xi32>,
      } {sc.loop_unroll_factor = 8 : i64, sc.parallel_access}
      %parallel_loop3A_107 = arith.constant 0 : i32
      %parallel_loop3A_108 = arith.constant 128 : i32
      %parallel_loop3A_109 = arith.constant 1 : i32
      scf.for %parallel_loop3A_202 = %parallel_loop3A_107 to %parallel_loop3A_108 step %parallel_loop3A_109  : i32 {
        %parallel_loop3A_203 = arith.constant 16 : i32
        %parallel_loop3A_204 = arith.muli %parallel_loop3A_202, %parallel_loop3A_203 : i32
        %parallel_loop3A_205 = arith.constant 0 : i32
        %parallel_loop3A_206 = arith.constant 4 : i32
        %parallel_loop3A_207 = arith.index_cast %parallel_loop3A_205 : i32 to index
        %parallel_loop3A_208 = arith.index_cast %parallel_loop3A_206 : i32 to index
        %parallel_loop3A_209 = arith.index_cast %parallel_loop3A_204 : i32 to index
        %parallel_loop3A_210 = tpu.vector_load %arg5[%parallel_loop3A_207, %parallel_loop3A_208, %parallel_loop3A_209] {strides = array<i32>} : memref<2x8x2048xf32, #tpu.memory_space<vmem>>, vector<16xf32>,
        %parallel_loop3A_211 = vector.bitcast %parallel_loop3A_210 : vector<16xf32> to vector<16xi32>
        %parallel_loop3A_212 = arith.constant 2147483647 : i32
        %parallel_loop3A_213 = vector.broadcast %parallel_loop3A_212 : i32 to vector<16xi32>
        %parallel_loop3A_214 = arith.andi %parallel_loop3A_211, %parallel_loop3A_213 : vector<16xi32>
        %parallel_loop3A_215 = arith.constant 32767 : i32
        %parallel_loop3A_216 = vector.broadcast %parallel_loop3A_215 : i32 to vector<16xi32>
        %parallel_loop3A_217 = arith.addi %parallel_loop3A_214, %parallel_loop3A_216 : vector<16xi32>
        %parallel_loop3A_218 = arith.constant 15 : i32
        %parallel_loop3A_219 = vector.broadcast %parallel_loop3A_218 : i32 to vector<16xi32>
        %parallel_loop3A_220 = arith.shrsi %parallel_loop3A_217, %parallel_loop3A_219 : vector<16xi32>
        tpu.vector_store_idx %arg4[%parallel_loop3A_220], %broadcast_in_dim3A_7 {add = true} : memref<65544xi32, #tpu.memory_space<vmem>>[vector<16xi32>], vector<16xi32>,
      } {sc.loop_unroll_factor = 8 : i64, sc.parallel_access}
      %parallel_loop3A_110 = arith.constant 0 : i32
      %parallel_loop3A_111 = arith.constant 128 : i32
      %parallel_loop3A_112 = arith.constant 1 : i32
      scf.for %parallel_loop3A_202 = %parallel_loop3A_110 to %parallel_loop3A_111 step %parallel_loop3A_112  : i32 {
        %parallel_loop3A_203 = arith.constant 16 : i32
        %parallel_loop3A_204 = arith.muli %parallel_loop3A_202, %parallel_loop3A_203 : i32
        %parallel_loop3A_205 = arith.constant 0 : i32
        %parallel_loop3A_206 = arith.constant 5 : i32
        %parallel_loop3A_207 = arith.index_cast %parallel_loop3A_205 : i32 to index
        %parallel_loop3A_208 = arith.index_cast %parallel_loop3A_206 : i32 to index
        %parallel_loop3A_209 = arith.index_cast %parallel_loop3A_204 : i32 to index
        %parallel_loop3A_210 = tpu.vector_load %arg5[%parallel_loop3A_207, %parallel_loop3A_208, %parallel_loop3A_209] {strides = array<i32>} : memref<2x8x2048xf32, #tpu.memory_space<vmem>>, vector<16xf32>,
        %parallel_loop3A_211 = vector.bitcast %parallel_loop3A_210 : vector<16xf32> to vector<16xi32>
        %parallel_loop3A_212 = arith.constant 2147483647 : i32
        %parallel_loop3A_213 = vector.broadcast %parallel_loop3A_212 : i32 to vector<16xi32>
        %parallel_loop3A_214 = arith.andi %parallel_loop3A_211, %parallel_loop3A_213 : vector<16xi32>
        %parallel_loop3A_215 = arith.constant 32767 : i32
        %parallel_loop3A_216 = vector.broadcast %parallel_loop3A_215 : i32 to vector<16xi32>
        %parallel_loop3A_217 = arith.addi %parallel_loop3A_214, %parallel_loop3A_216 : vector<16xi32>
        %parallel_loop3A_218 = arith.constant 15 : i32
        %parallel_loop3A_219 = vector.broadcast %parallel_loop3A_218 : i32 to vector<16xi32>
        %parallel_loop3A_220 = arith.shrsi %parallel_loop3A_217, %parallel_loop3A_219 : vector<16xi32>
        tpu.vector_store_idx %arg4[%parallel_loop3A_220], %broadcast_in_dim3A_7 {add = true} : memref<65544xi32, #tpu.memory_space<vmem>>[vector<16xi32>], vector<16xi32>,
      } {sc.loop_unroll_factor = 8 : i64, sc.parallel_access}
      %parallel_loop3A_113 = arith.constant 0 : i32
      %parallel_loop3A_114 = arith.constant 128 : i32
      %parallel_loop3A_115 = arith.constant 1 : i32
      scf.for %parallel_loop3A_202 = %parallel_loop3A_113 to %parallel_loop3A_114 step %parallel_loop3A_115  : i32 {
        %parallel_loop3A_203 = arith.constant 16 : i32
        %parallel_loop3A_204 = arith.muli %parallel_loop3A_202, %parallel_loop3A_203 : i32
        %parallel_loop3A_205 = arith.constant 0 : i32
        %parallel_loop3A_206 = arith.constant 6 : i32
        %parallel_loop3A_207 = arith.index_cast %parallel_loop3A_205 : i32 to index
        %parallel_loop3A_208 = arith.index_cast %parallel_loop3A_206 : i32 to index
        %parallel_loop3A_209 = arith.index_cast %parallel_loop3A_204 : i32 to index
        %parallel_loop3A_210 = tpu.vector_load %arg5[%parallel_loop3A_207, %parallel_loop3A_208, %parallel_loop3A_209] {strides = array<i32>} : memref<2x8x2048xf32, #tpu.memory_space<vmem>>, vector<16xf32>,
        %parallel_loop3A_211 = vector.bitcast %parallel_loop3A_210 : vector<16xf32> to vector<16xi32>
        %parallel_loop3A_212 = arith.constant 2147483647 : i32
        %parallel_loop3A_213 = vector.broadcast %parallel_loop3A_212 : i32 to vector<16xi32>
        %parallel_loop3A_214 = arith.andi %parallel_loop3A_211, %parallel_loop3A_213 : vector<16xi32>
        %parallel_loop3A_215 = arith.constant 32767 : i32
        %parallel_loop3A_216 = vector.broadcast %parallel_loop3A_215 : i32 to vector<16xi32>
        %parallel_loop3A_217 = arith.addi %parallel_loop3A_214, %parallel_loop3A_216 : vector<16xi32>
        %parallel_loop3A_218 = arith.constant 15 : i32
        %parallel_loop3A_219 = vector.broadcast %parallel_loop3A_218 : i32 to vector<16xi32>
        %parallel_loop3A_220 = arith.shrsi %parallel_loop3A_217, %parallel_loop3A_219 : vector<16xi32>
        tpu.vector_store_idx %arg4[%parallel_loop3A_220], %broadcast_in_dim3A_7 {add = true} : memref<65544xi32, #tpu.memory_space<vmem>>[vector<16xi32>], vector<16xi32>,
      } {sc.loop_unroll_factor = 8 : i64, sc.parallel_access}
      %parallel_loop3A_116 = arith.constant 0 : i32
      %parallel_loop3A_117 = arith.constant 128 : i32
      %parallel_loop3A_118 = arith.constant 1 : i32
      scf.for %parallel_loop3A_202 = %parallel_loop3A_116 to %parallel_loop3A_117 step %parallel_loop3A_118  : i32 {
        %parallel_loop3A_203 = arith.constant 16 : i32
        %parallel_loop3A_204 = arith.muli %parallel_loop3A_202, %parallel_loop3A_203 : i32
        %parallel_loop3A_205 = arith.constant 0 : i32
        %parallel_loop3A_206 = arith.constant 7 : i32
        %parallel_loop3A_207 = arith.index_cast %parallel_loop3A_205 : i32 to index
        %parallel_loop3A_208 = arith.index_cast %parallel_loop3A_206 : i32 to index
        %parallel_loop3A_209 = arith.index_cast %parallel_loop3A_204 : i32 to index
        %parallel_loop3A_210 = tpu.vector_load %arg5[%parallel_loop3A_207, %parallel_loop3A_208, %parallel_loop3A_209] {strides = array<i32>} : memref<2x8x2048xf32, #tpu.memory_space<vmem>>, vector<16xf32>,
        %parallel_loop3A_211 = vector.bitcast %parallel_loop3A_210 : vector<16xf32> to vector<16xi32>
        %parallel_loop3A_212 = arith.constant 2147483647 : i32
        %parallel_loop3A_213 = vector.broadcast %parallel_loop3A_212 : i32 to vector<16xi32>
        %parallel_loop3A_214 = arith.andi %parallel_loop3A_211, %parallel_loop3A_213 : vector<16xi32>
        %parallel_loop3A_215 = arith.constant 32767 : i32
        %parallel_loop3A_216 = vector.broadcast %parallel_loop3A_215 : i32 to vector<16xi32>
        %parallel_loop3A_217 = arith.addi %parallel_loop3A_214, %parallel_loop3A_216 : vector<16xi32>
        %parallel_loop3A_218 = arith.constant 15 : i32
        %parallel_loop3A_219 = vector.broadcast %parallel_loop3A_218 : i32 to vector<16xi32>
        %parallel_loop3A_220 = arith.shrsi %parallel_loop3A_217, %parallel_loop3A_219 : vector<16xi32>
        tpu.vector_store_idx %arg4[%parallel_loop3A_220], %broadcast_in_dim3A_7 {add = true} : memref<65544xi32, #tpu.memory_space<vmem>>[vector<16xi32>], vector<16xi32>,
      } {sc.loop_unroll_factor = 8 : i64, sc.parallel_access}
      %add3A_119 = arith.constant 2 : i32
      %add3A_120 = arith.addi %add3A_78, %add3A_119 : i32
      %min3A = arith.constant 62 : i32
      %min3A_121 = arith.minsi %add3A_120, %min3A : i32
      %mul3A_122 = arith.constant 8 : i32
      %mul3A_123 = arith.muli %min3A_121, %mul3A_122 : i32
      %add3A_124 = arith.addi %mul3A_2, %mul3A_123 : i32
      %dma_start3A_125 = arith.constant 0 : i32
      %dma_start3A_126 = arith.constant 0 : i32
      %dma_start3A_127 = arith.constant 0 : i32
      %dma_start3A_128 = tpu.memref_slice %arg5[%dma_start3A_125, %dma_start3A_126, %dma_start3A_127] : memref<2x8x2048xf32, #tpu.memory_space<vmem>> -> memref<1x8x2048xf32, #tpu.memory_space<vmem>>
      %dma_start3A_129 = tpu.memref_squeeze %dma_start3A_128 : memref<1x8x2048xf32, #tpu.memory_space<vmem>> -> memref<8x2048xf32, #tpu.memory_space<vmem>>
      %dma_start3A_130 = arith.constant 0 : i32
      %dma_start3A_131 = tpu.memref_slice %arg2[%add3A_124, %dma_start3A_130] : memref<16384x2048xf32, #tpu.memory_space<hbm>> -> memref<8x2048xf32, #tpu.memory_space<hbm>>
      %dma_start3A_132 = arith.constant 0 : i32
      %dma_start3A_133 = arith.constant 0 : i32
      %dma_start3A_134 = tpu.memref_slice %arg5[%dma_start3A_125, %dma_start3A_132, %dma_start3A_133] : memref<2x8x2048xf32, #tpu.memory_space<vmem>> -> memref<1x8x2048xf32, #tpu.memory_space<vmem>>
      %dma_start3A_135 = tpu.memref_squeeze %dma_start3A_134 : memref<1x8x2048xf32, #tpu.memory_space<vmem>> -> memref<8x2048xf32, #tpu.memory_space<vmem>>
      %dma_start3A_136 = arith.constant 0 : i32
      %dma_start3A_137 = tpu.memref_slice %arg2[%add3A_124, %dma_start3A_136] : memref<16384x2048xf32, #tpu.memory_space<hbm>> -> memref<8x2048xf32, #tpu.memory_space<hbm>>
      tpu.enqueue_dma source(%dma_start3A_137 : memref<8x2048xf32, #tpu.memory_space<hbm>>) target(%dma_start3A_135 : memref<8x2048xf32, #tpu.memory_space<vmem>>) target_semaphore(%arg6 : memref<!tpu.dma_semaphore, #tpu.memory_space<semaphore_mem>>)
      %mul3A_138 = arith.constant 2 : i32
      %mul3A_139 = arith.muli %mul3A_138, %add3A_74 : i32
      %add3A_140 = arith.constant 1 : i32
      %add3A_141 = arith.addi %mul3A_139, %add3A_140 : i32
      %mul3A_142 = arith.constant 8 : i32
      %mul3A_143 = arith.muli %add3A_141, %mul3A_142 : i32
      %add3A_144 = arith.addi %mul3A_2, %mul3A_143 : i32
      %dma_wait3A_145 = arith.constant 1 : i32
      %dma_wait3A_146 = arith.constant 0 : i32
      %dma_wait3A_147 = arith.constant 0 : i32
      %dma_wait3A_148 = tpu.memref_slice %arg5[%dma_wait3A_145, %dma_wait3A_146, %dma_wait3A_147] : memref<2x8x2048xf32, #tpu.memory_space<vmem>> -> memref<1x8x2048xf32, #tpu.memory_space<vmem>>
      %dma_wait3A_149 = tpu.memref_squeeze %dma_wait3A_148 : memref<1x8x2048xf32, #tpu.memory_space<vmem>> -> memref<8x2048xf32, #tpu.memory_space<vmem>>
      %dma_wait3A_150 = arith.constant 0 : i32
      %dma_wait3A_151 = tpu.memref_slice %arg2[%add3A_144, %dma_wait3A_150] : memref<16384x2048xf32, #tpu.memory_space<hbm>> -> memref<8x2048xf32, #tpu.memory_space<hbm>>
      %dma_wait3A_152 = arith.constant 0 : i32
      %dma_wait3A_153 = arith.constant 0 : i32
      %dma_wait3A_154 = tpu.memref_slice %arg5[%dma_wait3A_145, %dma_wait3A_152, %dma_wait3A_153] : memref<2x8x2048xf32, #tpu.memory_space<vmem>> -> memref<1x8x2048xf32, #tpu.memory_space<vmem>>
      %dma_wait3A_155 = tpu.memref_squeeze %dma_wait3A_154 : memref<1x8x2048xf32, #tpu.memory_space<vmem>> -> memref<8x2048xf32, #tpu.memory_space<vmem>>
      %dma_wait3A_156 = arith.constant 0 : i32
      %dma_wait3A_157 = tpu.memref_slice %arg2[%add3A_144, %dma_wait3A_156] : memref<16384x2048xf32, #tpu.memory_space<hbm>> -> memref<8x2048xf32, #tpu.memory_space<hbm>>
      tpu.wait_dma2 semaphore(%arg7 : memref<!tpu.dma_semaphore, #tpu.memory_space<semaphore_mem>>) src(%dma_wait3A_157 : memref<8x2048xf32, #tpu.memory_space<hbm>>) dst(%dma_wait3A_155 : memref<8x2048xf32, #tpu.memory_space<vmem>>)
      %parallel_loop3A_158 = arith.constant 0 : i32
      %parallel_loop3A_159 = arith.constant 128 : i32
      %parallel_loop3A_160 = arith.constant 1 : i32
      scf.for %parallel_loop3A_202 = %parallel_loop3A_158 to %parallel_loop3A_159 step %parallel_loop3A_160  : i32 {
        %parallel_loop3A_203 = arith.constant 16 : i32
        %parallel_loop3A_204 = arith.muli %parallel_loop3A_202, %parallel_loop3A_203 : i32
        %parallel_loop3A_205 = arith.constant 1 : i32
        %parallel_loop3A_206 = arith.constant 0 : i32
        %parallel_loop3A_207 = arith.index_cast %parallel_loop3A_205 : i32 to index
        %parallel_loop3A_208 = arith.index_cast %parallel_loop3A_206 : i32 to index
        %parallel_loop3A_209 = arith.index_cast %parallel_loop3A_204 : i32 to index
        %parallel_loop3A_210 = tpu.vector_load %arg5[%parallel_loop3A_207, %parallel_loop3A_208, %parallel_loop3A_209] {strides = array<i32>} : memref<2x8x2048xf32, #tpu.memory_space<vmem>>, vector<16xf32>,
        %parallel_loop3A_211 = vector.bitcast %parallel_loop3A_210 : vector<16xf32> to vector<16xi32>
        %parallel_loop3A_212 = arith.constant 2147483647 : i32
        %parallel_loop3A_213 = vector.broadcast %parallel_loop3A_212 : i32 to vector<16xi32>
        %parallel_loop3A_214 = arith.andi %parallel_loop3A_211, %parallel_loop3A_213 : vector<16xi32>
        %parallel_loop3A_215 = arith.constant 32767 : i32
        %parallel_loop3A_216 = vector.broadcast %parallel_loop3A_215 : i32 to vector<16xi32>
        %parallel_loop3A_217 = arith.addi %parallel_loop3A_214, %parallel_loop3A_216 : vector<16xi32>
        %parallel_loop3A_218 = arith.constant 15 : i32
        %parallel_loop3A_219 = vector.broadcast %parallel_loop3A_218 : i32 to vector<16xi32>
        %parallel_loop3A_220 = arith.shrsi %parallel_loop3A_217, %parallel_loop3A_219 : vector<16xi32>
        tpu.vector_store_idx %arg4[%parallel_loop3A_220], %broadcast_in_dim3A_7 {add = true} : memref<65544xi32, #tpu.memory_space<vmem>>[vector<16xi32>], vector<16xi32>,
      } {sc.loop_unroll_factor = 8 : i64, sc.parallel_access}
      %parallel_loop3A_161 = arith.constant 0 : i32
      %parallel_loop3A_162 = arith.constant 128 : i32
      %parallel_loop3A_163 = arith.constant 1 : i32
      scf.for %parallel_loop3A_202 = %parallel_loop3A_161 to %parallel_loop3A_162 step %parallel_loop3A_163  : i32 {
        %parallel_loop3A_203 = arith.constant 16 : i32
        %parallel_loop3A_204 = arith.muli %parallel_loop3A_202, %parallel_loop3A_203 : i32
        %parallel_loop3A_205 = arith.constant 1 : i32
        %parallel_loop3A_206 = arith.constant 1 : i32
        %parallel_loop3A_207 = arith.index_cast %parallel_loop3A_205 : i32 to index
        %parallel_loop3A_208 = arith.index_cast %parallel_loop3A_206 : i32 to index
        %parallel_loop3A_209 = arith.index_cast %parallel_loop3A_204 : i32 to index
        %parallel_loop3A_210 = tpu.vector_load %arg5[%parallel_loop3A_207, %parallel_loop3A_208, %parallel_loop3A_209] {strides = array<i32>} : memref<2x8x2048xf32, #tpu.memory_space<vmem>>, vector<16xf32>,
        %parallel_loop3A_211 = vector.bitcast %parallel_loop3A_210 : vector<16xf32> to vector<16xi32>
        %parallel_loop3A_212 = arith.constant 2147483647 : i32
        %parallel_loop3A_213 = vector.broadcast %parallel_loop3A_212 : i32 to vector<16xi32>
        %parallel_loop3A_214 = arith.andi %parallel_loop3A_211, %parallel_loop3A_213 : vector<16xi32>
        %parallel_loop3A_215 = arith.constant 32767 : i32
        %parallel_loop3A_216 = vector.broadcast %parallel_loop3A_215 : i32 to vector<16xi32>
        %parallel_loop3A_217 = arith.addi %parallel_loop3A_214, %parallel_loop3A_216 : vector<16xi32>
        %parallel_loop3A_218 = arith.constant 15 : i32
        %parallel_loop3A_219 = vector.broadcast %parallel_loop3A_218 : i32 to vector<16xi32>
        %parallel_loop3A_220 = arith.shrsi %parallel_loop3A_217, %parallel_loop3A_219 : vector<16xi32>
        tpu.vector_store_idx %arg4[%parallel_loop3A_220], %broadcast_in_dim3A_7 {add = true} : memref<65544xi32, #tpu.memory_space<vmem>>[vector<16xi32>], vector<16xi32>,
      } {sc.loop_unroll_factor = 8 : i64, sc.parallel_access}
      %parallel_loop3A_164 = arith.constant 0 : i32
      %parallel_loop3A_165 = arith.constant 128 : i32
      %parallel_loop3A_166 = arith.constant 1 : i32
      scf.for %parallel_loop3A_202 = %parallel_loop3A_164 to %parallel_loop3A_165 step %parallel_loop3A_166  : i32 {
        %parallel_loop3A_203 = arith.constant 16 : i32
        %parallel_loop3A_204 = arith.muli %parallel_loop3A_202, %parallel_loop3A_203 : i32
        %parallel_loop3A_205 = arith.constant 1 : i32
        %parallel_loop3A_206 = arith.constant 2 : i32
        %parallel_loop3A_207 = arith.index_cast %parallel_loop3A_205 : i32 to index
        %parallel_loop3A_208 = arith.index_cast %parallel_loop3A_206 : i32 to index
        %parallel_loop3A_209 = arith.index_cast %parallel_loop3A_204 : i32 to index
        %parallel_loop3A_210 = tpu.vector_load %arg5[%parallel_loop3A_207, %parallel_loop3A_208, %parallel_loop3A_209] {strides = array<i32>} : memref<2x8x2048xf32, #tpu.memory_space<vmem>>, vector<16xf32>,
        %parallel_loop3A_211 = vector.bitcast %parallel_loop3A_210 : vector<16xf32> to vector<16xi32>
        %parallel_loop3A_212 = arith.constant 2147483647 : i32
        %parallel_loop3A_213 = vector.broadcast %parallel_loop3A_212 : i32 to vector<16xi32>
        %parallel_loop3A_214 = arith.andi %parallel_loop3A_211, %parallel_loop3A_213 : vector<16xi32>
        %parallel_loop3A_215 = arith.constant 32767 : i32
        %parallel_loop3A_216 = vector.broadcast %parallel_loop3A_215 : i32 to vector<16xi32>
        %parallel_loop3A_217 = arith.addi %parallel_loop3A_214, %parallel_loop3A_216 : vector<16xi32>
        %parallel_loop3A_218 = arith.constant 15 : i32
        %parallel_loop3A_219 = vector.broadcast %parallel_loop3A_218 : i32 to vector<16xi32>
        %parallel_loop3A_220 = arith.shrsi %parallel_loop3A_217, %parallel_loop3A_219 : vector<16xi32>
        tpu.vector_store_idx %arg4[%parallel_loop3A_220], %broadcast_in_dim3A_7 {add = true} : memref<65544xi32, #tpu.memory_space<vmem>>[vector<16xi32>], vector<16xi32>,
      } {sc.loop_unroll_factor = 8 : i64, sc.parallel_access}
      %parallel_loop3A_167 = arith.constant 0 : i32
      %parallel_loop3A_168 = arith.constant 128 : i32
      %parallel_loop3A_169 = arith.constant 1 : i32
      scf.for %parallel_loop3A_202 = %parallel_loop3A_167 to %parallel_loop3A_168 step %parallel_loop3A_169  : i32 {
        %parallel_loop3A_203 = arith.constant 16 : i32
        %parallel_loop3A_204 = arith.muli %parallel_loop3A_202, %parallel_loop3A_203 : i32
        %parallel_loop3A_205 = arith.constant 1 : i32
        %parallel_loop3A_206 = arith.constant 3 : i32
        %parallel_loop3A_207 = arith.index_cast %parallel_loop3A_205 : i32 to index
        %parallel_loop3A_208 = arith.index_cast %parallel_loop3A_206 : i32 to index
        %parallel_loop3A_209 = arith.index_cast %parallel_loop3A_204 : i32 to index
        %parallel_loop3A_210 = tpu.vector_load %arg5[%parallel_loop3A_207, %parallel_loop3A_208, %parallel_loop3A_209] {strides = array<i32>} : memref<2x8x2048xf32, #tpu.memory_space<vmem>>, vector<16xf32>,
        %parallel_loop3A_211 = vector.bitcast %parallel_loop3A_210 : vector<16xf32> to vector<16xi32>
        %parallel_loop3A_212 = arith.constant 2147483647 : i32
        %parallel_loop3A_213 = vector.broadcast %parallel_loop3A_212 : i32 to vector<16xi32>
        %parallel_loop3A_214 = arith.andi %parallel_loop3A_211, %parallel_loop3A_213 : vector<16xi32>
        %parallel_loop3A_215 = arith.constant 32767 : i32
        %parallel_loop3A_216 = vector.broadcast %parallel_loop3A_215 : i32 to vector<16xi32>
        %parallel_loop3A_217 = arith.addi %parallel_loop3A_214, %parallel_loop3A_216 : vector<16xi32>
        %parallel_loop3A_218 = arith.constant 15 : i32
        %parallel_loop3A_219 = vector.broadcast %parallel_loop3A_218 : i32 to vector<16xi32>
        %parallel_loop3A_220 = arith.shrsi %parallel_loop3A_217, %parallel_loop3A_219 : vector<16xi32>
        tpu.vector_store_idx %arg4[%parallel_loop3A_220], %broadcast_in_dim3A_7 {add = true} : memref<65544xi32, #tpu.memory_space<vmem>>[vector<16xi32>], vector<16xi32>,
      } {sc.loop_unroll_factor = 8 : i64, sc.parallel_access}
      %parallel_loop3A_170 = arith.constant 0 : i32
      %parallel_loop3A_171 = arith.constant 128 : i32
      %parallel_loop3A_172 = arith.constant 1 : i32
      scf.for %parallel_loop3A_202 = %parallel_loop3A_170 to %parallel_loop3A_171 step %parallel_loop3A_172  : i32 {
        %parallel_loop3A_203 = arith.constant 16 : i32
        %parallel_loop3A_204 = arith.muli %parallel_loop3A_202, %parallel_loop3A_203 : i32
        %parallel_loop3A_205 = arith.constant 1 : i32
        %parallel_loop3A_206 = arith.constant 4 : i32
        %parallel_loop3A_207 = arith.index_cast %parallel_loop3A_205 : i32 to index
        %parallel_loop3A_208 = arith.index_cast %parallel_loop3A_206 : i32 to index
        %parallel_loop3A_209 = arith.index_cast %parallel_loop3A_204 : i32 to index
        %parallel_loop3A_210 = tpu.vector_load %arg5[%parallel_loop3A_207, %parallel_loop3A_208, %parallel_loop3A_209] {strides = array<i32>} : memref<2x8x2048xf32, #tpu.memory_space<vmem>>, vector<16xf32>,
        %parallel_loop3A_211 = vector.bitcast %parallel_loop3A_210 : vector<16xf32> to vector<16xi32>
        %parallel_loop3A_212 = arith.constant 2147483647 : i32
        %parallel_loop3A_213 = vector.broadcast %parallel_loop3A_212 : i32 to vector<16xi32>
        %parallel_loop3A_214 = arith.andi %parallel_loop3A_211, %parallel_loop3A_213 : vector<16xi32>
        %parallel_loop3A_215 = arith.constant 32767 : i32
        %parallel_loop3A_216 = vector.broadcast %parallel_loop3A_215 : i32 to vector<16xi32>
        %parallel_loop3A_217 = arith.addi %parallel_loop3A_214, %parallel_loop3A_216 : vector<16xi32>
        %parallel_loop3A_218 = arith.constant 15 : i32
        %parallel_loop3A_219 = vector.broadcast %parallel_loop3A_218 : i32 to vector<16xi32>
        %parallel_loop3A_220 = arith.shrsi %parallel_loop3A_217, %parallel_loop3A_219 : vector<16xi32>
        tpu.vector_store_idx %arg4[%parallel_loop3A_220], %broadcast_in_dim3A_7 {add = true} : memref<65544xi32, #tpu.memory_space<vmem>>[vector<16xi32>], vector<16xi32>,
      } {sc.loop_unroll_factor = 8 : i64, sc.parallel_access}
      %parallel_loop3A_173 = arith.constant 0 : i32
      %parallel_loop3A_174 = arith.constant 128 : i32
      %parallel_loop3A_175 = arith.constant 1 : i32
      scf.for %parallel_loop3A_202 = %parallel_loop3A_173 to %parallel_loop3A_174 step %parallel_loop3A_175  : i32 {
        %parallel_loop3A_203 = arith.constant 16 : i32
        %parallel_loop3A_204 = arith.muli %parallel_loop3A_202, %parallel_loop3A_203 : i32
        %parallel_loop3A_205 = arith.constant 1 : i32
        %parallel_loop3A_206 = arith.constant 5 : i32
        %parallel_loop3A_207 = arith.index_cast %parallel_loop3A_205 : i32 to index
        %parallel_loop3A_208 = arith.index_cast %parallel_loop3A_206 : i32 to index
        %parallel_loop3A_209 = arith.index_cast %parallel_loop3A_204 : i32 to index
        %parallel_loop3A_210 = tpu.vector_load %arg5[%parallel_loop3A_207, %parallel_loop3A_208, %parallel_loop3A_209] {strides = array<i32>} : memref<2x8x2048xf32, #tpu.memory_space<vmem>>, vector<16xf32>,
        %parallel_loop3A_211 = vector.bitcast %parallel_loop3A_210 : vector<16xf32> to vector<16xi32>
        %parallel_loop3A_212 = arith.constant 2147483647 : i32
        %parallel_loop3A_213 = vector.broadcast %parallel_loop3A_212 : i32 to vector<16xi32>
        %parallel_loop3A_214 = arith.andi %parallel_loop3A_211, %parallel_loop3A_213 : vector<16xi32>
        %parallel_loop3A_215 = arith.constant 32767 : i32
        %parallel_loop3A_216 = vector.broadcast %parallel_loop3A_215 : i32 to vector<16xi32>
        %parallel_loop3A_217 = arith.addi %parallel_loop3A_214, %parallel_loop3A_216 : vector<16xi32>
        %parallel_loop3A_218 = arith.constant 15 : i32
        %parallel_loop3A_219 = vector.broadcast %parallel_loop3A_218 : i32 to vector<16xi32>
        %parallel_loop3A_220 = arith.shrsi %parallel_loop3A_217, %parallel_loop3A_219 : vector<16xi32>
        tpu.vector_store_idx %arg4[%parallel_loop3A_220], %broadcast_in_dim3A_7 {add = true} : memref<65544xi32, #tpu.memory_space<vmem>>[vector<16xi32>], vector<16xi32>,
      } {sc.loop_unroll_factor = 8 : i64, sc.parallel_access}
      %parallel_loop3A_176 = arith.constant 0 : i32
      %parallel_loop3A_177 = arith.constant 128 : i32
      %parallel_loop3A_178 = arith.constant 1 : i32
      scf.for %parallel_loop3A_202 = %parallel_loop3A_176 to %parallel_loop3A_177 step %parallel_loop3A_178  : i32 {
        %parallel_loop3A_203 = arith.constant 16 : i32
        %parallel_loop3A_204 = arith.muli %parallel_loop3A_202, %parallel_loop3A_203 : i32
        %parallel_loop3A_205 = arith.constant 1 : i32
        %parallel_loop3A_206 = arith.constant 6 : i32
        %parallel_loop3A_207 = arith.index_cast %parallel_loop3A_205 : i32 to index
        %parallel_loop3A_208 = arith.index_cast %parallel_loop3A_206 : i32 to index
        %parallel_loop3A_209 = arith.index_cast %parallel_loop3A_204 : i32 to index
        %parallel_loop3A_210 = tpu.vector_load %arg5[%parallel_loop3A_207, %parallel_loop3A_208, %parallel_loop3A_209] {strides = array<i32>} : memref<2x8x2048xf32, #tpu.memory_space<vmem>>, vector<16xf32>,
        %parallel_loop3A_211 = vector.bitcast %parallel_loop3A_210 : vector<16xf32> to vector<16xi32>
        %parallel_loop3A_212 = arith.constant 2147483647 : i32
        %parallel_loop3A_213 = vector.broadcast %parallel_loop3A_212 : i32 to vector<16xi32>
        %parallel_loop3A_214 = arith.andi %parallel_loop3A_211, %parallel_loop3A_213 : vector<16xi32>
        %parallel_loop3A_215 = arith.constant 32767 : i32
        %parallel_loop3A_216 = vector.broadcast %parallel_loop3A_215 : i32 to vector<16xi32>
        %parallel_loop3A_217 = arith.addi %parallel_loop3A_214, %parallel_loop3A_216 : vector<16xi32>
        %parallel_loop3A_218 = arith.constant 15 : i32
        %parallel_loop3A_219 = vector.broadcast %parallel_loop3A_218 : i32 to vector<16xi32>
        %parallel_loop3A_220 = arith.shrsi %parallel_loop3A_217, %parallel_loop3A_219 : vector<16xi32>
        tpu.vector_store_idx %arg4[%parallel_loop3A_220], %broadcast_in_dim3A_7 {add = true} : memref<65544xi32, #tpu.memory_space<vmem>>[vector<16xi32>], vector<16xi32>,
      } {sc.loop_unroll_factor = 8 : i64, sc.parallel_access}
      %parallel_loop3A_179 = arith.constant 0 : i32
      %parallel_loop3A_180 = arith.constant 128 : i32
      %parallel_loop3A_181 = arith.constant 1 : i32
      scf.for %parallel_loop3A_202 = %parallel_loop3A_179 to %parallel_loop3A_180 step %parallel_loop3A_181  : i32 {
        %parallel_loop3A_203 = arith.constant 16 : i32
        %parallel_loop3A_204 = arith.muli %parallel_loop3A_202, %parallel_loop3A_203 : i32
        %parallel_loop3A_205 = arith.constant 1 : i32
        %parallel_loop3A_206 = arith.constant 7 : i32
        %parallel_loop3A_207 = arith.index_cast %parallel_loop3A_205 : i32 to index
        %parallel_loop3A_208 = arith.index_cast %parallel_loop3A_206 : i32 to index
        %parallel_loop3A_209 = arith.index_cast %parallel_loop3A_204 : i32 to index
        %parallel_loop3A_210 = tpu.vector_load %arg5[%parallel_loop3A_207, %parallel_loop3A_208, %parallel_loop3A_209] {strides = array<i32>} : memref<2x8x2048xf32, #tpu.memory_space<vmem>>, vector<16xf32>,
        %parallel_loop3A_211 = vector.bitcast %parallel_loop3A_210 : vector<16xf32> to vector<16xi32>
        %parallel_loop3A_212 = arith.constant 2147483647 : i32
        %parallel_loop3A_213 = vector.broadcast %parallel_loop3A_212 : i32 to vector<16xi32>
        %parallel_loop3A_214 = arith.andi %parallel_loop3A_211, %parallel_loop3A_213 : vector<16xi32>
        %parallel_loop3A_215 = arith.constant 32767 : i32
        %parallel_loop3A_216 = vector.broadcast %parallel_loop3A_215 : i32 to vector<16xi32>
        %parallel_loop3A_217 = arith.addi %parallel_loop3A_214, %parallel_loop3A_216 : vector<16xi32>
        %parallel_loop3A_218 = arith.constant 15 : i32
        %parallel_loop3A_219 = vector.broadcast %parallel_loop3A_218 : i32 to vector<16xi32>
        %parallel_loop3A_220 = arith.shrsi %parallel_loop3A_217, %parallel_loop3A_219 : vector<16xi32>
        tpu.vector_store_idx %arg4[%parallel_loop3A_220], %broadcast_in_dim3A_7 {add = true} : memref<65544xi32, #tpu.memory_space<vmem>>[vector<16xi32>], vector<16xi32>,
      } {sc.loop_unroll_factor = 8 : i64, sc.parallel_access}
      %add3A_182 = arith.constant 2 : i32
      %add3A_183 = arith.addi %add3A_141, %add3A_182 : i32
      %min3A_184 = arith.constant 63 : i32
      %min3A_185 = arith.minsi %add3A_183, %min3A_184 : i32
      %mul3A_186 = arith.constant 8 : i32
      %mul3A_187 = arith.muli %min3A_185, %mul3A_186 : i32
      %add3A_188 = arith.addi %mul3A_2, %mul3A_187 : i32
      %dma_start3A_189 = arith.constant 1 : i32
      %dma_start3A_190 = arith.constant 0 : i32
      %dma_start3A_191 = arith.constant 0 : i32
      %dma_start3A_192 = tpu.memref_slice %arg5[%dma_start3A_189, %dma_start3A_190, %dma_start3A_191] : memref<2x8x2048xf32, #tpu.memory_space<vmem>> -> memref<1x8x2048xf32, #tpu.memory_space<vmem>>
      %dma_start3A_193 = tpu.memref_squeeze %dma_start3A_192 : memref<1x8x2048xf32, #tpu.memory_space<vmem>> -> memref<8x2048xf32, #tpu.memory_space<vmem>>
      %dma_start3A_194 = arith.constant 0 : i32
      %dma_start3A_195 = tpu.memref_slice %arg2[%add3A_188, %dma_start3A_194] : memref<16384x2048xf32, #tpu.memory_space<hbm>> -> memref<8x2048xf32, #tpu.memory_space<hbm>>
      %dma_start3A_196 = arith.constant 0 : i32
      %dma_start3A_197 = arith.constant 0 : i32
      %dma_start3A_198 = tpu.memref_slice %arg5[%dma_start3A_189, %dma_start3A_196, %dma_start3A_197] : memref<2x8x2048xf32, #tpu.memory_space<vmem>> -> memref<1x8x2048xf32, #tpu.memory_space<vmem>>
      %dma_start3A_199 = tpu.memref_squeeze %dma_start3A_198 : memref<1x8x2048xf32, #tpu.memory_space<vmem>> -> memref<8x2048xf32, #tpu.memory_space<vmem>>
      %dma_start3A_200 = arith.constant 0 : i32
      %dma_start3A_201 = tpu.memref_slice %arg2[%add3A_188, %dma_start3A_200] : memref<16384x2048xf32, #tpu.memory_space<hbm>> -> memref<8x2048xf32, #tpu.memory_space<hbm>>
      tpu.enqueue_dma source(%dma_start3A_201 : memref<8x2048xf32, #tpu.memory_space<hbm>>) target(%dma_start3A_199 : memref<8x2048xf32, #tpu.memory_space<vmem>>) target_semaphore(%arg7 : memref<!tpu.dma_semaphore, #tpu.memory_space<semaphore_mem>>)
    }
    %scan3A_40 = arith.constant 32 : i32
    %add3A_41 = arith.constant 496 : i32
    %add3A_42 = arith.addi %mul3A_2, %add3A_41 : i32
    %dma_wait3A = arith.constant 0 : i32
    %dma_wait3A_43 = arith.constant 0 : i32
    %dma_wait3A_44 = arith.constant 0 : i32
    %dma_wait3A_45 = tpu.memref_slice %arg5[%dma_wait3A, %dma_wait3A_43, %dma_wait3A_44] : memref<2x8x2048xf32, #tpu.memory_space<vmem>> -> memref<1x8x2048xf32, #tpu.memory_space<vmem>>
    %dma_wait3A_46 = tpu.memref_squeeze %dma_wait3A_45 : memref<1x8x2048xf32, #tpu.memory_space<vmem>> -> memref<8x2048xf32, #tpu.memory_space<vmem>>
    %dma_wait3A_47 = arith.constant 0 : i32
    %dma_wait3A_48 = tpu.memref_slice %arg2[%add3A_42, %dma_wait3A_47] : memref<16384x2048xf32, #tpu.memory_space<hbm>> -> memref<8x2048xf32, #tpu.memory_space<hbm>>
    %dma_wait3A_49 = arith.constant 0 : i32
    %dma_wait3A_50 = arith.constant 0 : i32
    %dma_wait3A_51 = tpu.memref_slice %arg5[%dma_wait3A, %dma_wait3A_49, %dma_wait3A_50] : memref<2x8x2048xf32, #tpu.memory_space<vmem>> -> memref<1x8x2048xf32, #tpu.memory_space<vmem>>
    %dma_wait3A_52 = tpu.memref_squeeze %dma_wait3A_51 : memref<1x8x2048xf32, #tpu.memory_space<vmem>> -> memref<8x2048xf32, #tpu.memory_space<vmem>>
    %dma_wait3A_53 = arith.constant 0 : i32
    %dma_wait3A_54 = tpu.memref_slice %arg2[%add3A_42, %dma_wait3A_53] : memref<16384x2048xf32, #tpu.memory_space<hbm>> -> memref<8x2048xf32, #tpu.memory_space<hbm>>
    tpu.wait_dma2 semaphore(%arg6 : memref<!tpu.dma_semaphore, #tpu.memory_space<semaphore_mem>>) src(%dma_wait3A_54 : memref<8x2048xf32, #tpu.memory_space<hbm>>) dst(%dma_wait3A_52 : memref<8x2048xf32, #tpu.memory_space<vmem>>)
    %add3A_55 = arith.constant 504 : i32
    %add3A_56 = arith.addi %mul3A_2, %add3A_55 : i32
    %dma_wait3A_57 = arith.constant 1 : i32
    %dma_wait3A_58 = arith.constant 0 : i32
    %dma_wait3A_59 = arith.constant 0 : i32
    %dma_wait3A_60 = tpu.memref_slice %arg5[%dma_wait3A_57, %dma_wait3A_58, %dma_wait3A_59] : memref<2x8x2048xf32, #tpu.memory_space<vmem>> -> memref<1x8x2048xf32, #tpu.memory_space<vmem>>
    %dma_wait3A_61 = tpu.memref_squeeze %dma_wait3A_60 : memref<1x8x2048xf32, #tpu.memory_space<vmem>> -> memref<8x2048xf32, #tpu.memory_space<vmem>>
    %dma_wait3A_62 = arith.constant 0 : i32
    %dma_wait3A_63 = tpu.memref_slice %arg2[%add3A_56, %dma_wait3A_62] : memref<16384x2048xf32, #tpu.memory_space<hbm>> -> memref<8x2048xf32, #tpu.memory_space<hbm>>
    %dma_wait3A_64 = arith.constant 0 : i32
    %dma_wait3A_65 = arith.constant 0 : i32
    %dma_wait3A_66 = tpu.memref_slice %arg5[%dma_wait3A_57, %dma_wait3A_64, %dma_wait3A_65] : memref<2x8x2048xf32, #tpu.memory_space<vmem>> -> memref<1x8x2048xf32, #tpu.memory_space<vmem>>
    %dma_wait3A_67 = tpu.memref_squeeze %dma_wait3A_66 : memref<1x8x2048xf32, #tpu.memory_space<vmem>> -> memref<8x2048xf32, #tpu.memory_space<vmem>>
    %dma_wait3A_68 = arith.constant 0 : i32
    %dma_wait3A_69 = tpu.memref_slice %arg2[%add3A_56, %dma_wait3A_68] : memref<16384x2048xf32, #tpu.memory_space<hbm>> -> memref<8x2048xf32, #tpu.memory_space<hbm>>
    tpu.wait_dma2 semaphore(%arg7 : memref<!tpu.dma_semaphore, #tpu.memory_space<semaphore_mem>>) src(%dma_wait3A_69 : memref<8x2048xf32, #tpu.memory_space<hbm>>) dst(%dma_wait3A_67 : memref<8x2048xf32, #tpu.memory_space<vmem>>)
    "tpu.region"() ({
      %run_scoped3A = tpu.sem_alloc : memref<!tpu.dma_semaphore, #tpu.memory_space<semaphore_mem>>
      %dma_start3A_70 = arith.constant 0 : i32
      %dma_start3A_71 = tpu.memref_slice %arg3[%add3A, %dma_start3A_70] : memref<32x65544xi32, #tpu.memory_space<hbm>> -> memref<1x65544xi32, #tpu.memory_space<hbm>>
      %dma_start3A_72 = tpu.memref_squeeze %dma_start3A_71 : memref<1x65544xi32, #tpu.memory_space<hbm>> -> memref<65544xi32, #tpu.memory_space<hbm>>
      %dma_start3A_73 = arith.constant 0 : i32
      %dma_start3A_74 = tpu.memref_slice %arg3[%add3A, %dma_start3A_73] : memref<32x65544xi32, #tpu.memory_space<hbm>> -> memref<1x65544xi32, #tpu.memory_space<hbm>>
      %dma_start3A_75 = tpu.memref_squeeze %dma_start3A_74 : memref<1x65544xi32, #tpu.memory_space<hbm>> -> memref<65544xi32, #tpu.memory_space<hbm>>
      tpu.enqueue_dma source(%arg4 : memref<65544xi32, #tpu.memory_space<vmem>>) target(%dma_start3A_75 : memref<65544xi32, #tpu.memory_space<hbm>>) target_semaphore(%run_scoped3A : memref<!tpu.dma_semaphore, #tpu.memory_space<semaphore_mem>>)
      %dma_wait3A_76 = arith.constant 0 : i32
      %dma_wait3A_77 = tpu.memref_slice %arg3[%add3A, %dma_wait3A_76] : memref<32x65544xi32, #tpu.memory_space<hbm>> -> memref<1x65544xi32, #tpu.memory_space<hbm>>
      %dma_wait3A_78 = tpu.memref_squeeze %dma_wait3A_77 : memref<1x65544xi32, #tpu.memory_space<hbm>> -> memref<65544xi32, #tpu.memory_space<hbm>>
      %dma_wait3A_79 = arith.constant 0 : i32
      %dma_wait3A_80 = tpu.memref_slice %arg3[%add3A, %dma_wait3A_79] : memref<32x65544xi32, #tpu.memory_space<hbm>> -> memref<1x65544xi32, #tpu.memory_space<hbm>>
      %dma_wait3A_81 = tpu.memref_squeeze %dma_wait3A_80 : memref<1x65544xi32, #tpu.memory_space<hbm>> -> memref<65544xi32, #tpu.memory_space<hbm>>
      tpu.wait_dma2 semaphore(%run_scoped3A : memref<!tpu.dma_semaphore, #tpu.memory_space<semaphore_mem>>) src(%arg4 : memref<65544xi32, #tpu.memory_space<vmem>>) dst(%dma_wait3A_81 : memref<65544xi32, #tpu.memory_space<hbm>>)
      tpu.yield
    }) : () -> ()
    return
  }
}

module attributes {stable_mosaic.version = 14 : i64} {
  func.func @_quant_body(%arg0: i32, %arg1: memref<1x1xf32, #tpu.memory_space<smem>>, %arg2: memref<1024x2048xf32, #tpu.memory_space<vmem>>, %arg3: memref<1024x2048xf32, #tpu.memory_space<vmem>>) attributes {dimension_semantics = [#tpu.dimension_semantics<arbitrary>], iteration_bounds = array<i64: 16>, scalar_prefetch = 0 : i64, scratch_operands = 0 : i64, tpu.core_type = #tpu.core_type<tc>, window_params = [{transform_indices = @transform_0, window_bounds = array<i64: 1, 1>}, {transform_indices = @transform_1, window_bounds = array<i64: 1024, 2048>}, {transform_indices = @transform_2, window_bounds = array<i64: 1024, 2048>}]} {
    %get3A = arith.constant 0 : index
    %get3A_0 = arith.constant 0 : index
    %get3A_1 = memref.load %arg1[%get3A, %get3A_0] : memref<1x1xf32, #tpu.memory_space<smem>>
    %eq3A = arith.constant 0.000000e+00 : f32
    %eq3A_2 = arith.cmpf oeq, %get3A_1, %eq3A : f32
    %jit3A = arith.constant 1.000000e+00 : f32
    %select_n3A = arith.select %eq3A_2, %jit3A, %get3A_1 : f32
    %get3A_3 = arith.constant 0 : index
    %get3A_4 = arith.constant 0 : index
    %get3A_5 = vector.load %arg2[%get3A_3, %get3A_4] : memref<1024x2048xf32, #tpu.memory_space<vmem>>, vector<1024x2048xf32>
    %neg3A = arith.constant 0.000000e+00 : f32
    %neg3A_6 = arith.subf %neg3A, %select_n3A : f32
    %max3A = vector.broadcast %neg3A_6 : f32 to vector<1024x2048xf32>
    %max3A_7 = arith.maximumf %max3A, %get3A_5 : vector<1024x2048xf32>
    %min3A = vector.broadcast %select_n3A : f32 to vector<1024x2048xf32>
    %min3A_8 = arith.minimumf %min3A, %max3A_7 : vector<1024x2048xf32>
    %div3A = vector.broadcast %select_n3A : f32 to vector<1024x2048xf32>
    %div3A_9 = arith.divf %min3A_8, %div3A : vector<1024x2048xf32>
    %mul3A = arith.constant 1.270000e+02 : f32
    %mul3A_10 = vector.broadcast %mul3A : f32 to vector<1024x2048xf32>
    %mul3A_11 = arith.mulf %div3A_9, %mul3A_10 : vector<1024x2048xf32>
    %round3A = math.roundeven %mul3A_11 : vector<1024x2048xf32>
    %div3A_12 = arith.constant 1.270000e+02 : f32
    %div3A_13 = vector.broadcast %div3A_12 : f32 to vector<1024x2048xf32>
    %div3A_14 = arith.divf %round3A, %div3A_13 : vector<1024x2048xf32>
    %mul3A_15 = vector.broadcast %select_n3A : f32 to vector<1024x2048xf32>
    %mul3A_16 = arith.mulf %div3A_14, %mul3A_15 : vector<1024x2048xf32>
    %eq3A_17 = arith.constant 0.000000e+00 : f32
    %eq3A_18 = arith.cmpf oeq, %get3A_1, %eq3A_17 : f32
    %select_n3A_19 = arith.select %eq3A_18, %get3A_5, %mul3A_16 : vector<1024x2048xf32>
    %swap3A = arith.constant 0 : index
    %swap3A_20 = arith.constant 0 : index
    %swap3A_21 = vector.load %arg3[%swap3A, %swap3A_20] : memref<1024x2048xf32, #tpu.memory_space<vmem>>, vector<1024x2048xf32>
    tpu.vector_store %arg3[%swap3A, %swap3A_20], %select_n3A_19 {strides = array<i32>} : memref<1024x2048xf32, #tpu.memory_space<vmem>>, vector<1024x2048xf32>,
    return
  }
  func.func @transform_0(%arg0: i32) -> (i32, i32) {
    %c0_i32 = arith.constant 0 : i32
    %c0_i32_0 = arith.constant 0 : i32
    %c0_i32_1 = arith.constant 0 : i32
    return %c0_i32, %c0_i32_0 : i32, i32
  }
  func.func @transform_1(%arg0: i32) -> (i32, i32) {
    %c0_i32 = arith.constant 0 : i32
    %c0_i32_0 = arith.constant 0 : i32
    return %arg0, %c0_i32 : i32, i32
  }
  func.func @transform_2(%arg0: i32) -> (i32, i32) {
    %c0_i32 = arith.constant 0 : i32
    %c0_i32_0 = arith.constant 0 : i32
    return %arg0, %c0_i32 : i32, i32
  }
}

</mosaic_0001>

<sc_bundles>
// kernel: kernel.5.cloned.1.call-start
scs
__scs_entry_jumppad:
0x0: {  	(pc) =	sbr.rel $0x88, $3  }
0x1: {  	(tag) =	ssettag $0x0;
	lr =	simm.s32 $0x1  }
0x2: {  	[smem:$0x3FA0] =	sst lr;
	_ =	strace $0xD0000000  }
0x3: {  	_ = 	snop  }
0x4: {  	_ = 	snop  }
0x5: {  	_ = 	snop  }
0x6: {  	_ = 	snop  }
0x7: {  	_ = 	snop  }
__scs_overlays_trampoline_lowered:
0x8: {  	[smem:$0x3FAF] =	sst s0  }
0x9: {  	[smem:$0x3FB0] =	sst s1  }
0xa: {  	[smem:$0x3FB1] =	sst s2  }
0xb: {  	[smem:$0x3FB2] =	sst s3  }
0xc: {  	[smem:$0x3FB3] =	sst s4  }
0xd: {  	[smem:$0x3FB4] =	sst s5  }
0xe: {  	[smem:$0x3FB5] =	sst s6  }
0xf: {  	[smem:$0x3FB6] =	sst s7  }
0x10: {  	[smem:$0x3FB7] =	sst s8  }
0x11: {  	[smem:$0x3FB8] =	sst s9;
	s0 =	simm.s32 @!p0 $0x0  }
0x12: {  	s1 =	sld [smem:$0x3F9E];
	s0 =	simm.s32 @p0 $0x1  }
0x13: {  	[smem:$0x3FB9] =	sst s0;
	s0 =	simm.s32 @!p1 $0x0  }
0x14: {  	s2 =	sld [smem:$0x3F9D];
	s0 =	simm.s32 @p1 $0x1  }
0x15: {  	[smem:$0x3FBA] =	sst s0;
	s0 =	simm.s32 @!p2 $0x0  }
0x16: {  	s3 =	sld [smem:$0x3FDB];
	s0 =	simm.s32 @p2 $0x1  }
0x17: {  	s4 =	simm.s32 $0x1BF5;
	[smem:$0x3FBC] =	sst s0  }
0x18: {  	s0 =	sld [smem:$0x3F9F];
	_ =	swait.ge [sflag:s4], $0x0  }
0x19: {  	s7 =	sld [smem:$0x3FA0]  }
0x1a: {  	s8 =	sadd.s32 $0xFFFFE003, lr  }
0x1b: {  	s9 =	sadd.s32 $0xFFFFFEF7, lr;
	s5 =	simm.s32 $0xFFFFFFFF;
	p2 =	slt.u32 s8, $0xFFFFF086  }
0x1c: {  	p1 =	slt.u32 s9, $0xF7A;
	s5 =	simm.s32 @!p2 $0x0  }
0x1d: {  	s5 =	simm.s32 @p1 $0x1;
	p0 =	seq.s32 s7, s2  }
0x1e: {  	s7 =	smul.u32 @!p0 $0xF7A, s2;
	p2 =	seq.s32 @!p0 s5, $0x0  }
0x1f: {  	s9 =	smul.u32 $0xF7A, s1;
	s8 =	simm.s32 @!p0 $0x1BF5;
	p2 =	por !p2, p0  }
0x20: {  	[sflag:s8] =	ssyncset.s32 @!p0 $0xFFFFF086;
	s6 =	sadd.s32 @!p0 s3, s7;
	s7 =	simm.s32 @!p0 $0x108  }
0x21: {  	s3 =	sadd.s32 s3, s9;
	s6 =	sadd.s32 @!p0 $0x88, s6;
	s7 =	simm.s32 @p2 $0x1082  }
0x22: {  	[simem:s7], [sflag:s8] =	dma.local @!p0 [hbm:s6], $0xF7A  }
0x23: {  	s9 =	sor.u32 $0xD0000000, s2;
	s6 =	simm.s32 $0x108;
	_ =	swait.ge @!p0 [sflag:s8], $0x0  }
0x24: {  	s3 =	sadd.s32 $0x88, s3;
	s6 =	simm.s32 @!p1 $0x1082;
	[sflag:s4] =	ssyncset.s32 $0xFFFFF086  }
0x25: {  	[simem:s6], [sflag:s4] =	dma.local [hbm:s3], $0xF7A  }
0x26: {  	[smem:$0x3FA0] =	sst s1;
	(tag) =	ssettag s2;
	_ =	strace s9  }
0x27: {  	s1 =	sld [smem:$0x3FB0]  }
0x28: {  	s2 =	sld [smem:$0x3FB1]  }
0x29: {  	s4 =	sld [smem:$0x3FB3]  }
0x2a: {  	p0 =	seq.s32 s5, $0x0;
	s5 =	sld [smem:$0x3FB4]  }
0x2b: {  	s6 =	sld [smem:$0x3FB5]  }
0x2c: {  	s7 =	sld [smem:$0x3FB6]  }
0x2d: {  	s3 =	simm.s32 $0x108;
	s8 =	sld [smem:$0x3FB7]  }
0x2e: {  	s3 =	simm.s32 @!p0 $0x1082;
	s9 =	sld [smem:$0x3FB8]  }
0x2f: {  	lr =	sadd.s32 s0, s3;
	s0 =	sld [smem:$0x3FAF]  }
0x30: {  	s3 =	sld [smem:$0x3FB2]  }
0x31: {  	[smem:$0x3FBB] =	sst s10  }
0x32: {  	s10 =	sld [smem:$0x3FB9];
	_ =	sdelay $0x3  }
0x33: {  	p0 =	seq.s32 s10, $0x1;
	s10 =	sld [smem:$0x3FBB];
	_ =	sdelay $0x3  }
0x34: {  	[smem:$0x3FBB] =	sst s10  }
0x35: {  	s10 =	sld [smem:$0x3FBA];
	_ =	sdelay $0x3  }
0x36: {  	p1 =	seq.s32 s10, $0x1;
	s10 =	sld [smem:$0x3FBB];
	_ =	sdelay $0x3  }
0x37: {  	[smem:$0x3FBB] =	sst s10  }
0x38: {  	s10 =	sld [smem:$0x3FBC]  }
0x39: {  	_ = 	snop;
	(pc) =	sbr.ind lr, $3  }
0x3a: {  	_ = 	snop  }
0x3b: {  	_ = 	snop  }
0x3c: {  	p2 =	seq.s32 s10, $0x1;
	s10 =	sld [smem:$0x3FBB]  }
0x3d: {  	_ =	shalt  }
0x3e: {  	_ =	shalt  }
0x3f: {  	_ =	shalt  }
0x40: {  	_ =	shalt  }
0x41: {  	_ =	shalt  }
0x42: {  	_ =	shalt  }
0x43: {  	_ =	shalt  }
0x44: {  	_ =	shalt  }
0x45: {  	_ =	shalt  }
0x46: {  	_ =	shalt  }
0x47: {  	_ =	shalt  }
0x48: {  	_ =	shalt  }
0x49: {  	_ =	shalt  }
0x4a: {  	_ =	shalt  }
0x4b: {  	_ =	shalt  }
0x4c: {  	_ =	shalt  }
0x4d: {  	_ =	shalt  }
0x4e: {  	_ =	shalt  }
0x4f: {  	_ =	shalt  }
0x50: {  	_ =	shalt  }
0x51: {  	_ =	shalt  }
0x52: {  	_ =	shalt  }
0x53: {  	_ =	shalt  }
0x54: {  	_ =	shalt  }
0x55: {  	_ =	shalt  }
0x56: {  	_ =	shalt  }
0x57: {  	_ =	shalt  }
0x58: {  	_ =	shalt  }
0x59: {  	_ =	shalt  }
0x5a: {  	_ =	shalt  }
0x5b: {  	_ =	shalt  }
0x5c: {  	_ =	shalt  }
0x5d: {  	_ =	shalt  }
0x5e: {  	_ =	shalt  }
0x5f: {  	_ =	shalt  }
0x60: {  	_ =	shalt  }
0x61: {  	_ =	shalt  }
0x62: {  	_ =	shalt  }
0x63: {  	_ =	shalt  }
0x64: {  	_ =	shalt  }
0x65: {  	_ =	shalt  }
0x66: {  	_ =	shalt  }
0x67: {  	_ =	shalt  }
0x68: {  	_ =	shalt  }
0x69: {  	_ =	shalt  }
0x6a: {  	_ =	shalt  }
0x6b: {  	_ =	shalt  }
0x6c: {  	_ =	shalt  }
0x6d: {  	_ =	shalt  }
0x6e: {  	_ =	shalt  }
0x6f: {  	_ =	shalt  }
0x70: {  	_ =	shalt  }
0x71: {  	_ =	shalt  }
0x72: {  	_ =	shalt  }
0x73: {  	_ =	shalt  }
0x74: {  	_ =	shalt  }
0x75: {  	_ =	shalt  }
0x76: {  	_ =	shalt  }
0x77: {  	_ =	shalt  }
0x78: {  	_ =	shalt  }
0x79: {  	_ =	shalt  }
0x7a: {  	_ =	shalt  }
0x7b: {  	_ =	shalt  }
0x7c: {  	_ =	shalt  }
0x7d: {  	_ =	shalt  }
0x7e: {  	_ =	shalt  }
0x7f: {  	_ =	shalt  }
0x80: {  	_ =	shalt  }
0x81: {  	_ =	shalt  }
0x82: {  	_ =	shalt  }
0x83: {  	_ =	shalt  }
0x84: {  	_ =	shalt  }
0x85: {  	_ =	shalt  }
0x86: {  	_ =	shalt  }
0x87: {  	_ =	shalt  }
.Lfunc_end0:
.L_simem_size_0:
called_computation_lowered:
.L_overlay_start_0:
0x88: {  	s2 =	sld [smem:$0x3FD9]  }
0x89: {  	s3 =	sld [smem:$0x3FFE];
	_ =	sdelay $0x1  }
0x8a: {  	s1 =	srdreg.scid  }
0x8b: {  	s0 =	sand.u32 $0x1, s1  }
0x8c: {  	s18 =	sshll.u32 s0, $0xA;
	s2 =	sadd.s32 s3, s2  }
0x8d: {  	s2 =	sadd.s32 s2, s18  }
0x8e: {  	[smem:$0x3FC7] =	sst s2  }
0x8f: {  	_ = 	snop  }
0x90: {  	s2 =	sld [smem:$0x3FC9]  }
0x91: {  	s19 =	sld [smem:$0x3FD0];
	(tm) =	ssettm $0x1  }
0x92: {  	s4 =	sld [smem:$0x3FFB];
	_ =	sdelay $0x3  }
0x93: {  	_ =	strace s4  }
0x94: {  	s4 =	sld [smem:$0x3FFC];
	_ =	sdelay $0x3  }
0x95: {  	_ =	strace s4  }
0x96: {  	s4 =	sld [smem:$0x3FFD];
	_ =	sdelay $0x3  }
0x97: {  	_ =	strace s4  }
0x98: {  	_ =	strace $0x8FFFFFFF  }
0x99: {  	s20 =	sld [smem:$0x3FDB];
	_ =	sdelay $0x1  }
0x9a: {  	s5 =	simm.s32 $_scs_section_size  }
0x9b: {  	s6 =	simm.s32 $_size__tile_overlayer_lowered;
	s7 =	simm.s32 $_tile_overlayer_lowered  }
0x9c: {  	s23 =	simm.s32 $0x1BFF;
	s22 =	sshll.u32 s7, $0x1;
	s4 =	sadd.s32 s5, s20  }
0x9d: {  	s8 =	simm.s32 $0x0;
	s21 =	sshll.u32 s6, $0x1;
	s6 =	sadd.s32 s22, s4  }
0x9e: {  	[timem:s8], [sflag:s23] =	dma.local [hbm:s6], s21  }
0x9f: {  	_ =	swait.ge [sflag:s23], s21  }
0xa0: {  	s5 =	ssub.s32 $0x0, s21;
	[sflag:s23] =	ssyncset.done $0x0  }
0xa1: {  	[sflag:s23] =	ssyncadd.s32 s5;
	_ =	sdelay $0x1  }
0xa2: {  	s24 =	simm.s32 $0x1B8B  }
0xa3: {  	_ =	swait.ge [sflag:s24], $0x1  }
0xa4: {  	[sflag:s24] =	ssyncset.done $0x0  }
0xa5: {  	s25 =	simm.s32 $0x1B8E;
	[sflag:s24] =	ssyncadd.s32 $0xFFFFFFFF  }
0xa6: {  	s26 =	simm.s32 $execute0_lowered;
	[smem:$0x3FD2] =	sst s25  }
0xa7: {  	s5 =	sshll.u32 s26, $0x1;
	_ =	strace $0x80000046;
	[dreg:$0x1] =	wrdreg $0xFFFFFFFF  }
0xa8: {  	s28 =	simm.s32 $_size_execute0_lowered;
	s4 =	sadd.s32 s4, s5;
	[dreg:$0x0] =	wrdreg $0x0  }
0xa9: {  	s5 =	sshll.u32 s28, $0x1;
	[dreg:$0x2] =	wrdreg s4  }
0xaa: {  	[dreg:$0x3] =	wrdreg s5  }
0xab: {  	[dreg:$0x4] =	wrdreg $0xC0  }
0xac: {  	_ =	task [dreg:s8], $0x5FFFF  }
0xad: {  	[dreg:$0x1] =	wrdreg $0xFFFFFFFF  }
0xae: {  	[dreg:$0x0] =	wrdreg $0x60  }
0xaf: {  	[dreg:$0x2] =	wrdreg s2  }
0xb0: {  	[dreg:$0x3] =	wrdreg s19  }
0xb1: {  	[dreg:$0x4] =	wrdreg $0x9  }
0xb2: {  	_ =	task.clear_ibuf [dreg:s8], $0x5FFFF;
	_ =	strace $0x90000046  }
0xb3: {  	s29 =	simm.s32 $0x9;
	_ =	strace $0x80000048  }
0xb4: {  	_ =	swait.ge [sflag:s29], $0x1  }
0xb5: {  	[sflag:s29] =	ssyncadd.s32 $0xFFFFFFFF  }
0xb6: {  	_ =	strace $0x90000048  }
0xb7: {  	_ =	sfence  }
0xb8: {  	s30 =	sld [smem:$0x0];
	_ =	sdelay $0x2  }
0xb9: {  	s31 =	sshll.u32 s1, $0xD;
	s1 =	sshrl.u32 s1, $0x2  }
0xba: {  	s3 =	sand.u32 $0x4000, s31;
	s1 =	sadd.s32 s1, s30  }
0xbb: {  	s0 =	sor.u32 s3, s0;
	s1 =	sshll.u32 s1, $0x11  }
0xbc: {  	s0 =	sor.u32 s1, s0  }
0xbd: {  	s0 =	sadd.s32 $0x8F2B, s0  }
0xbe: {  	[sflag:s0] =	ssyncadd.remote.s32 $0x1  }
0xbf: {  	_ =	sfence.sel $0xFFFF  }
0xc0: {  	[dreg:$0x0] =	wrdreg $0xFFFFFFFF;
	(pc) =	sbr.abs _section_cstart, $3  }
0xc1: {  	[dreg:$0x1] =	wrdreg $0xFFFFFFFF  }
0xc2: {  	_ =	task.clear_ibuf [dreg:s8], $0x2FFFF;
	_ =	strace $0x9FFFFFFF  }
0xc3: {  	(tm) =	ssettm $0x7FFFFFFF  }
tec
execute0_lowered:
.L_overlay_start_1:
0x0: {  	(tag) =	ssettag $0x1  }
0x1: {  	s3 =	rddreg [dreg:$0x0]  }
0x2: {  	s7 =	rddreg [dreg:$0x1]  }
0x3: {  	s0 =	rddreg [dreg:$0x2]  }
0x4: {  	s4 =	srdreg.scid;
	s1 =	stileid.u32  }
0x5: {  	s2 =	simm.s32 $0x0;
	s10 =	simm.s32 $0x14080;
	s11 =	simm.s32 $0x1  }
0x6: {  	s12 =	simm.s32 $0x2;
	s13 =	simm.s32 $0x80;
	s14 =	simm.s32 $0x400  }
0x7: {  	s15 =	simm.s32 $0x3;
	s16 =	simm.s32 $0x0;
	s4 =	sand.u32 $0x1, s4  }
0x8: {  	s5 =	sshll.u32 s1, $0x1;
	[smem:$0x7FF] =	sst s2;
	s6 =	sshrl.u32 s1, $0x2  }
0x9: {  	s5 =	sor.u32 s4, s5;
	_ =	strace $0x80000047;
	s6 =	smul.u32 $0x80400, s6  }
0xa: {  	s4 =	ssub.s32 $0x2, s4;
	s8 =	sshll.u32 s5, $0x7;
	s5 =	sshll.u32 s5, $0x11  }
0xb: {  	s9 =	sshrl.u32 s4, $0x1;
	s8 =	sand.u32 $0x380, s8;
	s3 =	sadd.s32 s3, s5  }
0xc: {  	s30 =	ssub.s32 s4, s9;
	s9 =	simm.s32 $0x10080;
	s29 =	sor.u32 s6, s8  }
0xd: {  	s4 =	sadd.s32 $0x800, s3;
	s5 =	sadd.s32 $0x1000, s3;
	s31 =	sshrl.u32 s29, $0x3  }
0xe: {  	v0 =	vimm.s32 $0x0;
	v1 =	vimm.s32 $0x1;
	s6 =	sadd.s32 $0x1800, s3;
	s8 =	smax.u32 s30, $0x1;
	s7 =	sadd.s32 s7, s31  }
.LBB2_1:
0xf: {  	s17 =	simm.s32 $0x40  }
0x10: {  	[tilespmem:s17+$0xFFFFFFC0] =	vst v0  }
0x11: {  	[tilespmem:s17+$0x30] =	vst v0  }
0x12: {  	[tilespmem:s17+$0x20] =	vst v0  }
0x13: {  	[tilespmem:s17+$0x10] =	vst v0  }
0x14: {  	[tilespmem:s17+$0x0] =	vst v0  }
0x15: {  	[tilespmem:s17+$0xFFFFFFF0] =	vst v0  }
0x16: {  	s18 =	simm.s32 $0x0;
	[tilespmem:s17+$0xFFFFFFE0] =	vst v0  }
.LBB2_2:
0x17: {  	s18 =	sadd.s32 $0x8, s18;
	[tilespmem:s17+$0xFFFFFFD0] =	vst v0;
	s17 =	sadd.s32 $0x80, s17  }
0x18: {  	[tilespmem:s17+$0xFFFFFFC0] =	vst v0;
	p0 =	slt.u32 s18, $0xFF8  }
0x19: {  	[tilespmem:s17+$0x30] =	vst v0  }
.Ltmp0:
0x1a: {  	[tilespmem:s17+$0x20] =	vst v0;
	(pc) =	sbr.rel @p0 .LBB2_2-.Ltmp0, $4  }
0x1b: {  	[tilespmem:s17+$0x10] =	vst v0  }
0x1c: {  	[tilespmem:s17+$0x0] =	vst v0  }
0x1d: {  	[tilespmem:s17+$0xFFFFFFF0] =	vst v0  }
0x1e: {  	[tilespmem:s17+$0xFFFFFFE0] =	vst v0  }
0x1f: {  	[tilespmem:s17+$0xFFFFFFD0] =	vst v0;
	s17 =	simm.s32 $0x0  }
0x20: {  	[tilespmem:s9], [sflag:$0x1] =	stream.linear.gather [hbm4b:s3+s17], $0x4000, $0x38;
	[tilespmem:$0x18080] =	vst v63  }
0x21: {  	_ = 	snop  }
0x22: {  	[tilespmem:s10], [sflag:$0x2] =	stream.linear.gather [hbm4b:s4+s17], $0x4000, $0x38;
	[tilespmem:$0x18080] =	vst v63  }
.LBB2_4:
0x23: {  	_ =	swait.ge [sflag:s11], $0x4000  }
0x24: {  	[sflag:s11] =	ssyncset.done $0x0  }
0x25: {  	s18 =	simm.s32 $0x100C0;
	[sflag:s11] =	ssyncadd.s32 $0xFFFFC000  }
0x26: {  	v2 =	vld [tilespmem:s18+$0x30]  }
0x27: {  	v3 =	vld [tilespmem:s18+$0xFFFFFFD0]  }
0x28: {  	v4 =	vld [tilespmem:s18+$0xFFFFFFE0]  }
0x29: {  	v5 =	vld [tilespmem:s18+$0xFFFFFFF0];
	_ =	sdelay $0x1  }
0x2a: {  	v6 =	vld [tilespmem:s18+$0x0];
	v2 =	vand.u32 $0x7FFFFFFF, v2  }
0x2b: {  	v7 =	vld [tilespmem:s18+$0x10];
	v3 =	vand.u32 $0x7FFFFFFF, v3;
	v2 =	vadd.s32 $0x7FFF, v2  }
0x2c: {  	v8 =	vld [tilespmem:s18+$0x20];
	v4 =	vand.u32 $0x7FFFFFFF, v4;
	v3 =	vadd.s32 $0x7FFF, v3;
	v2 =	vshra.s32 v2, $0xF  }
0x2d: {  	v9 =	vld [tilespmem:s18+$0xFFFFFFC0];
	v5 =	vand.u32 $0x7FFFFFFF, v5;
	v4 =	vadd.s32 $0x7FFF, v4;
	v3 =	vshra.s32 v3, $0xF  }
0x2e: {  	v5 =	vadd.s32 $0x7FFF, v5;
	v4 =	vshra.s32 v4, $0xF  }
0x2f: {  	v10 =	vshra.s32 v5, $0xF  }
0x30: {  	v5 =	vand.u32 $0x7FFFFFFF, v6  }
0x31: {  	v6 =	vand.u32 $0x7FFFFFFF, v7;
	v5 =	vadd.s32 $0x7FFF, v5;
	[tilespmem:v2+s2+$0x0] =	vst.idx.add.s32.msk $0xffff, v1  }
0x32: {  	v7 =	vand.u32 $0x7FFFFFFF, v9;
	v2 =	vshra.s32 v5, $0xF;
	v5 =	vand.u32 $0x7FFFFFFF, v8;
	[tilespmem:v3+s2+$0x0] =	vst.idx.add.s32.msk $0xffff, v1  }
0x33: {  	v3 =	vadd.s32 $0x7FFF, v6;
	v6 =	vadd.s32 $0x7FFF, v7;
	[tilespmem:v4+s2+$0x0] =	vst.idx.add.s32.msk $0xffff, v1;
	v5 =	vadd.s32 $0x7FFF, v5  }
0x34: {  	s19 =	simm.s32 $0x0;
	s20 =	simm.s32 $0x104C0;
	s18 =	simm.s32 $0x10170;
	[tilespmem:v10+s2+$0x0] =	vst.idx.add.s32.msk $0xffff, v1;
	v3 =	vshra.s32 v3, $0xF;
	v4 =	vshra.s32 v5, $0xF;
	v5 =	vshra.s32 v6, $0xF  }
.LBB2_5:
0x35: {  	v6 =	vld [tilespmem:s20+$0x30];
	s19 =	sadd.s32 $0x8, s19  }
0x36: {  	v7 =	vld [tilespmem:s20+$0xFFFFFFD0];
	p0 =	slt.u32 s19, $0x78  }
0x37: {  	v8 =	vld [tilespmem:s20+$0xFFFFFFE0]  }
0x38: {  	v9 =	vld [tilespmem:s20+$0xFFFFFFF0]  }
0x39: {  	v10 =	vld [tilespmem:s20+$0x0]  }
0x3a: {  	v11 =	vld [tilespmem:s20+$0x10];
	v6 =	vand.u32 $0x7FFFFFFF, v6  }
0x3b: {  	v7 =	vand.u32 $0x7FFFFFFF, v7;
	v12 =	vld [tilespmem:s20+$0x20];
	v6 =	vadd.s32 $0x7FFF, v6  }
0x3c: {  	v13 =	vld [tilespmem:s20+$0xFFFFFFC0];
	v7 =	vadd.s32 $0x7FFF, v7;
	v8 =	vand.u32 $0x7FFFFFFF, v8;
	v6 =	vshra.s32 v6, $0xF  }
0x3d: {  	v7 =	vshra.s32 v7, $0xF;
	v8 =	vadd.s32 $0x7FFF, v8;
	v9 =	vand.u32 $0x7FFFFFFF, v9;
	[tilespmem:v5+s2+$0x0] =	vst.idx.add.s32.msk $0xffff, v1  }
0x3e: {  	v8 =	vshra.s32 v8, $0xF;
	v5 =	vadd.s32 $0x7FFF, v9;
	v9 =	vand.u32 $0x7FFFFFFF, v10;
	[tilespmem:v2+s2+$0x0] =	vst.idx.add.s32.msk $0xffff, v1  }
0x3f: {  	v10 =	vshra.s32 v5, $0xF;
	v2 =	vadd.s32 $0x7FFF, v9;
	v5 =	vand.u32 $0x7FFFFFFF, v11;
	[tilespmem:v3+s2+$0x0] =	vst.idx.add.s32.msk $0xffff, v1  }
.Ltmp1:
0x40: {  	v2 =	vshra.s32 v2, $0xF;
	v3 =	vadd.s32 $0x7FFF, v5;
	v5 =	vand.u32 $0x7FFFFFFF, v12;
	[tilespmem:v4+s2+$0x0] =	vst.idx.add.s32.msk $0xffff, v1;
	(pc) =	sbr.rel @p0 .LBB2_5-.Ltmp1, $4  }
0x41: {  	v4 =	vand.u32 $0x7FFFFFFF, v13;
	v3 =	vshra.s32 v3, $0xF;
	v5 =	vadd.s32 $0x7FFF, v5;
	[tilespmem:v6+s2+$0x0] =	vst.idx.add.s32.msk $0xffff, v1  }
0x42: {  	v6 =	vadd.s32 $0x7FFF, v4;
	[tilespmem:v7+s2+$0x0] =	vst.idx.add.s32.msk $0xffff, v1;
	v4 =	vshra.s32 v5, $0xF  }
0x43: {  	v5 =	vshra.s32 v6, $0xF;
	[tilespmem:v8+s2+$0x0] =	vst.idx.add.s32.msk $0xffff, v1  }
0x44: {  	s20 =	sadd.s32 $0x400, s20;
	[tilespmem:v10+s2+$0x0] =	vst.idx.add.s32.msk $0xffff, v1  }
0x45: {  	_ =	sdelay $0x3  }
0x46: {  	[tilespmem:v5+s2+$0x0] =	vst.idx.add.s32.msk $0xffff, v1  }
0x47: {  	[tilespmem:v2+s2+$0x0] =	vst.idx.add.s32.msk $0xffff, v1  }
0x48: {  	[tilespmem:v3+s2+$0x0] =	vst.idx.add.s32.msk $0xffff, v1  }
0x49: {  	[tilespmem:v4+s2+$0x0] =	vst.idx.add.s32.msk $0xffff, v1  }
0x4a: {  	v2 =	vld [tilespmem:s18+$0x0]  }
0x4b: {  	v3 =	vld [tilespmem:s18+$0xFFFFFFA0]  }
0x4c: {  	v4 =	vld [tilespmem:s18+$0xFFFFFFB0]  }
0x4d: {  	v5 =	vld [tilespmem:s18+$0xFFFFFFC0];
	_ =	sdelay $0x1  }
0x4e: {  	v6 =	vld [tilespmem:s18+$0xFFFFFFD0];
	v2 =	vand.u32 $0x7FFFFFFF, v2  }
0x4f: {  	v7 =	vld [tilespmem:s18+$0xFFFFFFE0];
	v3 =	vand.u32 $0x7FFFFFFF, v3;
	v2 =	vadd.s32 $0x7FFF, v2  }
0x50: {  	v8 =	vld [tilespmem:s18+$0xFFFFFFF0];
	v4 =	vand.u32 $0x7FFFFFFF, v4;
	v3 =	vadd.s32 $0x7FFF, v3;
	v2 =	vshra.s32 v2, $0xF  }
0x51: {  	v9 =	vld [tilespmem:s18+$0xFFFFFF90];
	v5 =	vand.u32 $0x7FFFFFFF, v5;
	v4 =	vadd.s32 $0x7FFF, v4;
	v3 =	vshra.s32 v3, $0xF  }
0x52: {  	v5 =	vadd.s32 $0x7FFF, v5;
	v4 =	vshra.s32 v4, $0xF  }
0x53: {  	v10 =	vshra.s32 v5, $0xF  }
0x54: {  	v5 =	vand.u32 $0x7FFFFFFF, v6  }
0x55: {  	v6 =	vand.u32 $0x7FFFFFFF, v7;
	v5 =	vadd.s32 $0x7FFF, v5;
	[tilespmem:v2+s2+$0x0] =	vst.idx.add.s32.msk $0xffff, v1  }
0x56: {  	v7 =	vand.u32 $0x7FFFFFFF, v9;
	v2 =	vshra.s32 v5, $0xF;
	v5 =	vand.u32 $0x7FFFFFFF, v8;
	[tilespmem:v3+s2+$0x0] =	vst.idx.add.s32.msk $0xffff, v1  }
0x57: {  	v3 =	vadd.s32 $0x7FFF, v6;
	v6 =	vadd.s32 $0x7FFF, v7;
	[tilespmem:v4+s2+$0x0] =	vst.idx.add.s32.msk $0xffff, v1;
	v5 =	vadd.s32 $0x7FFF, v5  }
0x58: {  	s19 =	simm.s32 $0x0;
	s20 =	simm.s32 $0x10570;
	s18 =	simm.s32 $0x101F0;
	[tilespmem:v10+s2+$0x0] =	vst.idx.add.s32.msk $0xffff, v1;
	v3 =	vshra.s32 v3, $0xF;
	v4 =	vshra.s32 v5, $0xF;
	v5 =	vshra.s32 v6, $0xF  }
.LBB2_7:
0x59: {  	v6 =	vld [tilespmem:s20+$0x0];
	s19 =	sadd.s32 $0x8, s19  }
0x5a: {  	v7 =	vld [tilespmem:s20+$0xFFFFFFA0];
	p0 =	slt.u32 s19, $0x78  }
0x5b: {  	v8 =	vld [tilespmem:s20+$0xFFFFFFB0]  }
0x5c: {  	v9 =	vld [tilespmem:s20+$0xFFFFFFC0]  }
0x5d: {  	v10 =	vld [tilespmem:s20+$0xFFFFFFD0]  }
0x5e: {  	v11 =	vld [tilespmem:s20+$0xFFFFFFE0];
	v6 =	vand.u32 $0x7FFFFFFF, v6  }
0x5f: {  	v7 =	vand.u32 $0x7FFFFFFF, v7;
	v12 =	vld [tilespmem:s20+$0xFFFFFFF0];
	v6 =	vadd.s32 $0x7FFF, v6  }
0x60: {  	v13 =	vld [tilespmem:s20+$0xFFFFFF90];
	v7 =	vadd.s32 $0x7FFF, v7;
	v8 =	vand.u32 $0x7FFFFFFF, v8;
	v6 =	vshra.s32 v6, $0xF  }
0x61: {  	v7 =	vshra.s32 v7, $0xF;
	v8 =	vadd.s32 $0x7FFF, v8;
	v9 =	vand.u32 $0x7FFFFFFF, v9;
	[tilespmem:v5+s2+$0x0] =	vst.idx.add.s32.msk $0xffff, v1  }
0x62: {  	v8 =	vshra.s32 v8, $0xF;
	v5 =	vadd.s32 $0x7FFF, v9;
	v9 =	vand.u32 $0x7FFFFFFF, v10;
	[tilespmem:v2+s2+$0x0] =	vst.idx.add.s32.msk $0xffff, v1  }
0x63: {  	v10 =	vshra.s32 v5, $0xF;
	v2 =	vadd.s32 $0x7FFF, v9;
	v5 =	vand.u32 $0x7FFFFFFF, v11;
	[tilespmem:v3+s2+$0x0] =	vst.idx.add.s32.msk $0xffff, v1  }
.Ltmp2:
0x64: {  	v2 =	vshra.s32 v2, $0xF;
	v3 =	vadd.s32 $0x7FFF, v5;
	v5 =	vand.u32 $0x7FFFFFFF, v12;
	[tilespmem:v4+s2+$0x0] =	vst.idx.add.s32.msk $0xffff, v1;
	(pc) =	sbr.rel @p0 .LBB2_7-.Ltmp2, $4  }
0x65: {  	v4 =	vand.u32 $0x7FFFFFFF, v13;
	v3 =	vshra.s32 v3, $0xF;
	v5 =	vadd.s32 $0x7FFF, v5;
	[tilespmem:v6+s2+$0x0] =	vst.idx.add.s32.msk $0xffff, v1  }
0x66: {  	v6 =	vadd.s32 $0x7FFF, v4;
	[tilespmem:v7+s2+$0x0] =	vst.idx.add.s32.msk $0xffff, v1;
	v4 =	vshra.s32 v5, $0xF  }
0x67: {  	v5 =	vshra.s32 v6, $0xF;
	[tilespmem:v8+s2+$0x0] =	vst.idx.add.s32.msk $0xffff, v1  }
0x68: {  	s20 =	sadd.s32 $0x400, s20;
	[tilespmem:v10+s2+$0x0] =	vst.idx.add.s32.msk $0xffff, v1  }
0x69: {  	_ =	sdelay $0x3  }
0x6a: {  	[tilespmem:v5+s2+$0x0] =	vst.idx.add.s32.msk $0xffff, v1  }
0x6b: {  	[tilespmem:v2+s2+$0x0] =	vst.idx.add.s32.msk $0xffff, v1  }
0x6c: {  	[tilespmem:v3+s2+$0x0] =	vst.idx.add.s32.msk $0xffff, v1  }
0x6d: {  	[tilespmem:v4+s2+$0x0] =	vst.idx.add.s32.msk $0xffff, v1  }
0x6e: {  	v2 =	vld [tilespmem:s18+$0x0]  }
0x6f: {  	v3 =	vld [tilespmem:s18+$0xFFFFFFA0]  }
0x70: {  	v4 =	vld [tilespmem:s18+$0xFFFFFFB0]  }
0x71: {  	v5 =	vld [tilespmem:s18+$0xFFFFFFC0];
	_ =	sdelay $0x1  }
0x72: {  	v6 =	vld [tilespmem:s18+$0xFFFFFFD0];
	v2 =	vand.u32 $0x7FFFFFFF, v2  }
0x73: {  	v7 =	vld [tilespmem:s18+$0xFFFFFFE0];
	v3 =	vand.u32 $0x7FFFFFFF, v3;
	v2 =	vadd.s32 $0x7FFF, v2  }
0x74: {  	v8 =	vld [tilespmem:s18+$0xFFFFFFF0];
	v4 =	vand.u32 $0x7FFFFFFF, v4;
	v3 =	vadd.s32 $0x7FFF, v3;
	v2 =	vshra.s32 v2, $0xF  }
0x75: {  	v9 =	vld [tilespmem:s18+$0xFFFFFF90];
	v5 =	vand.u32 $0x7FFFFFFF, v5;
	v4 =	vadd.s32 $0x7FFF, v4;
	v3 =	vshra.s32 v3, $0xF  }
0x76: {  	v5 =	vadd.s32 $0x7FFF, v5;
	v4 =	vshra.s32 v4, $0xF  }
0x77: {  	v10 =	vshra.s32 v5, $0xF  }
0x78: {  	v5 =	vand.u32 $0x7FFFFFFF, v6  }
0x79: {  	v6 =	vand.u32 $0x7FFFFFFF, v7;
	v5 =	vadd.s32 $0x7FFF, v5;
	[tilespmem:v2+s2+$0x0] =	vst.idx.add.s32.msk $0xffff, v1  }
0x7a: {  	v7 =	vand.u32 $0x7FFFFFFF, v9;
	v2 =	vshra.s32 v5, $0xF;
	v5 =	vand.u32 $0x7FFFFFFF, v8;
	[tilespmem:v3+s2+$0x0] =	vst.idx.add.s32.msk $0xffff, v1  }
0x7b: {  	v3 =	vadd.s32 $0x7FFF, v6;
	v6 =	vadd.s32 $0x7FFF, v7;
	[tilespmem:v4+s2+$0x0] =	vst.idx.add.s32.msk $0xffff, v1;
	v5 =	vadd.s32 $0x7FFF, v5  }
0x7c: {  	s19 =	simm.s32 $0x0;
	s20 =	simm.s32 $0x105F0;
	s18 =	simm.s32 $0x10270;
	[tilespmem:v10+s2+$0x0] =	vst.idx.add.s32.msk $0xffff, v1;
	v3 =	vshra.s32 v3, $0xF;
	v4 =	vshra.s32 v5, $0xF;
	v5 =	vshra.s32 v6, $0xF  }
.LBB2_9:
0x7d: {  	v6 =	vld [tilespmem:s20+$0x0];
	s19 =	sadd.s32 $0x8, s19  }
0x7e: {  	v7 =	vld [tilespmem:s20+$0xFFFFFFA0];
	p0 =	slt.u32 s19, $0x78  }
0x7f: {  	v8 =	vld [tilespmem:s20+$0xFFFFFFB0]  }
0x80: {  	v9 =	vld [tilespmem:s20+$0xFFFFFFC0]  }
0x81: {  	v10 =	vld [tilespmem:s20+$0xFFFFFFD0]  }
0x82: {  	v11 =	vld [tilespmem:s20+$0xFFFFFFE0];
	v6 =	vand.u32 $0x7FFFFFFF, v6  }
0x83: {  	v7 =	vand.u32 $0x7FFFFFFF, v7;
	v12 =	vld [tilespmem:s20+$0xFFFFFFF0];
	v6 =	vadd.s32 $0x7FFF, v6  }
0x84: {  	v13 =	vld [tilespmem:s20+$0xFFFFFF90];
	v7 =	vadd.s32 $0x7FFF, v7;
	v8 =	vand.u32 $0x7FFFFFFF, v8;
	v6 =	vshra.s32 v6, $0xF  }
0x85: {  	v7 =	vshra.s32 v7, $0xF;
	v8 =	vadd.s32 $0x7FFF, v8;
	v9 =	vand.u32 $0x7FFFFFFF, v9;
	[tilespmem:v5+s2+$0x0] =	vst.idx.add.s32.msk $0xffff, v1  }
0x86: {  	v8 =	vshra.s32 v8, $0xF;
	v5 =	vadd.s32 $0x7FFF, v9;
	v9 =	vand.u32 $0x7FFFFFFF, v10;
	[tilespmem:v2+s2+$0x0] =	vst.idx.add.s32.msk $0xffff, v1  }
0x87: {  	v10 =	vshra.s32 v5, $0xF;
	v2 =	vadd.s32 $0x7FFF, v9;
	v5 =	vand.u32 $0x7FFFFFFF, v11;
	[tilespmem:v3+s2+$0x0] =	vst.idx.add.s32.msk $0xffff, v1  }
.Ltmp3:
0x88: {  	v2 =	vshra.s32 v2, $0xF;
	v3 =	vadd.s32 $0x7FFF, v5;
	v5 =	vand.u32 $0x7FFFFFFF, v12;
	[tilespmem:v4+s2+$0x0] =	vst.idx.add.s32.msk $0xffff, v1;
	(pc) =	sbr.rel @p0 .LBB2_9-.Ltmp3, $4  }
0x89: {  	v4 =	vand.u32 $0x7FFFFFFF, v13;
	v3 =	vshra.s32 v3, $0xF;
	v5 =	vadd.s32 $0x7FFF, v5;
	[tilespmem:v6+s2+$0x0] =	vst.idx.add.s32.msk $0xffff, v1  }
0x8a: {  	v6 =	vadd.s32 $0x7FFF, v4;
	[tilespmem:v7+s2+$0x0] =	vst.idx.add.s32.msk $0xffff, v1;
	v4 =	vshra.s32 v5, $0xF  }
0x8b: {  	v5 =	vshra.s32 v6, $0xF;
	[tilespmem:v8+s2+$0x0] =	vst.idx.add.s32.msk $0xffff, v1  }
0x8c: {  	s20 =	sadd.s32 $0x400, s20;
	[tilespmem:v10+s2+$0x0] =	vst.idx.add.s32.msk $0xffff, v1  }
0x8d: {  	_ =	sdelay $0x3  }
0x8e: {  	[tilespmem:v5+s2+$0x0] =	vst.idx.add.s32.msk $0xffff, v1  }
0x8f: {  	[tilespmem:v2+s2+$0x0] =	vst.idx.add.s32.msk $0xffff, v1  }
0x90: {  	[tilespmem:v3+s2+$0x0] =	vst.idx.add.s32.msk $0xffff, v1  }
0x91: {  	[tilespmem:v4+s2+$0x0] =	vst.idx.add.s32.msk $0xffff, v1  }
0x92: {  	v2 =	vld [tilespmem:s18+$0x0]  }
0x93: {  	v3 =	vld [tilespmem:s18+$0xFFFFFFA0]  }
0x94: {  	v4 =	vld [tilespmem:s18+$0xFFFFFFB0]  }
0x95: {  	v5 =	vld [tilespmem:s18+$0xFFFFFFC0];
	_ =	sdelay $0x1  }
0x96: {  	v6 =	vld [tilespmem:s18+$0xFFFFFFD0];
	v2 =	vand.u32 $0x7FFFFFFF, v2  }
0x97: {  	v7 =	vld [tilespmem:s18+$0xFFFFFFE0];
	v3 =	vand.u32 $0x7FFFFFFF, v3;
	v2 =	vadd.s32 $0x7FFF, v2  }
0x98: {  	v8 =	vld [tilespmem:s18+$0xFFFFFFF0];
	v4 =	vand.u32 $0x7FFFFFFF, v4;
	v3 =	vadd.s32 $0x7FFF, v3;
	v2 =	vshra.s32 v2, $0xF  }
0x99: {  	v9 =	vld [tilespmem:s18+$0xFFFFFF90];
	v5 =	vand.u32 $0x7FFFFFFF, v5;
	v4 =	vadd.s32 $0x7FFF, v4;
	v3 =	vshra.s32 v3, $0xF  }
0x9a: {  	v5 =	vadd.s32 $0x7FFF, v5;
	v4 =	vshra.s32 v4, $0xF  }
0x9b: {  	v10 =	vshra.s32 v5, $0xF  }
0x9c: {  	v5 =	vand.u32 $0x7FFFFFFF, v6  }
0x9d: {  	v6 =	vand.u32 $0x7FFFFFFF, v7;
	v5 =	vadd.s32 $0x7FFF, v5;
	[tilespmem:v2+s2+$0x0] =	vst.idx.add.s32.msk $0xffff, v1  }
0x9e: {  	v7 =	vand.u32 $0x7FFFFFFF, v9;
	v2 =	vshra.s32 v5, $0xF;
	v5 =	vand.u32 $0x7FFFFFFF, v8;
	[tilespmem:v3+s2+$0x0] =	vst.idx.add.s32.msk $0xffff, v1  }
0x9f: {  	v3 =	vadd.s32 $0x7FFF, v6;
	v6 =	vadd.s32 $0x7FFF, v7;
	[tilespmem:v4+s2+$0x0] =	vst.idx.add.s32.msk $0xffff, v1;
	v5 =	vadd.s32 $0x7FFF, v5  }
0xa0: {  	s19 =	simm.s32 $0x0;
	s20 =	simm.s32 $0x10670;
	s18 =	simm.s32 $0x102F0;
	[tilespmem:v10+s2+$0x0] =	vst.idx.add.s32.msk $0xffff, v1;
	v3 =	vshra.s32 v3, $0xF;
	v4 =	vshra.s32 v5, $0xF;
	v5 =	vshra.s32 v6, $0xF  }
.LBB2_11:
0xa1: {  	v6 =	vld [tilespmem:s20+$0x0];
	s19 =	sadd.s32 $0x8, s19  }
0xa2: {  	v7 =	vld [tilespmem:s20+$0xFFFFFFA0];
	p0 =	slt.u32 s19, $0x78  }
0xa3: {  	v8 =	vld [tilespmem:s20+$0xFFFFFFB0]  }
0xa4: {  	v9 =	vld [tilespmem:s20+$0xFFFFFFC0]  }
0xa5: {  	v10 =	vld [tilespmem:s20+$0xFFFFFFD0]  }
0xa6: {  	v11 =	vld [tilespmem:s20+$0xFFFFFFE0];
	v6 =	vand.u32 $0x7FFFFFFF, v6  }
0xa7: {  	v7 =	vand.u32 $0x7FFFFFFF, v7;
	v12 =	vld [tilespmem:s20+$0xFFFFFFF0];
	v6 =	vadd.s32 $0x7FFF, v6  }
0xa8: {  	v13 =	vld [tilespmem:s20+$0xFFFFFF90];
	v7 =	vadd.s32 $0x7FFF, v7;
	v8 =	vand.u32 $0x7FFFFFFF, v8;
	v6 =	vshra.s32 v6, $0xF  }
0xa9: {  	v7 =	vshra.s32 v7, $0xF;
	v8 =	vadd.s32 $0x7FFF, v8;
	v9 =	vand.u32 $0x7FFFFFFF, v9;
	[tilespmem:v5+s2+$0x0] =	vst.idx.add.s32.msk $0xffff, v1  }
0xaa: {  	v8 =	vshra.s32 v8, $0xF;
	v5 =	vadd.s32 $0x7FFF, v9;
	v9 =	vand.u32 $0x7FFFFFFF, v10;
	[tilespmem:v2+s2+$0x0] =	vst.idx.add.s32.msk $0xffff, v1  }
0xab: {  	v10 =	vshra.s32 v5, $0xF;
	v2 =	vadd.s32 $0x7FFF, v9;
	v5 =	vand.u32 $0x7FFFFFFF, v11;
	[tilespmem:v3+s2+$0x0] =	vst.idx.add.s32.msk $0xffff, v1  }
.Ltmp4:
0xac: {  	v2 =	vshra.s32 v2, $0xF;
	v3 =	vadd.s32 $0x7FFF, v5;
	v5 =	vand.u32 $0x7FFFFFFF, v12;
	[tilespmem:v4+s2+$0x0] =	vst.idx.add.s32.msk $0xffff, v1;
	(pc) =	sbr.rel @p0 .LBB2_11-.Ltmp4, $4  }
0xad: {  	v4 =	vand.u32 $0x7FFFFFFF, v13;
	v3 =	vshra.s32 v3, $0xF;
	v5 =	vadd.s32 $0x7FFF, v5;
	[tilespmem:v6+s2+$0x0] =	vst.idx.add.s32.msk $0xffff, v1  }
0xae: {  	v6 =	vadd.s32 $0x7FFF, v4;
	[tilespmem:v7+s2+$0x0] =	vst.idx.add.s32.msk $0xffff, v1;
	v4 =	vshra.s32 v5, $0xF  }
0xaf: {  	v5 =	vshra.s32 v6, $0xF;
	[tilespmem:v8+s2+$0x0] =	vst.idx.add.s32.msk $0xffff, v1  }
0xb0: {  	s20 =	sadd.s32 $0x400, s20;
	[tilespmem:v10+s2+$0x0] =	vst.idx.add.s32.msk $0xffff, v1  }
0xb1: {  	_ =	sdelay $0x3  }
0xb2: {  	[tilespmem:v5+s2+$0x0] =	vst.idx.add.s32.msk $0xffff, v1  }
0xb3: {  	[tilespmem:v2+s2+$0x0] =	vst.idx.add.s32.msk $0xffff, v1  }
0xb4: {  	[tilespmem:v3+s2+$0x0] =	vst.idx.add.s32.msk $0xffff, v1  }
0xb5: {  	[tilespmem:v4+s2+$0x0] =	vst.idx.add.s32.msk $0xffff, v1  }
0xb6: {  	v2 =	vld [tilespmem:s18+$0x0]  }
0xb7: {  	v3 =	vld [tilespmem:s18+$0xFFFFFFA0]  }
0xb8: {  	v4 =	vld [tilespmem:s18+$0xFFFFFFB0]  }
0xb9: {  	v5 =	vld [tilespmem:s18+$0xFFFFFFC0];
	_ =	sdelay $0x1  }
0xba: {  	v6 =	vld [tilespmem:s18+$0xFFFFFFD0];
	v2 =	vand.u32 $0x7FFFFFFF, v2  }
0xbb: {  	v7 =	vld [tilespmem:s18+$0xFFFFFFE0];
	v3 =	vand.u32 $0x7FFFFFFF, v3;
	v2 =	vadd.s32 $0x7FFF, v2  }
0xbc: {  	v8 =	vld [tilespmem:s18+$0xFFFFFFF0];
	v4 =	vand.u32 $0x7FFFFFFF, v4;
	v3 =	vadd.s32 $0x7FFF, v3;
	v2 =	vshra.s32 v2, $0xF  }
0xbd: {  	v9 =	vld [tilespmem:s18+$0xFFFFFF90];
	v5 =	vand.u32 $0x7FFFFFFF, v5;
	v4 =	vadd.s32 $0x7FFF, v4;
	v3 =	vshra.s32 v3, $0xF  }
0xbe: {  	v5 =	vadd.s32 $0x7FFF, v5;
	v4 =	vshra.s32 v4, $0xF  }
0xbf: {  	v10 =	vshra.s32 v5, $0xF  }
0xc0: {  	v5 =	vand.u32 $0x7FFFFFFF, v6  }
0xc1: {  	v6 =	vand.u32 $0x7FFFFFFF, v7;
	v5 =	vadd.s32 $0x7FFF, v5;
	[tilespmem:v2+s2+$0x0] =	vst.idx.add.s32.msk $0xffff, v1  }
0xc2: {  	v7 =	vand.u32 $0x7FFFFFFF, v9;
	v2 =	vshra.s32 v5, $0xF;
	v5 =	vand.u32 $0x7FFFFFFF, v8;
	[tilespmem:v3+s2+$0x0] =	vst.idx.add.s32.msk $0xffff, v1  }
0xc3: {  	v3 =	vadd.s32 $0x7FFF, v6;
	v6 =	vadd.s32 $0x7FFF, v7;
	[tilespmem:v4+s2+$0x0] =	vst.idx.add.s32.msk $0xffff, v1;
	v5 =	vadd.s32 $0x7FFF, v5  }
0xc4: {  	s19 =	simm.s32 $0x0;
	s20 =	simm.s32 $0x106F0;
	s18 =	simm.s32 $0x10370;
	[tilespmem:v10+s2+$0x0] =	vst.idx.add.s32.msk $0xffff, v1;
	v3 =	vshra.s32 v3, $0xF;
	v4 =	vshra.s32 v5, $0xF;
	v5 =	vshra.s32 v6, $0xF  }
.LBB2_13:
0xc5: {  	v6 =	vld [tilespmem:s20+$0x0];
	s19 =	sadd.s32 $0x8, s19  }
0xc6: {  	v7 =	vld [tilespmem:s20+$0xFFFFFFA0];
	p0 =	slt.u32 s19, $0x78  }
0xc7: {  	v8 =	vld [tilespmem:s20+$0xFFFFFFB0]  }
0xc8: {  	v9 =	vld [tilespmem:s20+$0xFFFFFFC0]  }
0xc9: {  	v10 =	vld [tilespmem:s20+$0xFFFFFFD0]  }
0xca: {  	v11 =	vld [tilespmem:s20+$0xFFFFFFE0];
	v6 =	vand.u32 $0x7FFFFFFF, v6  }
0xcb: {  	v7 =	vand.u32 $0x7FFFFFFF, v7;
	v12 =	vld [tilespmem:s20+$0xFFFFFFF0];
	v6 =	vadd.s32 $0x7FFF, v6  }
0xcc: {  	v13 =	vld [tilespmem:s20+$0xFFFFFF90];
	v7 =	vadd.s32 $0x7FFF, v7;
	v8 =	vand.u32 $0x7FFFFFFF, v8;
	v6 =	vshra.s32 v6, $0xF  }
0xcd: {  	v7 =	vshra.s32 v7, $0xF;
	v8 =	vadd.s32 $0x7FFF, v8;
	v9 =	vand.u32 $0x7FFFFFFF, v9;
	[tilespmem:v5+s2+$0x0] =	vst.idx.add.s32.msk $0xffff, v1  }
0xce: {  	v8 =	vshra.s32 v8, $0xF;
	v5 =	vadd.s32 $0x7FFF, v9;
	v9 =	vand.u32 $0x7FFFFFFF, v10;
	[tilespmem:v2+s2+$0x0] =	vst.idx.add.s32.msk $0xffff, v1  }
0xcf: {  	v10 =	vshra.s32 v5, $0xF;
	v2 =	vadd.s32 $0x7FFF, v9;
	v5 =	vand.u32 $0x7FFFFFFF, v11;
	[tilespmem:v3+s2+$0x0] =	vst.idx.add.s32.msk $0xffff, v1  }
.Ltmp5:
0xd0: {  	v2 =	vshra.s32 v2, $0xF;
	v3 =	vadd.s32 $0x7FFF, v5;
	v5 =	vand.u32 $0x7FFFFFFF, v12;
	[tilespmem:v4+s2+$0x0] =	vst.idx.add.s32.msk $0xffff, v1;
	(pc) =	sbr.rel @p0 .LBB2_13-.Ltmp5, $4  }
0xd1: {  	v4 =	vand.u32 $0x7FFFFFFF, v13;
	v3 =	vshra.s32 v3, $0xF;
	v5 =	vadd.s32 $0x7FFF, v5;
	[tilespmem:v6+s2+$0x0] =	vst.idx.add.s32.msk $0xffff, v1  }
0xd2: {  	v6 =	vadd.s32 $0x7FFF, v4;
	[tilespmem:v7+s2+$0x0] =	vst.idx.add.s32.msk $0xffff, v1;
	v4 =	vshra.s32 v5, $0xF  }
0xd3: {  	v5 =	vshra.s32 v6, $0xF;
	[tilespmem:v8+s2+$0x0] =	vst.idx.add.s32.msk $0xffff, v1  }
0xd4: {  	s20 =	sadd.s32 $0x400, s20;
	[tilespmem:v10+s2+$0x0] =	vst.idx.add.s32.msk $0xffff, v1  }
0xd5: {  	_ =	sdelay $0x3  }
0xd6: {  	[tilespmem:v5+s2+$0x0] =	vst.idx.add.s32.msk $0xffff, v1  }
0xd7: {  	[tilespmem:v2+s2+$0x0] =	vst.idx.add.s32.msk $0xffff, v1  }
0xd8: {  	[tilespmem:v3+s2+$0x0] =	vst.idx.add.s32.msk $0xffff, v1  }
0xd9: {  	[tilespmem:v4+s2+$0x0] =	vst.idx.add.s32.msk $0xffff, v1  }
0xda: {  	v2 =	vld [tilespmem:s18+$0x0]  }
0xdb: {  	v3 =	vld [tilespmem:s18+$0xFFFFFFA0]  }
0xdc: {  	v4 =	vld [tilespmem:s18+$0xFFFFFFB0]  }
0xdd: {  	v5 =	vld [tilespmem:s18+$0xFFFFFFC0];
	_ =	sdelay $0x1  }
0xde: {  	v6 =	vld [tilespmem:s18+$0xFFFFFFD0];
	v2 =	vand.u32 $0x7FFFFFFF, v2  }
0xdf: {  	v7 =	vld [tilespmem:s18+$0xFFFFFFE0];
	v3 =	vand.u32 $0x7FFFFFFF, v3;
	v2 =	vadd.s32 $0x7FFF, v2  }
0xe0: {  	v8 =	vld [tilespmem:s18+$0xFFFFFFF0];
	v4 =	vand.u32 $0x7FFFFFFF, v4;
	v3 =	vadd.s32 $0x7FFF, v3;
	v2 =	vshra.s32 v2, $0xF  }
0xe1: {  	v9 =	vld [tilespmem:s18+$0xFFFFFF90];
	v5 =	vand.u32 $0x7FFFFFFF, v5;
	v4 =	vadd.s32 $0x7FFF, v4;
	v3 =	vshra.s32 v3, $0xF  }
0xe2: {  	v5 =	vadd.s32 $0x7FFF, v5;
	v4 =	vshra.s32 v4, $0xF  }
0xe3: {  	v10 =	vshra.s32 v5, $0xF  }
0xe4: {  	v5 =	vand.u32 $0x7FFFFFFF, v6  }
0xe5: {  	v6 =	vand.u32 $0x7FFFFFFF, v7;
	v5 =	vadd.s32 $0x7FFF, v5;
	[tilespmem:v2+s2+$0x0] =	vst.idx.add.s32.msk $0xffff, v1  }
0xe6: {  	v7 =	vand.u32 $0x7FFFFFFF, v9;
	v2 =	vshra.s32 v5, $0xF;
	v5 =	vand.u32 $0x7FFFFFFF, v8;
	[tilespmem:v3+s2+$0x0] =	vst.idx.add.s32.msk $0xffff, v1  }
0xe7: {  	v3 =	vadd.s32 $0x7FFF, v6;
	v6 =	vadd.s32 $0x7FFF, v7;
	[tilespmem:v4+s2+$0x0] =	vst.idx.add.s32.msk $0xffff, v1;
	v5 =	vadd.s32 $0x7FFF, v5  }
0xe8: {  	s19 =	simm.s32 $0x0;
	s20 =	simm.s32 $0x10770;
	s18 =	simm.s32 $0x103F0;
	[tilespmem:v10+s2+$0x0] =	vst.idx.add.s32.msk $0xffff, v1;
	v3 =	vshra.s32 v3, $0xF;
	v4 =	vshra.s32 v5, $0xF;
	v5 =	vshra.s32 v6, $0xF  }
.LBB2_15:
0xe9: {  	v6 =	vld [tilespmem:s20+$0x0];
	s19 =	sadd.s32 $0x8, s19  }
0xea: {  	v7 =	vld [tilespmem:s20+$0xFFFFFFA0];
	p0 =	slt.u32 s19, $0x78  }
0xeb: {  	v8 =	vld [tilespmem:s20+$0xFFFFFFB0]  }
0xec: {  	v9 =	vld [tilespmem:s20+$0xFFFFFFC0]  }
0xed: {  	v10 =	vld [tilespmem:s20+$0xFFFFFFD0]  }
0xee: {  	v11 =	vld [tilespmem:s20+$0xFFFFFFE0];
	v6 =	vand.u32 $0x7FFFFFFF, v6  }
0xef: {  	v7 =	vand.u32 $0x7FFFFFFF, v7;
	v12 =	vld [tilespmem:s20+$0xFFFFFFF0];
	v6 =	vadd.s32 $0x7FFF, v6  }
0xf0: {  	v13 =	vld [tilespmem:s20+$0xFFFFFF90];
	v7 =	vadd.s32 $0x7FFF, v7;
	v8 =	vand.u32 $0x7FFFFFFF, v8;
	v6 =	vshra.s32 v6, $0xF  }
0xf1: {  	v7 =	vshra.s32 v7, $0xF;
	v8 =	vadd.s32 $0x7FFF, v8;
	v9 =	vand.u32 $0x7FFFFFFF, v9;
	[tilespmem:v5+s2+$0x0] =	vst.idx.add.s32.msk $0xffff, v1  }
0xf2: {  	v8 =	vshra.s32 v8, $0xF;
	v5 =	vadd.s32 $0x7FFF, v9;
	v9 =	vand.u32 $0x7FFFFFFF, v10;
	[tilespmem:v2+s2+$0x0] =	vst.idx.add.s32.msk $0xffff, v1  }
0xf3: {  	v10 =	vshra.s32 v5, $0xF;
	v2 =	vadd.s32 $0x7FFF, v9;
	v5 =	vand.u32 $0x7FFFFFFF, v11;
	[tilespmem:v3+s2+$0x0] =	vst.idx.add.s32.msk $0xffff, v1  }
.Ltmp6:
0xf4: {  	v2 =	vshra.s32 v2, $0xF;
	v3 =	vadd.s32 $0x7FFF, v5;
	v5 =	vand.u32 $0x7FFFFFFF, v12;
	[tilespmem:v4+s2+$0x0] =	vst.idx.add.s32.msk $0xffff, v1;
	(pc) =	sbr.rel @p0 .LBB2_15-.Ltmp6, $4  }
0xf5: {  	v4 =	vand.u32 $0x7FFFFFFF, v13;
	v3 =	vshra.s32 v3, $0xF;
	v5 =	vadd.s32 $0x7FFF, v5;
	[tilespmem:v6+s2+$0x0] =	vst.idx.add.s32.msk $0xffff, v1  }
0xf6: {  	v6 =	vadd.s32 $0x7FFF, v4;
	[tilespmem:v7+s2+$0x0] =	vst.idx.add.s32.msk $0xffff, v1;
	v4 =	vshra.s32 v5, $0xF  }
0xf7: {  	v5 =	vshra.s32 v6, $0xF;
	[tilespmem:v8+s2+$0x0] =	vst.idx.add.s32.msk $0xffff, v1  }
0xf8: {  	s20 =	sadd.s32 $0x400, s20;
	[tilespmem:v10+s2+$0x0] =	vst.idx.add.s32.msk $0xffff, v1  }
0xf9: {  	_ =	sdelay $0x3  }
0xfa: {  	[tilespmem:v5+s2+$0x0] =	vst.idx.add.s32.msk $0xffff, v1  }
0xfb: {  	[tilespmem:v2+s2+$0x0] =	vst.idx.add.s32.msk $0xffff, v1  }
0xfc: {  	[tilespmem:v3+s2+$0x0] =	vst.idx.add.s32.msk $0xffff, v1  }
0xfd: {  	[tilespmem:v4+s2+$0x0] =	vst.idx.add.s32.msk $0xffff, v1  }
0xfe: {  	v2 =	vld [tilespmem:s18+$0x0]  }
0xff: {  	v3 =	vld [tilespmem:s18+$0xFFFFFFA0]  }
0x100: {  	v4 =	vld [tilespmem:s18+$0xFFFFFFB0]  }
0x101: {  	v5 =	vld [tilespmem:s18+$0xFFFFFFC0];
	_ =	sdelay $0x1  }
0x102: {  	v6 =	vld [tilespmem:s18+$0xFFFFFFD0];
	v2 =	vand.u32 $0x7FFFFFFF, v2  }
0x103: {  	v7 =	vld [tilespmem:s18+$0xFFFFFFE0];
	v3 =	vand.u32 $0x7FFFFFFF, v3;
	v2 =	vadd.s32 $0x7FFF, v2  }
0x104: {  	v8 =	vld [tilespmem:s18+$0xFFFFFFF0];
	v4 =	vand.u32 $0x7FFFFFFF, v4;
	v3 =	vadd.s32 $0x7FFF, v3;
	v2 =	vshra.s32 v2, $0xF  }
0x105: {  	v9 =	vld [tilespmem:s18+$0xFFFFFF90];
	v5 =	vand.u32 $0x7FFFFFFF, v5;
	v4 =	vadd.s32 $0x7FFF, v4;
	v3 =	vshra.s32 v3, $0xF  }
0x106: {  	v5 =	vadd.s32 $0x7FFF, v5;
	v4 =	vshra.s32 v4, $0xF  }
0x107: {  	v10 =	vshra.s32 v5, $0xF  }
0x108: {  	v5 =	vand.u32 $0x7FFFFFFF, v6  }
0x109: {  	v6 =	vand.u32 $0x7FFFFFFF, v7;
	v5 =	vadd.s32 $0x7FFF, v5;
	[tilespmem:v2+s2+$0x0] =	vst.idx.add.s32.msk $0xffff, v1  }
0x10a: {  	v7 =	vand.u32 $0x7FFFFFFF, v9;
	v2 =	vshra.s32 v5, $0xF;
	v5 =	vand.u32 $0x7FFFFFFF, v8;
	[tilespmem:v3+s2+$0x0] =	vst.idx.add.s32.msk $0xffff, v1  }
0x10b: {  	v3 =	vadd.s32 $0x7FFF, v6;
	v6 =	vadd.s32 $0x7FFF, v7;
	[tilespmem:v4+s2+$0x0] =	vst.idx.add.s32.msk $0xffff, v1;
	v5 =	vadd.s32 $0x7FFF, v5  }
0x10c: {  	s19 =	simm.s32 $0x0;
	s20 =	simm.s32 $0x107F0;
	s18 =	simm.s32 $0x10470;
	[tilespmem:v10+s2+$0x0] =	vst.idx.add.s32.msk $0xffff, v1;
	v3 =	vshra.s32 v3, $0xF;
	v4 =	vshra.s32 v5, $0xF;
	v5 =	vshra.s32 v6, $0xF  }
.LBB2_17:
0x10d: {  	v6 =	vld [tilespmem:s20+$0x0];
	s19 =	sadd.s32 $0x8, s19  }
0x10e: {  	v7 =	vld [tilespmem:s20+$0xFFFFFFA0];
	p0 =	slt.u32 s19, $0x78  }
0x10f: {  	v8 =	vld [tilespmem:s20+$0xFFFFFFB0]  }
0x110: {  	v9 =	vld [tilespmem:s20+$0xFFFFFFC0]  }
0x111: {  	v10 =	vld [tilespmem:s20+$0xFFFFFFD0]  }
0x112: {  	v11 =	vld [tilespmem:s20+$0xFFFFFFE0];
	v6 =	vand.u32 $0x7FFFFFFF, v6  }
0x113: {  	v7 =	vand.u32 $0x7FFFFFFF, v7;
	v12 =	vld [tilespmem:s20+$0xFFFFFFF0];
	v6 =	vadd.s32 $0x7FFF, v6  }
0x114: {  	v13 =	vld [tilespmem:s20+$0xFFFFFF90];
	v7 =	vadd.s32 $0x7FFF, v7;
	v8 =	vand.u32 $0x7FFFFFFF, v8;
	v6 =	vshra.s32 v6, $0xF  }
0x115: {  	v7 =	vshra.s32 v7, $0xF;
	v8 =	vadd.s32 $0x7FFF, v8;
	v9 =	vand.u32 $0x7FFFFFFF, v9;
	[tilespmem:v5+s2+$0x0] =	vst.idx.add.s32.msk $0xffff, v1  }
0x116: {  	v8 =	vshra.s32 v8, $0xF;
	v5 =	vadd.s32 $0x7FFF, v9;
	v9 =	vand.u32 $0x7FFFFFFF, v10;
	[tilespmem:v2+s2+$0x0] =	vst.idx.add.s32.msk $0xffff, v1  }
0x117: {  	v10 =	vshra.s32 v5, $0xF;
	v2 =	vadd.s32 $0x7FFF, v9;
	v5 =	vand.u32 $0x7FFFFFFF, v11;
	[tilespmem:v3+s2+$0x0] =	vst.idx.add.s32.msk $0xffff, v1  }
.Ltmp7:
0x118: {  	v2 =	vshra.s32 v2, $0xF;
	v3 =	vadd.s32 $0x7FFF, v5;
	v5 =	vand.u32 $0x7FFFFFFF, v12;
	[tilespmem:v4+s2+$0x0] =	vst.idx.add.s32.msk $0xffff, v1;
	(pc) =	sbr.rel @p0 .LBB2_17-.Ltmp7, $4  }
0x119: {  	v4 =	vand.u32 $0x7FFFFFFF, v13;
	v3 =	vshra.s32 v3, $0xF;
	v5 =	vadd.s32 $0x7FFF, v5;
	[tilespmem:v6+s2+$0x0] =	vst.idx.add.s32.msk $0xffff, v1  }
0x11a: {  	v6 =	vadd.s32 $0x7FFF, v4;
	[tilespmem:v7+s2+$0x0] =	vst.idx.add.s32.msk $0xffff, v1;
	v4 =	vshra.s32 v5, $0xF  }
0x11b: {  	v5 =	vshra.s32 v6, $0xF;
	[tilespmem:v8+s2+$0x0] =	vst.idx.add.s32.msk $0xffff, v1  }
0x11c: {  	s20 =	sadd.s32 $0x400, s20;
	[tilespmem:v10+s2+$0x0] =	vst.idx.add.s32.msk $0xffff, v1  }
0x11d: {  	_ =	sdelay $0x3  }
0x11e: {  	[tilespmem:v5+s2+$0x0] =	vst.idx.add.s32.msk $0xffff, v1  }
0x11f: {  	[tilespmem:v2+s2+$0x0] =	vst.idx.add.s32.msk $0xffff, v1  }
0x120: {  	[tilespmem:v3+s2+$0x0] =	vst.idx.add.s32.msk $0xffff, v1  }
0x121: {  	[tilespmem:v4+s2+$0x0] =	vst.idx.add.s32.msk $0xffff, v1  }
0x122: {  	v2 =	vld [tilespmem:s18+$0x0]  }
0x123: {  	v3 =	vld [tilespmem:s18+$0xFFFFFFA0]  }
0x124: {  	v4 =	vld [tilespmem:s18+$0xFFFFFFB0]  }
0x125: {  	v5 =	vld [tilespmem:s18+$0xFFFFFFC0];
	_ =	sdelay $0x1  }
0x126: {  	v6 =	vld [tilespmem:s18+$0xFFFFFFD0];
	v2 =	vand.u32 $0x7FFFFFFF, v2  }
0x127: {  	v7 =	vld [tilespmem:s18+$0xFFFFFFE0];
	v3 =	vand.u32 $0x7FFFFFFF, v3;
	v2 =	vadd.s32 $0x7FFF, v2  }
0x128: {  	v8 =	vld [tilespmem:s18+$0xFFFFFFF0];
	v4 =	vand.u32 $0x7FFFFFFF, v4;
	v3 =	vadd.s32 $0x7FFF, v3;
	v2 =	vshra.s32 v2, $0xF  }
0x129: {  	v9 =	vld [tilespmem:s18+$0xFFFFFF90];
	v5 =	vand.u32 $0x7FFFFFFF, v5;
	v4 =	vadd.s32 $0x7FFF, v4;
	v3 =	vshra.s32 v3, $0xF  }
0x12a: {  	v5 =	vadd.s32 $0x7FFF, v5;
	v4 =	vshra.s32 v4, $0xF  }
0x12b: {  	v10 =	vshra.s32 v5, $0xF  }
0x12c: {  	v5 =	vand.u32 $0x7FFFFFFF, v6  }
0x12d: {  	v6 =	vand.u32 $0x7FFFFFFF, v7;
	v5 =	vadd.s32 $0x7FFF, v5;
	[tilespmem:v2+s2+$0x0] =	vst.idx.add.s32.msk $0xffff, v1  }
0x12e: {  	v7 =	vand.u32 $0x7FFFFFFF, v9;
	v2 =	vshra.s32 v5, $0xF;
	v5 =	vand.u32 $0x7FFFFFFF, v8;
	[tilespmem:v3+s2+$0x0] =	vst.idx.add.s32.msk $0xffff, v1  }
0x12f: {  	v3 =	vadd.s32 $0x7FFF, v6;
	v6 =	vadd.s32 $0x7FFF, v7;
	[tilespmem:v4+s2+$0x0] =	vst.idx.add.s32.msk $0xffff, v1;
	v5 =	vadd.s32 $0x7FFF, v5  }
0x130: {  	s19 =	simm.s32 $0x10870;
	s18 =	simm.s32 $0x0;
	[tilespmem:v10+s2+$0x0] =	vst.idx.add.s32.msk $0xffff, v1;
	v3 =	vshra.s32 v3, $0xF;
	v4 =	vshra.s32 v5, $0xF;
	v5 =	vshra.s32 v6, $0xF  }
.LBB2_19:
0x131: {  	v6 =	vld [tilespmem:s19+$0x0];
	s18 =	sadd.s32 $0x8, s18  }
0x132: {  	v7 =	vld [tilespmem:s19+$0xFFFFFFA0];
	p0 =	slt.u32 s18, $0x78  }
0x133: {  	v8 =	vld [tilespmem:s19+$0xFFFFFFB0]  }
0x134: {  	v9 =	vld [tilespmem:s19+$0xFFFFFFC0]  }
0x135: {  	v10 =	vld [tilespmem:s19+$0xFFFFFFD0]  }
0x136: {  	v11 =	vld [tilespmem:s19+$0xFFFFFFE0];
	v6 =	vand.u32 $0x7FFFFFFF, v6  }
0x137: {  	v7 =	vand.u32 $0x7FFFFFFF, v7;
	v12 =	vld [tilespmem:s19+$0xFFFFFFF0];
	v6 =	vadd.s32 $0x7FFF, v6  }
0x138: {  	v13 =	vld [tilespmem:s19+$0xFFFFFF90];
	v7 =	vadd.s32 $0x7FFF, v7;
	v8 =	vand.u32 $0x7FFFFFFF, v8;
	v6 =	vshra.s32 v6, $0xF  }
0x139: {  	v7 =	vshra.s32 v7, $0xF;
	v8 =	vadd.s32 $0x7FFF, v8;
	v9 =	vand.u32 $0x7FFFFFFF, v9;
	[tilespmem:v5+s2+$0x0] =	vst.idx.add.s32.msk $0xffff, v1  }
0x13a: {  	v8 =	vshra.s32 v8, $0xF;
	v5 =	vadd.s32 $0x7FFF, v9;
	v9 =	vand.u32 $0x7FFFFFFF, v10;
	[tilespmem:v2+s2+$0x0] =	vst.idx.add.s32.msk $0xffff, v1  }
0x13b: {  	v10 =	vshra.s32 v5, $0xF;
	v2 =	vadd.s32 $0x7FFF, v9;
	v5 =	vand.u32 $0x7FFFFFFF, v11;
	[tilespmem:v3+s2+$0x0] =	vst.idx.add.s32.msk $0xffff, v1  }
.Ltmp8:
0x13c: {  	v2 =	vshra.s32 v2, $0xF;
	v3 =	vadd.s32 $0x7FFF, v5;
	v5 =	vand.u32 $0x7FFFFFFF, v12;
	[tilespmem:v4+s2+$0x0] =	vst.idx.add.s32.msk $0xffff, v1;
	(pc) =	sbr.rel @p0 .LBB2_19-.Ltmp8, $4  }
0x13d: {  	v4 =	vand.u32 $0x7FFFFFFF, v13;
	v3 =	vshra.s32 v3, $0xF;
	v5 =	vadd.s32 $0x7FFF, v5;
	[tilespmem:v6+s2+$0x0] =	vst.idx.add.s32.msk $0xffff, v1  }
0x13e: {  	v6 =	vadd.s32 $0x7FFF, v4;
	[tilespmem:v7+s2+$0x0] =	vst.idx.add.s32.msk $0xffff, v1;
	v4 =	vshra.s32 v5, $0xF  }
0x13f: {  	v5 =	vshra.s32 v6, $0xF;
	[tilespmem:v8+s2+$0x0] =	vst.idx.add.s32.msk $0xffff, v1  }
0x140: {  	s19 =	sadd.s32 $0x400, s19;
	[tilespmem:v10+s2+$0x0] =	vst.idx.add.s32.msk $0xffff, v1  }
0x141: {  	_ =	sdelay $0x3  }
0x142: {  	[tilespmem:v5+s2+$0x0] =	vst.idx.add.s32.msk $0xffff, v1;
	s18 =	sshll.u32 s17, $0x1  }
0x143: {  	[tilespmem:v2+s2+$0x0] =	vst.idx.add.s32.msk $0xffff, v1;
	s18 =	smin.u32 s18, $0x3C  }
0x144: {  	[tilespmem:v3+s2+$0x0] =	vst.idx.add.s32.msk $0xffff, v1;
	s18 =	sshll.u32 s18, $0xB  }
0x145: {  	[tilespmem:v4+s2+$0x0] =	vst.idx.add.s32.msk $0xffff, v1;
	s19 =	sadd.s32 s18, s5  }
0x146: {  	[tilespmem:s9], [sflag:$0x1] =	stream.linear.gather [hbm4b:s19+s2], $0x4000, $0x38;
	[tilespmem:$0x18080] =	vst v63  }
0x147: {  	_ =	swait.ge [sflag:s12], $0x4000  }
0x148: {  	[sflag:s12] =	ssyncset.done $0x0  }
0x149: {  	s31 =	simm.s32 $0x140F0;
	[sflag:s12] =	ssyncadd.s32 $0xFFFFC000  }
0x14a: {  	v2 =	vld [tilespmem:s31+$0x0]  }
0x14b: {  	v3 =	vld [tilespmem:s31+$0xFFFFFFA0]  }
0x14c: {  	v4 =	vld [tilespmem:s31+$0xFFFFFFB0]  }
0x14d: {  	v5 =	vld [tilespmem:s31+$0xFFFFFFC0];
	_ =	sdelay $0x1  }
0x14e: {  	v6 =	vld [tilespmem:s31+$0xFFFFFFD0];
	v2 =	vand.u32 $0x7FFFFFFF, v2  }
0x14f: {  	v7 =	vld [tilespmem:s31+$0xFFFFFFE0];
	v3 =	vand.u32 $0x7FFFFFFF, v3;
	v2 =	vadd.s32 $0x7FFF, v2  }
0x150: {  	v8 =	vld [tilespmem:s31+$0xFFFFFFF0];
	v4 =	vand.u32 $0x7FFFFFFF, v4;
	v3 =	vadd.s32 $0x7FFF, v3;
	v2 =	vshra.s32 v2, $0xF  }
0x151: {  	v9 =	vld [tilespmem:s31+$0xFFFFFF90];
	v5 =	vand.u32 $0x7FFFFFFF, v5;
	v4 =	vadd.s32 $0x7FFF, v4;
	v3 =	vshra.s32 v3, $0xF  }
0x152: {  	v5 =	vadd.s32 $0x7FFF, v5;
	v4 =	vshra.s32 v4, $0xF  }
0x153: {  	v10 =	vshra.s32 v5, $0xF  }
0x154: {  	v5 =	vand.u32 $0x7FFFFFFF, v6  }
0x155: {  	v6 =	vand.u32 $0x7FFFFFFF, v7;
	v5 =	vadd.s32 $0x7FFF, v5;
	[tilespmem:v2+s2+$0x0] =	vst.idx.add.s32.msk $0xffff, v1  }
0x156: {  	v7 =	vand.u32 $0x7FFFFFFF, v9;
	v2 =	vshra.s32 v5, $0xF;
	v5 =	vand.u32 $0x7FFFFFFF, v8;
	[tilespmem:v3+s2+$0x0] =	vst.idx.add.s32.msk $0xffff, v1  }
0x157: {  	v3 =	vadd.s32 $0x7FFF, v6;
	v6 =	vadd.s32 $0x7FFF, v7;
	[tilespmem:v4+s2+$0x0] =	vst.idx.add.s32.msk $0xffff, v1;
	v5 =	vadd.s32 $0x7FFF, v5  }
0x158: {  	s20 =	simm.s32 $0x0;
	s21 =	simm.s32 $0x144F0;
	s19 =	simm.s32 $0x14170;
	[tilespmem:v10+s2+$0x0] =	vst.idx.add.s32.msk $0xffff, v1;
	v3 =	vshra.s32 v3, $0xF;
	v4 =	vshra.s32 v5, $0xF;
	v5 =	vshra.s32 v6, $0xF  }
.LBB2_21:
0x159: {  	v6 =	vld [tilespmem:s21+$0x0];
	s20 =	sadd.s32 $0x8, s20  }
0x15a: {  	v7 =	vld [tilespmem:s21+$0xFFFFFFA0];
	p0 =	slt.u32 s20, $0x78  }
0x15b: {  	v8 =	vld [tilespmem:s21+$0xFFFFFFB0]  }
0x15c: {  	v9 =	vld [tilespmem:s21+$0xFFFFFFC0]  }
0x15d: {  	v10 =	vld [tilespmem:s21+$0xFFFFFFD0]  }
0x15e: {  	v11 =	vld [tilespmem:s21+$0xFFFFFFE0];
	v6 =	vand.u32 $0x7FFFFFFF, v6  }
0x15f: {  	v7 =	vand.u32 $0x7FFFFFFF, v7;
	v12 =	vld [tilespmem:s21+$0xFFFFFFF0];
	v6 =	vadd.s32 $0x7FFF, v6  }
0x160: {  	v13 =	vld [tilespmem:s21+$0xFFFFFF90];
	v7 =	vadd.s32 $0x7FFF, v7;
	v8 =	vand.u32 $0x7FFFFFFF, v8;
	v6 =	vshra.s32 v6, $0xF  }
0x161: {  	v7 =	vshra.s32 v7, $0xF;
	v8 =	vadd.s32 $0x7FFF, v8;
	v9 =	vand.u32 $0x7FFFFFFF, v9;
	[tilespmem:v5+s2+$0x0] =	vst.idx.add.s32.msk $0xffff, v1  }
0x162: {  	v8 =	vshra.s32 v8, $0xF;
	v5 =	vadd.s32 $0x7FFF, v9;
	v9 =	vand.u32 $0x7FFFFFFF, v10;
	[tilespmem:v2+s2+$0x0] =	vst.idx.add.s32.msk $0xffff, v1  }
0x163: {  	v10 =	vshra.s32 v5, $0xF;
	v2 =	vadd.s32 $0x7FFF, v9;
	v5 =	vand.u32 $0x7FFFFFFF, v11;
	[tilespmem:v3+s2+$0x0] =	vst.idx.add.s32.msk $0xffff, v1  }
.Ltmp9:
0x164: {  	v2 =	vshra.s32 v2, $0xF;
	v3 =	vadd.s32 $0x7FFF, v5;
	v5 =	vand.u32 $0x7FFFFFFF, v12;
	[tilespmem:v4+s2+$0x0] =	vst.idx.add.s32.msk $0xffff, v1;
	(pc) =	sbr.rel @p0 .LBB2_21-.Ltmp9, $4  }
0x165: {  	v4 =	vand.u32 $0x7FFFFFFF, v13;
	v3 =	vshra.s32 v3, $0xF;
	v5 =	vadd.s32 $0x7FFF, v5;
	[tilespmem:v6+s2+$0x0] =	vst.idx.add.s32.msk $0xffff, v1  }
0x166: {  	v6 =	vadd.s32 $0x7FFF, v4;
	[tilespmem:v7+s2+$0x0] =	vst.idx.add.s32.msk $0xffff, v1;
	v4 =	vshra.s32 v5, $0xF  }
0x167: {  	v5 =	vshra.s32 v6, $0xF;
	[tilespmem:v8+s2+$0x0] =	vst.idx.add.s32.msk $0xffff, v1  }
0x168: {  	s21 =	sadd.s32 $0x400, s21;
	[tilespmem:v10+s2+$0x0] =	vst.idx.add.s32.msk $0xffff, v1  }
0x169: {  	_ =	sdelay $0x3  }
0x16a: {  	[tilespmem:v5+s2+$0x0] =	vst.idx.add.s32.msk $0xffff, v1  }
0x16b: {  	[tilespmem:v2+s2+$0x0] =	vst.idx.add.s32.msk $0xffff, v1  }
0x16c: {  	[tilespmem:v3+s2+$0x0] =	vst.idx.add.s32.msk $0xffff, v1  }
0x16d: {  	[tilespmem:v4+s2+$0x0] =	vst.idx.add.s32.msk $0xffff, v1  }
0x16e: {  	v2 =	vld [tilespmem:s19+$0x0]  }
0x16f: {  	v3 =	vld [tilespmem:s19+$0xFFFFFFA0]  }
0x170: {  	v4 =	vld [tilespmem:s19+$0xFFFFFFB0]  }
0x171: {  	v5 =	vld [tilespmem:s19+$0xFFFFFFC0];
	_ =	sdelay $0x1  }
0x172: {  	v6 =	vld [tilespmem:s19+$0xFFFFFFD0];
	v2 =	vand.u32 $0x7FFFFFFF, v2  }
0x173: {  	v7 =	vld [tilespmem:s19+$0xFFFFFFE0];
	v3 =	vand.u32 $0x7FFFFFFF, v3;
	v2 =	vadd.s32 $0x7FFF, v2  }
0x174: {  	v8 =	vld [tilespmem:s19+$0xFFFFFFF0];
	v4 =	vand.u32 $0x7FFFFFFF, v4;
	v3 =	vadd.s32 $0x7FFF, v3;
	v2 =	vshra.s32 v2, $0xF  }
0x175: {  	v9 =	vld [tilespmem:s19+$0xFFFFFF90];
	v5 =	vand.u32 $0x7FFFFFFF, v5;
	v4 =	vadd.s32 $0x7FFF, v4;
	v3 =	vshra.s32 v3, $0xF  }
0x176: {  	v5 =	vadd.s32 $0x7FFF, v5;
	v4 =	vshra.s32 v4, $0xF  }
0x177: {  	v10 =	vshra.s32 v5, $0xF  }
0x178: {  	v5 =	vand.u32 $0x7FFFFFFF, v6  }
0x179: {  	v6 =	vand.u32 $0x7FFFFFFF, v7;
	v5 =	vadd.s32 $0x7FFF, v5;
	[tilespmem:v2+s2+$0x0] =	vst.idx.add.s32.msk $0xffff, v1  }
0x17a: {  	v7 =	vand.u32 $0x7FFFFFFF, v9;
	v2 =	vshra.s32 v5, $0xF;
	v5 =	vand.u32 $0x7FFFFFFF, v8;
	[tilespmem:v3+s2+$0x0] =	vst.idx.add.s32.msk $0xffff, v1  }
0x17b: {  	v3 =	vadd.s32 $0x7FFF, v6;
	v6 =	vadd.s32 $0x7FFF, v7;
	[tilespmem:v4+s2+$0x0] =	vst.idx.add.s32.msk $0xffff, v1;
	v5 =	vadd.s32 $0x7FFF, v5  }
0x17c: {  	s20 =	simm.s32 $0x0;
	s21 =	simm.s32 $0x14570;
	s19 =	simm.s32 $0x141F0;
	[tilespmem:v10+s2+$0x0] =	vst.idx.add.s32.msk $0xffff, v1;
	v3 =	vshra.s32 v3, $0xF;
	v4 =	vshra.s32 v5, $0xF;
	v5 =	vshra.s32 v6, $0xF  }
.LBB2_23:
0x17d: {  	v6 =	vld [tilespmem:s21+$0x0];
	s20 =	sadd.s32 $0x8, s20  }
0x17e: {  	v7 =	vld [tilespmem:s21+$0xFFFFFFA0];
	p0 =	slt.u32 s20, $0x78  }
0x17f: {  	v8 =	vld [tilespmem:s21+$0xFFFFFFB0]  }
0x180: {  	v9 =	vld [tilespmem:s21+$0xFFFFFFC0]  }
0x181: {  	v10 =	vld [tilespmem:s21+$0xFFFFFFD0]  }
0x182: {  	v11 =	vld [tilespmem:s21+$0xFFFFFFE0];
	v6 =	vand.u32 $0x7FFFFFFF, v6  }
0x183: {  	v7 =	vand.u32 $0x7FFFFFFF, v7;
	v12 =	vld [tilespmem:s21+$0xFFFFFFF0];
	v6 =	vadd.s32 $0x7FFF, v6  }
0x184: {  	v13 =	vld [tilespmem:s21+$0xFFFFFF90];
	v7 =	vadd.s32 $0x7FFF, v7;
	v8 =	vand.u32 $0x7FFFFFFF, v8;
	v6 =	vshra.s32 v6, $0xF  }
0x185: {  	v7 =	vshra.s32 v7, $0xF;
	v8 =	vadd.s32 $0x7FFF, v8;
	v9 =	vand.u32 $0x7FFFFFFF, v9;
	[tilespmem:v5+s2+$0x0] =	vst.idx.add.s32.msk $0xffff, v1  }
0x186: {  	v8 =	vshra.s32 v8, $0xF;
	v5 =	vadd.s32 $0x7FFF, v9;
	v9 =	vand.u32 $0x7FFFFFFF, v10;
	[tilespmem:v2+s2+$0x0] =	vst.idx.add.s32.msk $0xffff, v1  }
0x187: {  	v10 =	vshra.s32 v5, $0xF;
	v2 =	vadd.s32 $0x7FFF, v9;
	v5 =	vand.u32 $0x7FFFFFFF, v11;
	[tilespmem:v3+s2+$0x0] =	vst.idx.add.s32.msk $0xffff, v1  }
.Ltmp10:
0x188: {  	v2 =	vshra.s32 v2, $0xF;
	v3 =	vadd.s32 $0x7FFF, v5;
	v5 =	vand.u32 $0x7FFFFFFF, v12;
	[tilespmem:v4+s2+$0x0] =	vst.idx.add.s32.msk $0xffff, v1;
	(pc) =	sbr.rel @p0 .LBB2_23-.Ltmp10, $4  }
0x189: {  	v4 =	vand.u32 $0x7FFFFFFF, v13;
	v3 =	vshra.s32 v3, $0xF;
	v5 =	vadd.s32 $0x7FFF, v5;
	[tilespmem:v6+s2+$0x0] =	vst.idx.add.s32.msk $0xffff, v1  }
0x18a: {  	v6 =	vadd.s32 $0x7FFF, v4;
	[tilespmem:v7+s2+$0x0] =	vst.idx.add.s32.msk $0xffff, v1;
	v4 =	vshra.s32 v5, $0xF  }
0x18b: {  	v5 =	vshra.s32 v6, $0xF;
	[tilespmem:v8+s2+$0x0] =	vst.idx.add.s32.msk $0xffff, v1  }
0x18c: {  	s21 =	sadd.s32 $0x400, s21;
	[tilespmem:v10+s2+$0x0] =	vst.idx.add.s32.msk $0xffff, v1  }
0x18d: {  	_ =	sdelay $0x3  }
0x18e: {  	[tilespmem:v5+s2+$0x0] =	vst.idx.add.s32.msk $0xffff, v1  }
0x18f: {  	[tilespmem:v2+s2+$0x0] =	vst.idx.add.s32.msk $0xffff, v1  }
0x190: {  	[tilespmem:v3+s2+$0x0] =	vst.idx.add.s32.msk $0xffff, v1  }
0x191: {  	[tilespmem:v4+s2+$0x0] =	vst.idx.add.s32.msk $0xffff, v1  }
0x192: {  	v2 =	vld [tilespmem:s19+$0x0]  }
0x193: {  	v3 =	vld [tilespmem:s19+$0xFFFFFFA0]  }
0x194: {  	v4 =	vld [tilespmem:s19+$0xFFFFFFB0]  }
0x195: {  	v5 =	vld [tilespmem:s19+$0xFFFFFFC0];
	_ =	sdelay $0x1  }
0x196: {  	v6 =	vld [tilespmem:s19+$0xFFFFFFD0];
	v2 =	vand.u32 $0x7FFFFFFF, v2  }
0x197: {  	v7 =	vld [tilespmem:s19+$0xFFFFFFE0];
	v3 =	vand.u32 $0x7FFFFFFF, v3;
	v2 =	vadd.s32 $0x7FFF, v2  }
0x198: {  	v8 =	vld [tilespmem:s19+$0xFFFFFFF0];
	v4 =	vand.u32 $0x7FFFFFFF, v4;
	v3 =	vadd.s32 $0x7FFF, v3;
	v2 =	vshra.s32 v2, $0xF  }
0x199: {  	v9 =	vld [tilespmem:s19+$0xFFFFFF90];
	v5 =	vand.u32 $0x7FFFFFFF, v5;
	v4 =	vadd.s32 $0x7FFF, v4;
	v3 =	vshra.s32 v3, $0xF  }
0x19a: {  	v5 =	vadd.s32 $0x7FFF, v5;
	v4 =	vshra.s32 v4, $0xF  }
0x19b: {  	v10 =	vshra.s32 v5, $0xF  }
0x19c: {  	v5 =	vand.u32 $0x7FFFFFFF, v6  }
0x19d: {  	v6 =	vand.u32 $0x7FFFFFFF, v7;
	v5 =	vadd.s32 $0x7FFF, v5;
	[tilespmem:v2+s2+$0x0] =	vst.idx.add.s32.msk $0xffff, v1  }
0x19e: {  	v7 =	vand.u32 $0x7FFFFFFF, v9;
	v2 =	vshra.s32 v5, $0xF;
	v5 =	vand.u32 $0x7FFFFFFF, v8;
	[tilespmem:v3+s2+$0x0] =	vst.idx.add.s32.msk $0xffff, v1  }
0x19f: {  	v3 =	vadd.s32 $0x7FFF, v6;
	v6 =	vadd.s32 $0x7FFF, v7;
	[tilespmem:v4+s2+$0x0] =	vst.idx.add.s32.msk $0xffff, v1;
	v5 =	vadd.s32 $0x7FFF, v5  }
0x1a0: {  	s20 =	simm.s32 $0x0;
	s21 =	simm.s32 $0x145F0;
	s19 =	simm.s32 $0x14270;
	[tilespmem:v10+s2+$0x0] =	vst.idx.add.s32.msk $0xffff, v1;
	v3 =	vshra.s32 v3, $0xF;
	v4 =	vshra.s32 v5, $0xF;
	v5 =	vshra.s32 v6, $0xF  }
.LBB2_25:
0x1a1: {  	v6 =	vld [tilespmem:s21+$0x0];
	s20 =	sadd.s32 $0x8, s20  }
0x1a2: {  	v7 =	vld [tilespmem:s21+$0xFFFFFFA0];
	p0 =	slt.u32 s20, $0x78  }
0x1a3: {  	v8 =	vld [tilespmem:s21+$0xFFFFFFB0]  }
0x1a4: {  	v9 =	vld [tilespmem:s21+$0xFFFFFFC0]  }
0x1a5: {  	v10 =	vld [tilespmem:s21+$0xFFFFFFD0]  }
0x1a6: {  	v11 =	vld [tilespmem:s21+$0xFFFFFFE0];
	v6 =	vand.u32 $0x7FFFFFFF, v6  }
0x1a7: {  	v7 =	vand.u32 $0x7FFFFFFF, v7;
	v12 =	vld [tilespmem:s21+$0xFFFFFFF0];
	v6 =	vadd.s32 $0x7FFF, v6  }
0x1a8: {  	v13 =	vld [tilespmem:s21+$0xFFFFFF90];
	v7 =	vadd.s32 $0x7FFF, v7;
	v8 =	vand.u32 $0x7FFFFFFF, v8;
	v6 =	vshra.s32 v6, $0xF  }
0x1a9: {  	v7 =	vshra.s32 v7, $0xF;
	v8 =	vadd.s32 $0x7FFF, v8;
	v9 =	vand.u32 $0x7FFFFFFF, v9;
	[tilespmem:v5+s2+$0x0] =	vst.idx.add.s32.msk $0xffff, v1  }
0x1aa: {  	v8 =	vshra.s32 v8, $0xF;
	v5 =	vadd.s32 $0x7FFF, v9;
	v9 =	vand.u32 $0x7FFFFFFF, v10;
	[tilespmem:v2+s2+$0x0] =	vst.idx.add.s32.msk $0xffff, v1  }
0x1ab: {  	v10 =	vshra.s32 v5, $0xF;
	v2 =	vadd.s32 $0x7FFF, v9;
	v5 =	vand.u32 $0x7FFFFFFF, v11;
	[tilespmem:v3+s2+$0x0] =	vst.idx.add.s32.msk $0xffff, v1  }
.Ltmp11:
0x1ac: {  	v2 =	vshra.s32 v2, $0xF;
	v3 =	vadd.s32 $0x7FFF, v5;
	v5 =	vand.u32 $0x7FFFFFFF, v12;
	[tilespmem:v4+s2+$0x0] =	vst.idx.add.s32.msk $0xffff, v1;
	(pc) =	sbr.rel @p0 .LBB2_25-.Ltmp11, $4  }
0x1ad: {  	v4 =	vand.u32 $0x7FFFFFFF, v13;
	v3 =	vshra.s32 v3, $0xF;
	v5 =	vadd.s32 $0x7FFF, v5;
	[tilespmem:v6+s2+$0x0] =	vst.idx.add.s32.msk $0xffff, v1  }
0x1ae: {  	v6 =	vadd.s32 $0x7FFF, v4;
	[tilespmem:v7+s2+$0x0] =	vst.idx.add.s32.msk $0xffff, v1;
	v4 =	vshra.s32 v5, $0xF  }
0x1af: {  	v5 =	vshra.s32 v6, $0xF;
	[tilespmem:v8+s2+$0x0] =	vst.idx.add.s32.msk $0xffff, v1  }
0x1b0: {  	s21 =	sadd.s32 $0x400, s21;
	[tilespmem:v10+s2+$0x0] =	vst.idx.add.s32.msk $0xffff, v1  }
0x1b1: {  	_ =	sdelay $0x3  }
0x1b2: {  	[tilespmem:v5+s2+$0x0] =	vst.idx.add.s32.msk $0xffff, v1  }
0x1b3: {  	[tilespmem:v2+s2+$0x0] =	vst.idx.add.s32.msk $0xffff, v1  }
0x1b4: {  	[tilespmem:v3+s2+$0x0] =	vst.idx.add.s32.msk $0xffff, v1  }
0x1b5: {  	[tilespmem:v4+s2+$0x0] =	vst.idx.add.s32.msk $0xffff, v1  }
0x1b6: {  	v2 =	vld [tilespmem:s19+$0x0]  }
0x1b7: {  	v3 =	vld [tilespmem:s19+$0xFFFFFFA0]  }
0x1b8: {  	v4 =	vld [tilespmem:s19+$0xFFFFFFB0]  }
0x1b9: {  	v5 =	vld [tilespmem:s19+$0xFFFFFFC0];
	_ =	sdelay $0x1  }
0x1ba: {  	v6 =	vld [tilespmem:s19+$0xFFFFFFD0];
	v2 =	vand.u32 $0x7FFFFFFF, v2  }
0x1bb: {  	v7 =	vld [tilespmem:s19+$0xFFFFFFE0];
	v3 =	vand.u32 $0x7FFFFFFF, v3;
	v2 =	vadd.s32 $0x7FFF, v2  }
0x1bc: {  	v8 =	vld [tilespmem:s19+$0xFFFFFFF0];
	v4 =	vand.u32 $0x7FFFFFFF, v4;
	v3 =	vadd.s32 $0x7FFF, v3;
	v2 =	vshra.s32 v2, $0xF  }
0x1bd: {  	v9 =	vld [tilespmem:s19+$0xFFFFFF90];
	v5 =	vand.u32 $0x7FFFFFFF, v5;
	v4 =	vadd.s32 $0x7FFF, v4;
	v3 =	vshra.s32 v3, $0xF  }
0x1be: {  	v5 =	vadd.s32 $0x7FFF, v5;
	v4 =	vshra.s32 v4, $0xF  }
0x1bf: {  	v10 =	vshra.s32 v5, $0xF  }
0x1c0: {  	v5 =	vand.u32 $0x7FFFFFFF, v6  }
0x1c1: {  	v6 =	vand.u32 $0x7FFFFFFF, v7;
	v5 =	vadd.s32 $0x7FFF, v5;
	[tilespmem:v2+s2+$0x0] =	vst.idx.add.s32.msk $0xffff, v1  }
0x1c2: {  	v7 =	vand.u32 $0x7FFFFFFF, v9;
	v2 =	vshra.s32 v5, $0xF;
	v5 =	vand.u32 $0x7FFFFFFF, v8;
	[tilespmem:v3+s2+$0x0] =	vst.idx.add.s32.msk $0xffff, v1  }
0x1c3: {  	v3 =	vadd.s32 $0x7FFF, v6;
	v6 =	vadd.s32 $0x7FFF, v7;
	[tilespmem:v4+s2+$0x0] =	vst.idx.add.s32.msk $0xffff, v1;
	v5 =	vadd.s32 $0x7FFF, v5  }
0x1c4: {  	s20 =	simm.s32 $0x0;
	s21 =	simm.s32 $0x14670;
	s19 =	simm.s32 $0x142F0;
	[tilespmem:v10+s2+$0x0] =	vst.idx.add.s32.msk $0xffff, v1;
	v3 =	vshra.s32 v3, $0xF;
	v4 =	vshra.s32 v5, $0xF;
	v5 =	vshra.s32 v6, $0xF  }
.LBB2_27:
0x1c5: {  	v6 =	vld [tilespmem:s21+$0x0];
	s20 =	sadd.s32 $0x8, s20  }
0x1c6: {  	v7 =	vld [tilespmem:s21+$0xFFFFFFA0];
	p0 =	slt.u32 s20, $0x78  }
0x1c7: {  	v8 =	vld [tilespmem:s21+$0xFFFFFFB0]  }
0x1c8: {  	v9 =	vld [tilespmem:s21+$0xFFFFFFC0]  }
0x1c9: {  	v10 =	vld [tilespmem:s21+$0xFFFFFFD0]  }
0x1ca: {  	v11 =	vld [tilespmem:s21+$0xFFFFFFE0];
	v6 =	vand.u32 $0x7FFFFFFF, v6  }
0x1cb: {  	v7 =	vand.u32 $0x7FFFFFFF, v7;
	v12 =	vld [tilespmem:s21+$0xFFFFFFF0];
	v6 =	vadd.s32 $0x7FFF, v6  }
0x1cc: {  	v13 =	vld [tilespmem:s21+$0xFFFFFF90];
	v7 =	vadd.s32 $0x7FFF, v7;
	v8 =	vand.u32 $0x7FFFFFFF, v8;
	v6 =	vshra.s32 v6, $0xF  }
0x1cd: {  	v7 =	vshra.s32 v7, $0xF;
	v8 =	vadd.s32 $0x7FFF, v8;
	v9 =	vand.u32 $0x7FFFFFFF, v9;
	[tilespmem:v5+s2+$0x0] =	vst.idx.add.s32.msk $0xffff, v1  }
0x1ce: {  	v8 =	vshra.s32 v8, $0xF;
	v5 =	vadd.s32 $0x7FFF, v9;
	v9 =	vand.u32 $0x7FFFFFFF, v10;
	[tilespmem:v2+s2+$0x0] =	vst.idx.add.s32.msk $0xffff, v1  }
0x1cf: {  	v10 =	vshra.s32 v5, $0xF;
	v2 =	vadd.s32 $0x7FFF, v9;
	v5 =	vand.u32 $0x7FFFFFFF, v11;
	[tilespmem:v3+s2+$0x0] =	vst.idx.add.s32.msk $0xffff, v1  }
.Ltmp12:
0x1d0: {  	v2 =	vshra.s32 v2, $0xF;
	v3 =	vadd.s32 $0x7FFF, v5;
	v5 =	vand.u32 $0x7FFFFFFF, v12;
	[tilespmem:v4+s2+$0x0] =	vst.idx.add.s32.msk $0xffff, v1;
	(pc) =	sbr.rel @p0 .LBB2_27-.Ltmp12, $4  }
0x1d1: {  	v4 =	vand.u32 $0x7FFFFFFF, v13;
	v3 =	vshra.s32 v3, $0xF;
	v5 =	vadd.s32 $0x7FFF, v5;
	[tilespmem:v6+s2+$0x0] =	vst.idx.add.s32.msk $0xffff, v1  }
0x1d2: {  	v6 =	vadd.s32 $0x7FFF, v4;
	[tilespmem:v7+s2+$0x0] =	vst.idx.add.s32.msk $0xffff, v1;
	v4 =	vshra.s32 v5, $0xF  }
0x1d3: {  	v5 =	vshra.s32 v6, $0xF;
	[tilespmem:v8+s2+$0x0] =	vst.idx.add.s32.msk $0xffff, v1  }
0x1d4: {  	s21 =	sadd.s32 $0x400, s21;
	[tilespmem:v10+s2+$0x0] =	vst.idx.add.s32.msk $0xffff, v1  }
0x1d5: {  	_ =	sdelay $0x3  }
0x1d6: {  	[tilespmem:v5+s2+$0x0] =	vst.idx.add.s32.msk $0xffff, v1  }
0x1d7: {  	[tilespmem:v2+s2+$0x0] =	vst.idx.add.s32.msk $0xffff, v1  }
0x1d8: {  	[tilespmem:v3+s2+$0x0] =	vst.idx.add.s32.msk $0xffff, v1  }
0x1d9: {  	[tilespmem:v4+s2+$0x0] =	vst.idx.add.s32.msk $0xffff, v1  }
0x1da: {  	v2 =	vld [tilespmem:s19+$0x0]  }
0x1db: {  	v3 =	vld [tilespmem:s19+$0xFFFFFFA0]  }
0x1dc: {  	v4 =	vld [tilespmem:s19+$0xFFFFFFB0]  }
0x1dd: {  	v5 =	vld [tilespmem:s19+$0xFFFFFFC0];
	_ =	sdelay $0x1  }
0x1de: {  	v6 =	vld [tilespmem:s19+$0xFFFFFFD0];
	v2 =	vand.u32 $0x7FFFFFFF, v2  }
0x1df: {  	v7 =	vld [tilespmem:s19+$0xFFFFFFE0];
	v3 =	vand.u32 $0x7FFFFFFF, v3;
	v2 =	vadd.s32 $0x7FFF, v2  }
0x1e0: {  	v8 =	vld [tilespmem:s19+$0xFFFFFFF0];
	v4 =	vand.u32 $0x7FFFFFFF, v4;
	v3 =	vadd.s32 $0x7FFF, v3;
	v2 =	vshra.s32 v2, $0xF  }
0x1e1: {  	v9 =	vld [tilespmem:s19+$0xFFFFFF90];
	v5 =	vand.u32 $0x7FFFFFFF, v5;
	v4 =	vadd.s32 $0x7FFF, v4;
	v3 =	vshra.s32 v3, $0xF  }
0x1e2: {  	v5 =	vadd.s32 $0x7FFF, v5;
	v4 =	vshra.s32 v4, $0xF  }
0x1e3: {  	v10 =	vshra.s32 v5, $0xF  }
0x1e4: {  	v5 =	vand.u32 $0x7FFFFFFF, v6  }
0x1e5: {  	v6 =	vand.u32 $0x7FFFFFFF, v7;
	v5 =	vadd.s32 $0x7FFF, v5;
	[tilespmem:v2+s2+$0x0] =	vst.idx.add.s32.msk $0xffff, v1  }
0x1e6: {  	v7 =	vand.u32 $0x7FFFFFFF, v9;
	v2 =	vshra.s32 v5, $0xF;
	v5 =	vand.u32 $0x7FFFFFFF, v8;
	[tilespmem:v3+s2+$0x0] =	vst.idx.add.s32.msk $0xffff, v1  }
0x1e7: {  	v3 =	vadd.s32 $0x7FFF, v6;
	v6 =	vadd.s32 $0x7FFF, v7;
	[tilespmem:v4+s2+$0x0] =	vst.idx.add.s32.msk $0xffff, v1;
	v5 =	vadd.s32 $0x7FFF, v5  }
0x1e8: {  	s20 =	simm.s32 $0x0;
	s21 =	simm.s32 $0x146F0;
	s19 =	simm.s32 $0x14370;
	[tilespmem:v10+s2+$0x0] =	vst.idx.add.s32.msk $0xffff, v1;
	v3 =	vshra.s32 v3, $0xF;
	v4 =	vshra.s32 v5, $0xF;
	v5 =	vshra.s32 v6, $0xF  }
.LBB2_29:
0x1e9: {  	v6 =	vld [tilespmem:s21+$0x0];
	s20 =	sadd.s32 $0x8, s20  }
0x1ea: {  	v7 =	vld [tilespmem:s21+$0xFFFFFFA0];
	p0 =	slt.u32 s20, $0x78  }
0x1eb: {  	v8 =	vld [tilespmem:s21+$0xFFFFFFB0]  }
0x1ec: {  	v9 =	vld [tilespmem:s21+$0xFFFFFFC0]  }
0x1ed: {  	v10 =	vld [tilespmem:s21+$0xFFFFFFD0]  }
0x1ee: {  	v11 =	vld [tilespmem:s21+$0xFFFFFFE0];
	v6 =	vand.u32 $0x7FFFFFFF, v6  }
0x1ef: {  	v7 =	vand.u32 $0x7FFFFFFF, v7;
	v12 =	vld [tilespmem:s21+$0xFFFFFFF0];
	v6 =	vadd.s32 $0x7FFF, v6  }
0x1f0: {  	v13 =	vld [tilespmem:s21+$0xFFFFFF90];
	v7 =	vadd.s32 $0x7FFF, v7;
	v8 =	vand.u32 $0x7FFFFFFF, v8;
	v6 =	vshra.s32 v6, $0xF  }
0x1f1: {  	v7 =	vshra.s32 v7, $0xF;
	v8 =	vadd.s32 $0x7FFF, v8;
	v9 =	vand.u32 $0x7FFFFFFF, v9;
	[tilespmem:v5+s2+$0x0] =	vst.idx.add.s32.msk $0xffff, v1  }
0x1f2: {  	v8 =	vshra.s32 v8, $0xF;
	v5 =	vadd.s32 $0x7FFF, v9;
	v9 =	vand.u32 $0x7FFFFFFF, v10;
	[tilespmem:v2+s2+$0x0] =	vst.idx.add.s32.msk $0xffff, v1  }
0x1f3: {  	v10 =	vshra.s32 v5, $0xF;
	v2 =	vadd.s32 $0x7FFF, v9;
	v5 =	vand.u32 $0x7FFFFFFF, v11;
	[tilespmem:v3+s2+$0x0] =	vst.idx.add.s32.msk $0xffff, v1  }
.Ltmp13:
0x1f4: {  	v2 =	vshra.s32 v2, $0xF;
	v3 =	vadd.s32 $0x7FFF, v5;
	v5 =	vand.u32 $0x7FFFFFFF, v12;
	[tilespmem:v4+s2+$0x0] =	vst.idx.add.s32.msk $0xffff, v1;
	(pc) =	sbr.rel @p0 .LBB2_29-.Ltmp13, $4  }
0x1f5: {  	v4 =	vand.u32 $0x7FFFFFFF, v13;
	v3 =	vshra.s32 v3, $0xF;
	v5 =	vadd.s32 $0x7FFF, v5;
	[tilespmem:v6+s2+$0x0] =	vst.idx.add.s32.msk $0xffff, v1  }
0x1f6: {  	v6 =	vadd.s32 $0x7FFF, v4;
	[tilespmem:v7+s2+$0x0] =	vst.idx.add.s32.msk $0xffff, v1;
	v4 =	vshra.s32 v5, $0xF  }
0x1f7: {  	v5 =	vshra.s32 v6, $0xF;
	[tilespmem:v8+s2+$0x0] =	vst.idx.add.s32.msk $0xffff, v1  }
0x1f8: {  	s21 =	sadd.s32 $0x400, s21;
	[tilespmem:v10+s2+$0x0] =	vst.idx.add.s32.msk $0xffff, v1  }
0x1f9: {  	_ =	sdelay $0x3  }
0x1fa: {  	[tilespmem:v5+s2+$0x0] =	vst.idx.add.s32.msk $0xffff, v1  }
0x1fb: {  	[tilespmem:v2+s2+$0x0] =	vst.idx.add.s32.msk $0xffff, v1  }
0x1fc: {  	[tilespmem:v3+s2+$0x0] =	vst.idx.add.s32.msk $0xffff, v1  }
0x1fd: {  	[tilespmem:v4+s2+$0x0] =	vst.idx.add.s32.msk $0xffff, v1  }
0x1fe: {  	v2 =	vld [tilespmem:s19+$0x0]  }
0x1ff: {  	v3 =	vld [tilespmem:s19+$0xFFFFFFA0]  }
0x200: {  	v4 =	vld [tilespmem:s19+$0xFFFFFFB0]  }
0x201: {  	v5 =	vld [tilespmem:s19+$0xFFFFFFC0];
	_ =	sdelay $0x1  }
0x202: {  	v6 =	vld [tilespmem:s19+$0xFFFFFFD0];
	v2 =	vand.u32 $0x7FFFFFFF, v2  }
0x203: {  	v7 =	vld [tilespmem:s19+$0xFFFFFFE0];
	v3 =	vand.u32 $0x7FFFFFFF, v3;
	v2 =	vadd.s32 $0x7FFF, v2  }
0x204: {  	v8 =	vld [tilespmem:s19+$0xFFFFFFF0];
	v4 =	vand.u32 $0x7FFFFFFF, v4;
	v3 =	vadd.s32 $0x7FFF, v3;
	v2 =	vshra.s32 v2, $0xF  }
0x205: {  	v9 =	vld [tilespmem:s19+$0xFFFFFF90];
	v5 =	vand.u32 $0x7FFFFFFF, v5;
	v4 =	vadd.s32 $0x7FFF, v4;
	v3 =	vshra.s32 v3, $0xF  }
0x206: {  	v5 =	vadd.s32 $0x7FFF, v5;
	v4 =	vshra.s32 v4, $0xF  }
0x207: {  	v10 =	vshra.s32 v5, $0xF  }
0x208: {  	v5 =	vand.u32 $0x7FFFFFFF, v6  }
0x209: {  	v6 =	vand.u32 $0x7FFFFFFF, v7;
	v5 =	vadd.s32 $0x7FFF, v5;
	[tilespmem:v2+s2+$0x0] =	vst.idx.add.s32.msk $0xffff, v1  }
0x20a: {  	v7 =	vand.u32 $0x7FFFFFFF, v9;
	v2 =	vshra.s32 v5, $0xF;
	v5 =	vand.u32 $0x7FFFFFFF, v8;
	[tilespmem:v3+s2+$0x0] =	vst.idx.add.s32.msk $0xffff, v1  }
0x20b: {  	v3 =	vadd.s32 $0x7FFF, v6;
	v6 =	vadd.s32 $0x7FFF, v7;
	[tilespmem:v4+s2+$0x0] =	vst.idx.add.s32.msk $0xffff, v1;
	v5 =	vadd.s32 $0x7FFF, v5  }
0x20c: {  	s20 =	simm.s32 $0x0;
	s21 =	simm.s32 $0x14770;
	s19 =	simm.s32 $0x143F0;
	[tilespmem:v10+s2+$0x0] =	vst.idx.add.s32.msk $0xffff, v1;
	v3 =	vshra.s32 v3, $0xF;
	v4 =	vshra.s32 v5, $0xF;
	v5 =	vshra.s32 v6, $0xF  }
.LBB2_31:
0x20d: {  	v6 =	vld [tilespmem:s21+$0x0];
	s20 =	sadd.s32 $0x8, s20  }
0x20e: {  	v7 =	vld [tilespmem:s21+$0xFFFFFFA0];
	p0 =	slt.u32 s20, $0x78  }
0x20f: {  	v8 =	vld [tilespmem:s21+$0xFFFFFFB0]  }
0x210: {  	v9 =	vld [tilespmem:s21+$0xFFFFFFC0]  }
0x211: {  	v10 =	vld [tilespmem:s21+$0xFFFFFFD0]  }
0x212: {  	v11 =	vld [tilespmem:s21+$0xFFFFFFE0];
	v6 =	vand.u32 $0x7FFFFFFF, v6  }
0x213: {  	v7 =	vand.u32 $0x7FFFFFFF, v7;
	v12 =	vld [tilespmem:s21+$0xFFFFFFF0];
	v6 =	vadd.s32 $0x7FFF, v6  }
0x214: {  	v13 =	vld [tilespmem:s21+$0xFFFFFF90];
	v7 =	vadd.s32 $0x7FFF, v7;
	v8 =	vand.u32 $0x7FFFFFFF, v8;
	v6 =	vshra.s32 v6, $0xF  }
0x215: {  	v7 =	vshra.s32 v7, $0xF;
	v8 =	vadd.s32 $0x7FFF, v8;
	v9 =	vand.u32 $0x7FFFFFFF, v9;
	[tilespmem:v5+s2+$0x0] =	vst.idx.add.s32.msk $0xffff, v1  }
0x216: {  	v8 =	vshra.s32 v8, $0xF;
	v5 =	vadd.s32 $0x7FFF, v9;
	v9 =	vand.u32 $0x7FFFFFFF, v10;
	[tilespmem:v2+s2+$0x0] =	vst.idx.add.s32.msk $0xffff, v1  }
0x217: {  	v10 =	vshra.s32 v5, $0xF;
	v2 =	vadd.s32 $0x7FFF, v9;
	v5 =	vand.u32 $0x7FFFFFFF, v11;
	[tilespmem:v3+s2+$0x0] =	vst.idx.add.s32.msk $0xffff, v1  }
.Ltmp14:
0x218: {  	v2 =	vshra.s32 v2, $0xF;
	v3 =	vadd.s32 $0x7FFF, v5;
	v5 =	vand.u32 $0x7FFFFFFF, v12;
	[tilespmem:v4+s2+$0x0] =	vst.idx.add.s32.msk $0xffff, v1;
	(pc) =	sbr.rel @p0 .LBB2_31-.Ltmp14, $4  }
0x219: {  	v4 =	vand.u32 $0x7FFFFFFF, v13;
	v3 =	vshra.s32 v3, $0xF;
	v5 =	vadd.s32 $0x7FFF, v5;
	[tilespmem:v6+s2+$0x0] =	vst.idx.add.s32.msk $0xffff, v1  }
0x21a: {  	v6 =	vadd.s32 $0x7FFF, v4;
	[tilespmem:v7+s2+$0x0] =	vst.idx.add.s32.msk $0xffff, v1;
	v4 =	vshra.s32 v5, $0xF  }
0x21b: {  	v5 =	vshra.s32 v6, $0xF;
	[tilespmem:v8+s2+$0x0] =	vst.idx.add.s32.msk $0xffff, v1  }
0x21c: {  	s21 =	sadd.s32 $0x400, s21;
	[tilespmem:v10+s2+$0x0] =	vst.idx.add.s32.msk $0xffff, v1  }
0x21d: {  	_ =	sdelay $0x3  }
0x21e: {  	[tilespmem:v5+s2+$0x0] =	vst.idx.add.s32.msk $0xffff, v1  }
0x21f: {  	[tilespmem:v2+s2+$0x0] =	vst.idx.add.s32.msk $0xffff, v1  }
0x220: {  	[tilespmem:v3+s2+$0x0] =	vst.idx.add.s32.msk $0xffff, v1  }
0x221: {  	[tilespmem:v4+s2+$0x0] =	vst.idx.add.s32.msk $0xffff, v1  }
0x222: {  	v2 =	vld [tilespmem:s19+$0x0]  }
0x223: {  	v3 =	vld [tilespmem:s19+$0xFFFFFFA0]  }
0x224: {  	v4 =	vld [tilespmem:s19+$0xFFFFFFB0]  }
0x225: {  	v5 =	vld [tilespmem:s19+$0xFFFFFFC0];
	_ =	sdelay $0x1  }
0x226: {  	v6 =	vld [tilespmem:s19+$0xFFFFFFD0];
	v2 =	vand.u32 $0x7FFFFFFF, v2  }
0x227: {  	v7 =	vld [tilespmem:s19+$0xFFFFFFE0];
	v3 =	vand.u32 $0x7FFFFFFF, v3;
	v2 =	vadd.s32 $0x7FFF, v2  }
0x228: {  	v8 =	vld [tilespmem:s19+$0xFFFFFFF0];
	v4 =	vand.u32 $0x7FFFFFFF, v4;
	v3 =	vadd.s32 $0x7FFF, v3;
	v2 =	vshra.s32 v2, $0xF  }
0x229: {  	v9 =	vld [tilespmem:s19+$0xFFFFFF90];
	v5 =	vand.u32 $0x7FFFFFFF, v5;
	v4 =	vadd.s32 $0x7FFF, v4;
	v3 =	vshra.s32 v3, $0xF  }
0x22a: {  	v5 =	vadd.s32 $0x7FFF, v5;
	v4 =	vshra.s32 v4, $0xF  }
0x22b: {  	v10 =	vshra.s32 v5, $0xF  }
0x22c: {  	v5 =	vand.u32 $0x7FFFFFFF, v6  }
0x22d: {  	v6 =	vand.u32 $0x7FFFFFFF, v7;
	v5 =	vadd.s32 $0x7FFF, v5;
	[tilespmem:v2+s2+$0x0] =	vst.idx.add.s32.msk $0xffff, v1  }
0x22e: {  	v7 =	vand.u32 $0x7FFFFFFF, v9;
	v2 =	vshra.s32 v5, $0xF;
	v5 =	vand.u32 $0x7FFFFFFF, v8;
	[tilespmem:v3+s2+$0x0] =	vst.idx.add.s32.msk $0xffff, v1  }
0x22f: {  	v3 =	vadd.s32 $0x7FFF, v6;
	v6 =	vadd.s32 $0x7FFF, v7;
	[tilespmem:v4+s2+$0x0] =	vst.idx.add.s32.msk $0xffff, v1;
	v5 =	vadd.s32 $0x7FFF, v5  }
0x230: {  	s20 =	simm.s32 $0x0;
	s21 =	simm.s32 $0x147F0;
	s19 =	simm.s32 $0x14470;
	[tilespmem:v10+s2+$0x0] =	vst.idx.add.s32.msk $0xffff, v1;
	v3 =	vshra.s32 v3, $0xF;
	v4 =	vshra.s32 v5, $0xF;
	v5 =	vshra.s32 v6, $0xF  }
.LBB2_33:
0x231: {  	v6 =	vld [tilespmem:s21+$0x0];
	s20 =	sadd.s32 $0x8, s20  }
0x232: {  	v7 =	vld [tilespmem:s21+$0xFFFFFFA0];
	p0 =	slt.u32 s20, $0x78  }
0x233: {  	v8 =	vld [tilespmem:s21+$0xFFFFFFB0]  }
0x234: {  	v9 =	vld [tilespmem:s21+$0xFFFFFFC0]  }
0x235: {  	v10 =	vld [tilespmem:s21+$0xFFFFFFD0]  }
0x236: {  	v11 =	vld [tilespmem:s21+$0xFFFFFFE0];
	v6 =	vand.u32 $0x7FFFFFFF, v6  }
0x237: {  	v7 =	vand.u32 $0x7FFFFFFF, v7;
	v12 =	vld [tilespmem:s21+$0xFFFFFFF0];
	v6 =	vadd.s32 $0x7FFF, v6  }
0x238: {  	v13 =	vld [tilespmem:s21+$0xFFFFFF90];
	v7 =	vadd.s32 $0x7FFF, v7;
	v8 =	vand.u32 $0x7FFFFFFF, v8;
	v6 =	vshra.s32 v6, $0xF  }
0x239: {  	v7 =	vshra.s32 v7, $0xF;
	v8 =	vadd.s32 $0x7FFF, v8;
	v9 =	vand.u32 $0x7FFFFFFF, v9;
	[tilespmem:v5+s2+$0x0] =	vst.idx.add.s32.msk $0xffff, v1  }
0x23a: {  	v8 =	vshra.s32 v8, $0xF;
	v5 =	vadd.s32 $0x7FFF, v9;
	v9 =	vand.u32 $0x7FFFFFFF, v10;
	[tilespmem:v2+s2+$0x0] =	vst.idx.add.s32.msk $0xffff, v1  }
0x23b: {  	v10 =	vshra.s32 v5, $0xF;
	v2 =	vadd.s32 $0x7FFF, v9;
	v5 =	vand.u32 $0x7FFFFFFF, v11;
	[tilespmem:v3+s2+$0x0] =	vst.idx.add.s32.msk $0xffff, v1  }
.Ltmp15:
0x23c: {  	v2 =	vshra.s32 v2, $0xF;
	v3 =	vadd.s32 $0x7FFF, v5;
	v5 =	vand.u32 $0x7FFFFFFF, v12;
	[tilespmem:v4+s2+$0x0] =	vst.idx.add.s32.msk $0xffff, v1;
	(pc) =	sbr.rel @p0 .LBB2_33-.Ltmp15, $4  }
0x23d: {  	v4 =	vand.u32 $0x7FFFFFFF, v13;
	v3 =	vshra.s32 v3, $0xF;
	v5 =	vadd.s32 $0x7FFF, v5;
	[tilespmem:v6+s2+$0x0] =	vst.idx.add.s32.msk $0xffff, v1  }
0x23e: {  	v6 =	vadd.s32 $0x7FFF, v4;
	[tilespmem:v7+s2+$0x0] =	vst.idx.add.s32.msk $0xffff, v1;
	v4 =	vshra.s32 v5, $0xF  }
0x23f: {  	v5 =	vshra.s32 v6, $0xF;
	[tilespmem:v8+s2+$0x0] =	vst.idx.add.s32.msk $0xffff, v1  }
0x240: {  	s21 =	sadd.s32 $0x400, s21;
	[tilespmem:v10+s2+$0x0] =	vst.idx.add.s32.msk $0xffff, v1  }
0x241: {  	_ =	sdelay $0x3  }
0x242: {  	[tilespmem:v5+s2+$0x0] =	vst.idx.add.s32.msk $0xffff, v1  }
0x243: {  	[tilespmem:v2+s2+$0x0] =	vst.idx.add.s32.msk $0xffff, v1  }
0x244: {  	[tilespmem:v3+s2+$0x0] =	vst.idx.add.s32.msk $0xffff, v1  }
0x245: {  	[tilespmem:v4+s2+$0x0] =	vst.idx.add.s32.msk $0xffff, v1  }
0x246: {  	v2 =	vld [tilespmem:s19+$0x0]  }
0x247: {  	v3 =	vld [tilespmem:s19+$0xFFFFFFA0]  }
0x248: {  	v4 =	vld [tilespmem:s19+$0xFFFFFFB0]  }
0x249: {  	v5 =	vld [tilespmem:s19+$0xFFFFFFC0];
	_ =	sdelay $0x1  }
0x24a: {  	v6 =	vld [tilespmem:s19+$0xFFFFFFD0];
	v2 =	vand.u32 $0x7FFFFFFF, v2  }
0x24b: {  	v7 =	vld [tilespmem:s19+$0xFFFFFFE0];
	v3 =	vand.u32 $0x7FFFFFFF, v3;
	v2 =	vadd.s32 $0x7FFF, v2  }
0x24c: {  	v8 =	vld [tilespmem:s19+$0xFFFFFFF0];
	v4 =	vand.u32 $0x7FFFFFFF, v4;
	v3 =	vadd.s32 $0x7FFF, v3;
	v2 =	vshra.s32 v2, $0xF  }
0x24d: {  	v9 =	vld [tilespmem:s19+$0xFFFFFF90];
	v5 =	vand.u32 $0x7FFFFFFF, v5;
	v4 =	vadd.s32 $0x7FFF, v4;
	v3 =	vshra.s32 v3, $0xF  }
0x24e: {  	v5 =	vadd.s32 $0x7FFF, v5;
	v4 =	vshra.s32 v4, $0xF  }
0x24f: {  	v10 =	vshra.s32 v5, $0xF  }
0x250: {  	v5 =	vand.u32 $0x7FFFFFFF, v6  }
0x251: {  	v6 =	vand.u32 $0x7FFFFFFF, v7;
	v5 =	vadd.s32 $0x7FFF, v5;
	[tilespmem:v2+s2+$0x0] =	vst.idx.add.s32.msk $0xffff, v1  }
0x252: {  	v7 =	vand.u32 $0x7FFFFFFF, v9;
	v2 =	vshra.s32 v5, $0xF;
	v5 =	vand.u32 $0x7FFFFFFF, v8;
	[tilespmem:v3+s2+$0x0] =	vst.idx.add.s32.msk $0xffff, v1  }
0x253: {  	v3 =	vadd.s32 $0x7FFF, v6;
	v6 =	vadd.s32 $0x7FFF, v7;
	[tilespmem:v4+s2+$0x0] =	vst.idx.add.s32.msk $0xffff, v1;
	v5 =	vadd.s32 $0x7FFF, v5  }
0x254: {  	s20 =	simm.s32 $0x14870;
	s19 =	simm.s32 $0x0;
	[tilespmem:v10+s2+$0x0] =	vst.idx.add.s32.msk $0xffff, v1;
	v3 =	vshra.s32 v3, $0xF;
	v4 =	vshra.s32 v5, $0xF;
	v5 =	vshra.s32 v6, $0xF  }
.LBB2_35:
0x255: {  	v6 =	vld [tilespmem:s20+$0x0];
	s19 =	sadd.s32 $0x8, s19  }
0x256: {  	v7 =	vld [tilespmem:s20+$0xFFFFFFA0];
	p0 =	slt.u32 s19, $0x78  }
0x257: {  	v8 =	vld [tilespmem:s20+$0xFFFFFFB0]  }
0x258: {  	v9 =	vld [tilespmem:s20+$0xFFFFFFC0]  }
0x259: {  	v10 =	vld [tilespmem:s20+$0xFFFFFFD0]  }
0x25a: {  	v11 =	vld [tilespmem:s20+$0xFFFFFFE0];
	v6 =	vand.u32 $0x7FFFFFFF, v6  }
0x25b: {  	v7 =	vand.u32 $0x7FFFFFFF, v7;
	v12 =	vld [tilespmem:s20+$0xFFFFFFF0];
	v6 =	vadd.s32 $0x7FFF, v6  }
0x25c: {  	v13 =	vld [tilespmem:s20+$0xFFFFFF90];
	v7 =	vadd.s32 $0x7FFF, v7;
	v8 =	vand.u32 $0x7FFFFFFF, v8;
	v6 =	vshra.s32 v6, $0xF  }
0x25d: {  	v7 =	vshra.s32 v7, $0xF;
	v8 =	vadd.s32 $0x7FFF, v8;
	v9 =	vand.u32 $0x7FFFFFFF, v9;
	[tilespmem:v5+s2+$0x0] =	vst.idx.add.s32.msk $0xffff, v1  }
0x25e: {  	v8 =	vshra.s32 v8, $0xF;
	v5 =	vadd.s32 $0x7FFF, v9;
	v9 =	vand.u32 $0x7FFFFFFF, v10;
	[tilespmem:v2+s2+$0x0] =	vst.idx.add.s32.msk $0xffff, v1  }
0x25f: {  	v10 =	vshra.s32 v5, $0xF;
	v2 =	vadd.s32 $0x7FFF, v9;
	v5 =	vand.u32 $0x7FFFFFFF, v11;
	[tilespmem:v3+s2+$0x0] =	vst.idx.add.s32.msk $0xffff, v1  }
.Ltmp16:
0x260: {  	v2 =	vshra.s32 v2, $0xF;
	v3 =	vadd.s32 $0x7FFF, v5;
	v5 =	vand.u32 $0x7FFFFFFF, v12;
	[tilespmem:v4+s2+$0x0] =	vst.idx.add.s32.msk $0xffff, v1;
	(pc) =	sbr.rel @p0 .LBB2_35-.Ltmp16, $4  }
0x261: {  	v4 =	vand.u32 $0x7FFFFFFF, v13;
	v3 =	vshra.s32 v3, $0xF;
	v5 =	vadd.s32 $0x7FFF, v5;
	[tilespmem:v6+s2+$0x0] =	vst.idx.add.s32.msk $0xffff, v1  }
0x262: {  	v6 =	vadd.s32 $0x7FFF, v4;
	[tilespmem:v7+s2+$0x0] =	vst.idx.add.s32.msk $0xffff, v1;
	v4 =	vshra.s32 v5, $0xF  }
0x263: {  	v5 =	vshra.s32 v6, $0xF;
	[tilespmem:v8+s2+$0x0] =	vst.idx.add.s32.msk $0xffff, v1  }
0x264: {  	s20 =	sadd.s32 $0x400, s20;
	[tilespmem:v10+s2+$0x0] =	vst.idx.add.s32.msk $0xffff, v1  }
0x265: {  	_ =	sdelay $0x1  }
0x266: {  	s17 =	sadd.s32 $0x1, s17  }
0x267: {  	p0 =	sne.s32 s17, $0x20  }
.Ltmp17:
0x268: {  	[tilespmem:v5+s2+$0x0] =	vst.idx.add.s32.msk $0xffff, v1;
	(pc) =	sbr.rel @p0 .LBB2_4-.Ltmp17, $4  }
0x269: {  	[tilespmem:v2+s2+$0x0] =	vst.idx.add.s32.msk $0xffff, v1  }
0x26a: {  	[tilespmem:v3+s2+$0x0] =	vst.idx.add.s32.msk $0xffff, v1  }
0x26b: {  	[tilespmem:v4+s2+$0x0] =	vst.idx.add.s32.msk $0xffff, v1;
	s18 =	sadd.s32 s18, s6  }
0x26c: {  	[tilespmem:s10], [sflag:$0x2] =	stream.linear.gather [hbm4b:s18+s2], $0x4000, $0x38;
	[tilespmem:$0x18080] =	vst v63  }
0x26d: {  	_ =	swait.ge [sflag:s11], $0x4000  }
0x26e: {  	[sflag:s11] =	ssyncset.done $0x0  }
0x26f: {  	[sflag:s11] =	ssyncadd.s32 $0xFFFFC000  }
0x270: {  	s16 =	sadd.s32 $0x1, s16;
	_ =	swait.ge [sflag:s12], $0x4000  }
0x271: {  	p0 =	sne.s32 s16, s8;
	[sflag:s12] =	ssyncset.done $0x0  }
.Ltmp18:
0x272: {  	[sflag:s12] =	ssyncadd.s32 $0xFFFFC000;
	(pc) =	sbr.rel @p0 .LBB2_1-.Ltmp18, $4  }
0x273: {  	[hbm4b:s7+s13] =	stream.strided.scatter [tilespmem:s2], [sflag:$0x3], $0x10080, s14, s13, $0x38;
	[tilespmem:$0x18080] =	vst v63  }
0x274: {  	_ =	swait.ge [sflag:s15], $0x10080  }
0x275: {  	[sflag:s15] =	ssyncset.done $0x0  }
0x276: {  	[sflag:s15] =	ssyncadd.s32 $0xFFFEFF80  }
0x277: {  	_ =	sfence.sel $0x180000  }
0x278: {  	[bflag:$0x0] =	sbarrier.arrive $0xFFFF  }
0x279: {  	p0 =	sne.s32 s1, $0x0;
	_ =	strace $0x90000047  }
0x27a: {  	s0 =	sadd.s32 @!p0 $0x100000, s0;
	[bflag:$0x2] =	sbarrier.arrive $0xFFFF  }
0x27b: {  	[sflag:s0] =	ssyncadd.tile.s32 @!p0 $0x1;
	_ =	shalt  }
.Lfunc_end2:
_tile_overlayer_lowered:
.L_overlay_start_2:
0x27c: {  	(tag) =	ssettag $0x2  }
0x27d: {  	s0 =	rddreg [dreg:$0x0];
	s2 =	stileid.u32  }
0x27e: {  	s1 =	rddreg [dreg:$0x1];
	p0 =	sne.s32 s2, $0x0  }
0x27f: {  	s3 =	rddreg [dreg:$0x2];
	[bflag:$0x3] =	sbarrier.arrive $0xFFFF;
	s2 =	simm.s32 @!p0 $0x1C03  }
0x280: {  	[timem:s3], [sflag:s2] =	dma.local @!p0 [hbm:s0], s1  }
0x281: {  	s0 =	simm.s32 @!p0 $0x3  }
0x282: {  	_ =	swait.ge @!p0 [sflag:s0], s1  }
0x283: {  	s1 =	ssub.s32 @!p0 $0x0, s1;
	[sflag:s0] =	ssyncset.done @!p0 $0x0  }
0x284: {  	[sflag:s0] =	ssyncadd.s32 @!p0 s1  }
0x285: {  	[bflag:$0x3] =	sbarrier.arrive $0xFFFF  }
0x286: {  	_ =	shalt  }

// kernel: kernel.8.cloned.1.call-start
scs
__scs_entry_jumppad:
0x0: {  	(pc) =	sbr.rel $0x88, $3  }
0x1: {  	(tag) =	ssettag $0x0;
	lr =	simm.s32 $0x1  }
0x2: {  	[smem:$0x3FA0] =	sst lr;
	_ =	strace $0xD0000000  }
0x3: {  	_ = 	snop  }
0x4: {  	_ = 	snop  }
0x5: {  	_ = 	snop  }
0x6: {  	_ = 	snop  }
0x7: {  	_ = 	snop  }
__scs_overlays_trampoline_lowered:
0x8: {  	[smem:$0x3FAF] =	sst s0  }
0x9: {  	[smem:$0x3FB0] =	sst s1  }
0xa: {  	[smem:$0x3FB1] =	sst s2  }
0xb: {  	[smem:$0x3FB2] =	sst s3  }
0xc: {  	[smem:$0x3FB3] =	sst s4  }
0xd: {  	[smem:$0x3FB4] =	sst s5  }
0xe: {  	[smem:$0x3FB5] =	sst s6  }
0xf: {  	[smem:$0x3FB6] =	sst s7  }
0x10: {  	[smem:$0x3FB7] =	sst s8  }
0x11: {  	[smem:$0x3FB8] =	sst s9;
	s0 =	simm.s32 @!p0 $0x0  }
0x12: {  	s1 =	sld [smem:$0x3F9E];
	s0 =	simm.s32 @p0 $0x1  }
0x13: {  	[smem:$0x3FB9] =	sst s0;
	s0 =	simm.s32 @!p1 $0x0  }
0x14: {  	s2 =	sld [smem:$0x3F9D];
	s0 =	simm.s32 @p1 $0x1  }
0x15: {  	[smem:$0x3FBA] =	sst s0;
	s0 =	simm.s32 @!p2 $0x0  }
0x16: {  	s3 =	sld [smem:$0x3FDB];
	s0 =	simm.s32 @p2 $0x1  }
0x17: {  	s4 =	simm.s32 $0x1BF5;
	[smem:$0x3FBC] =	sst s0  }
0x18: {  	s0 =	sld [smem:$0x3F9F];
	_ =	swait.ge [sflag:s4], $0x0  }
0x19: {  	s7 =	sld [smem:$0x3FA0]  }
0x1a: {  	s8 =	sadd.s32 $0xFFFFE003, lr  }
0x1b: {  	s9 =	sadd.s32 $0xFFFFFEF7, lr;
	s5 =	simm.s32 $0xFFFFFFFF;
	p2 =	slt.u32 s8, $0xFFFFF086  }
0x1c: {  	p1 =	slt.u32 s9, $0xF7A;
	s5 =	simm.s32 @!p2 $0x0  }
0x1d: {  	s5 =	simm.s32 @p1 $0x1;
	p0 =	seq.s32 s7, s2  }
0x1e: {  	s7 =	smul.u32 @!p0 $0xF7A, s2;
	p2 =	seq.s32 @!p0 s5, $0x0  }
0x1f: {  	s9 =	smul.u32 $0xF7A, s1;
	s8 =	simm.s32 @!p0 $0x1BF5;
	p2 =	por !p2, p0  }
0x20: {  	[sflag:s8] =	ssyncset.s32 @!p0 $0xFFFFF086;
	s6 =	sadd.s32 @!p0 s3, s7;
	s7 =	simm.s32 @!p0 $0x108  }
0x21: {  	s3 =	sadd.s32 s3, s9;
	s6 =	sadd.s32 @!p0 $0x88, s6;
	s7 =	simm.s32 @p2 $0x1082  }
0x22: {  	[simem:s7], [sflag:s8] =	dma.local @!p0 [hbm:s6], $0xF7A  }
0x23: {  	s9 =	sor.u32 $0xD0000000, s2;
	s6 =	simm.s32 $0x108;
	_ =	swait.ge @!p0 [sflag:s8], $0x0  }
0x24: {  	s3 =	sadd.s32 $0x88, s3;
	s6 =	simm.s32 @!p1 $0x1082;
	[sflag:s4] =	ssyncset.s32 $0xFFFFF086  }
0x25: {  	[simem:s6], [sflag:s4] =	dma.local [hbm:s3], $0xF7A  }
0x26: {  	[smem:$0x3FA0] =	sst s1;
	(tag) =	ssettag s2;
	_ =	strace s9  }
0x27: {  	s1 =	sld [smem:$0x3FB0]  }
0x28: {  	s2 =	sld [smem:$0x3FB1]  }
0x29: {  	s4 =	sld [smem:$0x3FB3]  }
0x2a: {  	p0 =	seq.s32 s5, $0x0;
	s5 =	sld [smem:$0x3FB4]  }
0x2b: {  	s6 =	sld [smem:$0x3FB5]  }
0x2c: {  	s7 =	sld [smem:$0x3FB6]  }
0x2d: {  	s3 =	simm.s32 $0x108;
	s8 =	sld [smem:$0x3FB7]  }
0x2e: {  	s3 =	simm.s32 @!p0 $0x1082;
	s9 =	sld [smem:$0x3FB8]  }
0x2f: {  	lr =	sadd.s32 s0, s3;
	s0 =	sld [smem:$0x3FAF]  }
0x30: {  	s3 =	sld [smem:$0x3FB2]  }
0x31: {  	[smem:$0x3FBB] =	sst s10  }
0x32: {  	s10 =	sld [smem:$0x3FB9];
	_ =	sdelay $0x3  }
0x33: {  	p0 =	seq.s32 s10, $0x1;
	s10 =	sld [smem:$0x3FBB];
	_ =	sdelay $0x3  }
0x34: {  	[smem:$0x3FBB] =	sst s10  }
0x35: {  	s10 =	sld [smem:$0x3FBA];
	_ =	sdelay $0x3  }
0x36: {  	p1 =	seq.s32 s10, $0x1;
	s10 =	sld [smem:$0x3FBB];
	_ =	sdelay $0x3  }
0x37: {  	[smem:$0x3FBB] =	sst s10  }
0x38: {  	s10 =	sld [smem:$0x3FBC]  }
0x39: {  	_ = 	snop;
	(pc) =	sbr.ind lr, $3  }
0x3a: {  	_ = 	snop  }
0x3b: {  	_ = 	snop  }
0x3c: {  	p2 =	seq.s32 s10, $0x1;
	s10 =	sld [smem:$0x3FBB]  }
0x3d: {  	_ =	shalt  }
0x3e: {  	_ =	shalt  }
0x3f: {  	_ =	shalt  }
0x40: {  	_ =	shalt  }
0x41: {  	_ =	shalt  }
0x42: {  	_ =	shalt  }
0x43: {  	_ =	shalt  }
0x44: {  	_ =	shalt  }
0x45: {  	_ =	shalt  }
0x46: {  	_ =	shalt  }
0x47: {  	_ =	shalt  }
0x48: {  	_ =	shalt  }
0x49: {  	_ =	shalt  }
0x4a: {  	_ =	shalt  }
0x4b: {  	_ =	shalt  }
0x4c: {  	_ =	shalt  }
0x4d: {  	_ =	shalt  }
0x4e: {  	_ =	shalt  }
0x4f: {  	_ =	shalt  }
0x50: {  	_ =	shalt  }
0x51: {  	_ =	shalt  }
0x52: {  	_ =	shalt  }
0x53: {  	_ =	shalt  }
0x54: {  	_ =	shalt  }
0x55: {  	_ =	shalt  }
0x56: {  	_ =	shalt  }
0x57: {  	_ =	shalt  }
0x58: {  	_ =	shalt  }
0x59: {  	_ =	shalt  }
0x5a: {  	_ =	shalt  }
0x5b: {  	_ =	shalt  }
0x5c: {  	_ =	shalt  }
0x5d: {  	_ =	shalt  }
0x5e: {  	_ =	shalt  }
0x5f: {  	_ =	shalt  }
0x60: {  	_ =	shalt  }
0x61: {  	_ =	shalt  }
0x62: {  	_ =	shalt  }
0x63: {  	_ =	shalt  }
0x64: {  	_ =	shalt  }
0x65: {  	_ =	shalt  }
0x66: {  	_ =	shalt  }
0x67: {  	_ =	shalt  }
0x68: {  	_ =	shalt  }
0x69: {  	_ =	shalt  }
0x6a: {  	_ =	shalt  }
0x6b: {  	_ =	shalt  }
0x6c: {  	_ =	shalt  }
0x6d: {  	_ =	shalt  }
0x6e: {  	_ =	shalt  }
0x6f: {  	_ =	shalt  }
0x70: {  	_ =	shalt  }
0x71: {  	_ =	shalt  }
0x72: {  	_ =	shalt  }
0x73: {  	_ =	shalt  }
0x74: {  	_ =	shalt  }
0x75: {  	_ =	shalt  }
0x76: {  	_ =	shalt  }
0x77: {  	_ =	shalt  }
0x78: {  	_ =	shalt  }
0x79: {  	_ =	shalt  }
0x7a: {  	_ =	shalt  }
0x7b: {  	_ =	shalt  }
0x7c: {  	_ =	shalt  }
0x7d: {  	_ =	shalt  }
0x7e: {  	_ =	shalt  }
0x7f: {  	_ =	shalt  }
0x80: {  	_ =	shalt  }
0x81: {  	_ =	shalt  }
0x82: {  	_ =	shalt  }
0x83: {  	_ =	shalt  }
0x84: {  	_ =	shalt  }
0x85: {  	_ =	shalt  }
0x86: {  	_ =	shalt  }
0x87: {  	_ =	shalt  }
.Lfunc_end0:
.L_simem_size_0:
called_computation.1_lowered:
.L_overlay_start_0:
0x88: {  	s2 =	sld [smem:$0x3FD9]  }
0x89: {  	s3 =	sld [smem:$0x3FFE];
	_ =	sdelay $0x1  }
0x8a: {  	s1 =	srdreg.scid  }
0x8b: {  	s0 =	sand.u32 $0x1, s1  }
0x8c: {  	s17 =	sshll.u32 s0, $0xA;
	s2 =	sadd.s32 s3, s2  }
0x8d: {  	s2 =	sadd.s32 s2, s17  }
0x8e: {  	[smem:$0x3FC7] =	sst s2  }
0x8f: {  	_ = 	snop  }
0x90: {  	s2 =	sld [smem:$0x3FC9]  }
0x91: {  	s18 =	sld [smem:$0x3FD0];
	(tm) =	ssettm $0x1  }
0x92: {  	s4 =	sld [smem:$0x3FFB];
	_ =	sdelay $0x3  }
0x93: {  	_ =	strace s4  }
0x94: {  	s4 =	sld [smem:$0x3FFC];
	_ =	sdelay $0x3  }
0x95: {  	_ =	strace s4  }
0x96: {  	s4 =	sld [smem:$0x3FFD];
	_ =	sdelay $0x3  }
0x97: {  	_ =	strace s4  }
0x98: {  	_ =	strace $0x8FFFFFFF  }
0x99: {  	s19 =	sld [smem:$0x3FDB];
	_ =	sdelay $0x1  }
0x9a: {  	s5 =	simm.s32 $_scs_section_size  }
0x9b: {  	s6 =	simm.s32 $_size__tile_overlayer_lowered;
	s7 =	simm.s32 $_tile_overlayer_lowered  }
0x9c: {  	s22 =	simm.s32 $0x1BFF;
	s21 =	sshll.u32 s7, $0x1;
	s4 =	sadd.s32 s5, s19  }
0x9d: {  	s8 =	simm.s32 $0x0;
	s20 =	sshll.u32 s6, $0x1;
	s6 =	sadd.s32 s21, s4  }
0x9e: {  	[timem:s8], [sflag:s22] =	dma.local [hbm:s6], s20  }
0x9f: {  	_ =	swait.ge [sflag:s22], s20  }
0xa0: {  	s5 =	ssub.s32 $0x0, s20;
	[sflag:s22] =	ssyncset.done $0x0  }
0xa1: {  	[sflag:s22] =	ssyncadd.s32 s5;
	_ =	sdelay $0x1  }
0xa2: {  	s23 =	simm.s32 $0x1B8B  }
0xa3: {  	_ =	swait.ge [sflag:s23], $0x1  }
0xa4: {  	[sflag:s23] =	ssyncset.done $0x0  }
0xa5: {  	s25 =	simm.s32 $0x1B8E;
	s24 =	sld [smem:$0x3FFE];
	[sflag:s23] =	ssyncadd.s32 $0xFFFFFFFF  }
0xa6: {  	s26 =	simm.s32 $execute0_lowered;
	[smem:$0x3FD2] =	sst s25  }
0xa7: {  	s6 =	sshll.u32 s26, $0x1;
	_ =	strace $0x80000049;
	[dreg:$0x1] =	wrdreg $0xFFFFFFFF  }
0xa8: {  	s28 =	simm.s32 $_size_execute0_lowered;
	s4 =	sadd.s32 s4, s6;
	[dreg:$0x0] =	wrdreg $0x0  }
0xa9: {  	s6 =	sshll.u32 s28, $0x1;
	[dreg:$0x2] =	wrdreg s4  }
0xaa: {  	[dreg:$0x3] =	wrdreg s6  }
0xab: {  	[dreg:$0x4] =	wrdreg $0xC0  }
0xac: {  	_ =	task [dreg:s8], $0x5FFFF  }
0xad: {  	[dreg:$0x1] =	wrdreg $0xFFFFFFFF  }
0xae: {  	[dreg:$0x0] =	wrdreg $0x60  }
0xaf: {  	[dreg:$0x2] =	wrdreg s2  }
0xb0: {  	[dreg:$0x3] =	wrdreg s24  }
0xb1: {  	[dreg:$0x4] =	wrdreg s18  }
0xb2: {  	[dreg:$0x5] =	wrdreg $0x9  }
0xb3: {  	_ =	task.clear_ibuf [dreg:s8], $0x6FFFF;
	_ =	strace $0x90000049  }
0xb4: {  	s29 =	simm.s32 $0x9;
	_ =	strace $0x8000004B  }
0xb5: {  	_ =	swait.ge [sflag:s29], $0x1  }
0xb6: {  	[sflag:s29] =	ssyncadd.s32 $0xFFFFFFFF  }
0xb7: {  	_ =	strace $0x9000004B  }
0xb8: {  	_ =	sfence  }
0xb9: {  	s30 =	sld [smem:$0x0];
	_ =	sdelay $0x2  }
0xba: {  	s31 =	sshll.u32 s1, $0xD;
	s1 =	sshrl.u32 s1, $0x2  }
0xbb: {  	s3 =	sand.u32 $0x4000, s31;
	s1 =	sadd.s32 s1, s30  }
0xbc: {  	s0 =	sor.u32 s3, s0;
	s1 =	sshll.u32 s1, $0x11  }
0xbd: {  	s0 =	sor.u32 s1, s0  }
0xbe: {  	s0 =	sadd.s32 $0x8F2B, s0  }
0xbf: {  	[sflag:s0] =	ssyncadd.remote.s32 $0x1  }
0xc0: {  	_ =	sfence.sel $0xFFFF  }
0xc1: {  	[dreg:$0x0] =	wrdreg $0xFFFFFFFF;
	(pc) =	sbr.abs _section_cstart, $3  }
0xc2: {  	[dreg:$0x1] =	wrdreg $0xFFFFFFFF  }
0xc3: {  	_ =	task.clear_ibuf [dreg:s8], $0x2FFFF;
	_ =	strace $0x9FFFFFFF  }
0xc4: {  	(tm) =	ssettm $0x7FFFFFFF  }
0xc5: {  	_ =	shalt  }
tec
execute0_lowered:
.L_overlay_start_1:
0x0: {  	(tag) =	ssettag $0x1  }
0x1: {  	s4 =	rddreg [dreg:$0x0]  }
0x2: {  	s3 =	rddreg [dreg:$0x1]  }
0x3: {  	s7 =	rddreg [dreg:$0x2]  }
0x4: {  	s0 =	rddreg [dreg:$0x3]  }
0x5: {  	s2 =	simm.s32 $0x0;
	s5 =	srdreg.scid;
	s1 =	stileid.u32  }
0x6: {  	s11 =	simm.s32 $0x3;
	s12 =	simm.s32 $0x8000;
	s13 =	simm.s32 $0xC000  }
0x7: {  	s14 =	simm.s32 $0x1;
	s15 =	simm.s32 $0x2;
	s16 =	simm.s32 $0x80  }
0x8: {  	s17 =	simm.s32 $0x400;
	s18 =	simm.s32 $0x0;
	[smem:$0x7FF] =	sst s2  }
0x9: {  	s5 =	sand.u32 $0x1, s5;
	s6 =	sshll.u32 s1, $0x1;
	s3 =	sadd.s32 $0x200, s3  }
0xa: {  	s30 =	sshll.u32 s1, $0xD;
	s8 =	ssub.s32 $0x2, s5;
	s6 =	sor.u32 s5, s6  }
0xb: {  	_ =	strace $0x8000004A;
	s29 =	sshrl.u32 s8, $0x1;
	s9 =	sshll.u32 s6, $0x11  }
0xc: {  	s31 =	sshll.u32 s6, $0x4;
	s10 =	ssub.s32 s8, s29;
	s4 =	sadd.s32 s4, s9  }
0xd: {  	s8 =	sand.u32 $0x18000, s30;
	s9 =	sand.u32 $0x70, s31;
	s5 =	sadd.s32 $0x800, s4  }
0xe: {  	s6 =	sadd.s32 $0x1000, s4;
	s8 =	sadd.s32 s7, s8;
	s7 =	sadd.s32 $0x1800, s4  }
0xf: {  	v0 =	vimm.s32 $0x0;
	v1 =	vimm.s32 $0x1;
	s8 =	sadd.s32 s9, s8;
	s9 =	smax.u32 s10, $0x1;
	s10 =	simm.s32 $0x10000  }
.LBB2_1:
0x10: {  	s19 =	simm.s32 $0x40  }
0x11: {  	[tilespmem:s19+$0xFFFFFFC0] =	vst v0  }
0x12: {  	[tilespmem:s19+$0x30] =	vst v0  }
0x13: {  	[tilespmem:s19+$0x20] =	vst v0  }
0x14: {  	[tilespmem:s19+$0x10] =	vst v0  }
0x15: {  	[tilespmem:s19+$0x0] =	vst v0  }
0x16: {  	[tilespmem:s19+$0xFFFFFFF0] =	vst v0  }
0x17: {  	s20 =	simm.s32 $0x0;
	[tilespmem:s19+$0xFFFFFFE0] =	vst v0  }
.LBB2_2:
0x18: {  	s20 =	sadd.s32 $0x8, s20;
	[tilespmem:s19+$0xFFFFFFD0] =	vst v0;
	s19 =	sadd.s32 $0x80, s19  }
0x19: {  	[tilespmem:s19+$0xFFFFFFC0] =	vst v0;
	p0 =	slt.u32 s20, $0x7F8  }
0x1a: {  	[tilespmem:s19+$0x30] =	vst v0  }
.Ltmp0:
0x1b: {  	[tilespmem:s19+$0x20] =	vst v0;
	(pc) =	sbr.rel @p0 .LBB2_2-.Ltmp0, $4  }
0x1c: {  	[tilespmem:s19+$0x10] =	vst v0  }
0x1d: {  	[tilespmem:s19+$0x0] =	vst v0  }
0x1e: {  	[tilespmem:s19+$0xFFFFFFF0] =	vst v0  }
0x1f: {  	[tilespmem:s19+$0xFFFFFFE0] =	vst v0  }
0x20: {  	[tilespmem:s19+$0xFFFFFFD0] =	vst v0;
	s19 =	simm.s32 $0x0  }
0x21: {  	[tilespmem:s10], [sflag:$0x3] =	stream.linear.gather [hbm4b:s3+s19], $0x80, $0x38;
	[tilespmem:$0x10080] =	vst v63  }
0x22: {  	_ =	swait.ge [sflag:s11], $0x80  }
0x23: {  	[sflag:s11] =	ssyncset.done $0x0  }
0x24: {  	[sflag:s11] =	ssyncadd.s32 $0xFFFFFF80  }
0x25: {  	v2 =	vld [tilespmem:$0x10000];
	[tilespmem:s12], [sflag:$0x1] =	stream.linear.gather [hbm4b:s4+s19], $0x4000, $0x38  }
0x26: {  	_ = 	snop  }
0x27: {  	[tilespmem:s13], [sflag:$0x2] =	stream.linear.gather [hbm4b:s5+s19], $0x4000, $0x38;
	[tilespmem:$0x10080] =	vst v63  }
.LBB2_4:
0x28: {  	_ =	swait.ge [sflag:s14], $0x4000  }
0x29: {  	[sflag:s14] =	ssyncset.done $0x0  }
0x2a: {  	s20 =	simm.s32 $0x8040;
	[sflag:s14] =	ssyncadd.s32 $0xFFFFC000  }
0x2b: {  	v3 =	vld [tilespmem:s20+$0x30]  }
0x2c: {  	v4 =	vld [tilespmem:s20+$0xFFFFFFD0]  }
0x2d: {  	v5 =	vld [tilespmem:s20+$0xFFFFFFE0]  }
0x2e: {  	v6 =	vld [tilespmem:s20+$0xFFFFFFF0]  }
0x2f: {  	v10 =	vld [tilespmem:s20+$0xFFFFFFC0]  }
0x30: {  	v7 =	vld [tilespmem:s20+$0x0]  }
0x31: {  	v8 =	vld [tilespmem:s20+$0x10]  }
0x32: {  	v9 =	vld [tilespmem:s20+$0x20];
	v3 =	vand.u32 $0x7FFFFFFF, v3;
	v4 =	vand.u32 $0x7FFFFFFF, v4;
	v5 =	vand.u32 $0x7FFFFFFF, v5  }
0x33: {  	v3 =	vsub.s32 v3, v2;
	v4 =	vsub.s32 v4, v2;
	v11 =	vsub.s32 v5, v2  }
0x34: {  	v5 =	vand.u32 $0x7FFFFFFF, v6;
	v6 =	vand.u32 $0x7FFFFFFF, v10;
	vm4 =	vlt.u32 v3, $0x8000  }
0x35: {  	v3 =	vand.u32 $0x7FFF, v3;
	v12 =	vsub.s32 v5, v2;
	v5 =	vand.u32 $0x7FFFFFFF, v7  }
0x36: {  	vm0 =	vlt.u32 v4, $0x8000;
	v13 =	vsub.s32 v5, v2;
	v5 =	vand.u32 $0x7FFFFFFF, v8  }
0x37: {  	vm1 =	vlt.u32 v11, $0x8000;
	v8 =	vsub.s32 v5, v2;
	v5 =	vand.u32 $0x7FFFFFFF, v9  }
0x38: {  	vm2 =	vlt.u32 v12, $0x8000;
	vm3 =	vlt.u32 v13, $0x8000;
	v9 =	vsub.s32 v5, v2  }
0x39: {  	v5 =	vsub.s32 v6, v2;
	vm8 =	vlt.u32 v8, $0x8000;
	v6 =	vand.u32 $0x7FFF, v11  }
0x3a: {  	vm7 =	vlt.u32 v9, $0x8000;
	vm5 =	vlt.u32 v5, $0x8000;
	v7 =	vand.u32 $0x7FFF, v5  }
0x3b: {  	s21 =	simm.s32 $0x0;
	s22 =	simm.s32 $0x8440;
	s20 =	simm.s32 $0x80F0;
	v5 =	vand.u32 $0x7FFF, v4;
	v4 =	vand.u32 $0x7FFF, v12;
	[tilespmem:v3+s2+$0x0] =	vst.idx.add.s32.msk vm4, v1;
	v3 =	vand.u32 $0x7FFF, v13  }
.LBB2_5:
0x3c: {  	v10 =	vld [tilespmem:s22+$0x30];
	s21 =	sadd.s32 $0x8, s21;
	v11 =	vand.u32 $0x7FFF, v8;
	v12 =	vand.u32 $0x7FFF, v9;
	vm6 =	vmmov vm8  }
0x3d: {  	vm4 =	vmmov vm7;
	v8 =	vld [tilespmem:s22+$0xFFFFFFD0];
	p0 =	slt.u32 s21, $0x78  }
0x3e: {  	v9 =	vld [tilespmem:s22+$0xFFFFFFE0]  }
0x3f: {  	v13 =	vld [tilespmem:s22+$0xFFFFFFF0]  }
0x40: {  	v14 =	vld [tilespmem:s22+$0x0]  }
0x41: {  	v15 =	vld [tilespmem:s22+$0x10];
	v10 =	vand.u32 $0x7FFFFFFF, v10  }
0x42: {  	v8 =	vand.u32 $0x7FFFFFFF, v8;
	v16 =	vld [tilespmem:s22+$0x20];
	v10 =	vsub.s32 v10, v2  }
0x43: {  	v17 =	vld [tilespmem:s22+$0xFFFFFFC0];
	v18 =	vsub.s32 v8, v2;
	v8 =	vand.u32 $0x7FFFFFFF, v9;
	vm9 =	vlt.u32 v10, $0x8000  }
0x44: {  	v10 =	vand.u32 $0x7FFF, v10;
	v19 =	vsub.s32 v8, v2;
	v8 =	vand.u32 $0x7FFFFFFF, v13;
	[tilespmem:v7+s2+$0x0] =	vst.idx.add.s32.msk vm5, v1  }
0x45: {  	v13 =	vsub.s32 v8, v2;
	v7 =	vand.u32 $0x7FFFFFFF, v14;
	[tilespmem:v5+s2+$0x0] =	vst.idx.add.s32.msk vm0, v1;
	vm0 =	vlt.u32 v18, $0x8000  }
0x46: {  	v14 =	vsub.s32 v7, v2;
	v5 =	vand.u32 $0x7FFFFFFF, v15;
	[tilespmem:v6+s2+$0x0] =	vst.idx.add.s32.msk vm1, v1;
	vm1 =	vlt.u32 v19, $0x8000  }
.Ltmp1:
0x47: {  	v8 =	vsub.s32 v5, v2;
	v5 =	vand.u32 $0x7FFFFFFF, v16;
	[tilespmem:v4+s2+$0x0] =	vst.idx.add.s32.msk vm2, v1;
	vm2 =	vlt.u32 v13, $0x8000;
	(pc) =	sbr.rel @p0 .LBB2_5-.Ltmp1, $4  }
0x48: {  	v4 =	vand.u32 $0x7FFFFFFF, v17;
	v9 =	vsub.s32 v5, v2;
	[tilespmem:v3+s2+$0x0] =	vst.idx.add.s32.msk vm3, v1;
	vm3 =	vlt.u32 v14, $0x8000  }
0x49: {  	vm8 =	vlt.u32 v8, $0x8000;
	v3 =	vsub.s32 v4, v2;
	vm7 =	vlt.u32 v9, $0x8000;
	[tilespmem:v10+s2+$0x0] =	vst.idx.add.s32.msk vm9, v1  }
0x4a: {  	v5 =	vand.u32 $0x7FFF, v18;
	vm5 =	vlt.u32 v3, $0x8000;
	v7 =	vand.u32 $0x7FFF, v3;
	[tilespmem:v11+s2+$0x0] =	vst.idx.add.s32.msk vm6, v1  }
0x4b: {  	s22 =	sadd.s32 $0x400, s22;
	v6 =	vand.u32 $0x7FFF, v19;
	v4 =	vand.u32 $0x7FFF, v13;
	v3 =	vand.u32 $0x7FFF, v14;
	[tilespmem:v12+s2+$0x0] =	vst.idx.add.s32.msk vm4, v1  }
0x4c: {  	_ =	sdelay $0x4  }
0x4d: {  	v8 =	vand.u32 $0x7FFF, v8;
	[tilespmem:v7+s2+$0x0] =	vst.idx.add.s32.msk vm5, v1  }
0x4e: {  	v7 =	vand.u32 $0x7FFF, v9;
	[tilespmem:v5+s2+$0x0] =	vst.idx.add.s32.msk vm0, v1  }
0x4f: {  	[tilespmem:v6+s2+$0x0] =	vst.idx.add.s32.msk vm1, v1  }
0x50: {  	[tilespmem:v4+s2+$0x0] =	vst.idx.add.s32.msk vm2, v1  }
0x51: {  	[tilespmem:v3+s2+$0x0] =	vst.idx.add.s32.msk vm3, v1  }
0x52: {  	[tilespmem:v8+s2+$0x0] =	vst.idx.add.s32.msk vm8, v1  }
0x53: {  	[tilespmem:v7+s2+$0x0] =	vst.idx.add.s32.msk vm7, v1  }
0x54: {  	v3 =	vld [tilespmem:s20+$0x0]  }
0x55: {  	v4 =	vld [tilespmem:s20+$0xFFFFFFA0]  }
0x56: {  	v5 =	vld [tilespmem:s20+$0xFFFFFFB0]  }
0x57: {  	v6 =	vld [tilespmem:s20+$0xFFFFFFC0]  }
0x58: {  	v10 =	vld [tilespmem:s20+$0xFFFFFF90]  }
0x59: {  	v7 =	vld [tilespmem:s20+$0xFFFFFFD0]  }
0x5a: {  	vm4 =	vmmov vm8;
	vm6 =	vmmov vm7;
	v8 =	vld [tilespmem:s20+$0xFFFFFFE0]  }
0x5b: {  	v9 =	vld [tilespmem:s20+$0xFFFFFFF0];
	v3 =	vand.u32 $0x7FFFFFFF, v3;
	v4 =	vand.u32 $0x7FFFFFFF, v4;
	v5 =	vand.u32 $0x7FFFFFFF, v5  }
0x5c: {  	v3 =	vsub.s32 v3, v2;
	v4 =	vsub.s32 v4, v2;
	v11 =	vsub.s32 v5, v2  }
0x5d: {  	v5 =	vand.u32 $0x7FFFFFFF, v6;
	v6 =	vand.u32 $0x7FFFFFFF, v10;
	vm4 =	vlt.u32 v3, $0x8000  }
0x5e: {  	v3 =	vand.u32 $0x7FFF, v3;
	v12 =	vsub.s32 v5, v2;
	v5 =	vand.u32 $0x7FFFFFFF, v7  }
0x5f: {  	vm0 =	vlt.u32 v4, $0x8000;
	v13 =	vsub.s32 v5, v2;
	v5 =	vand.u32 $0x7FFFFFFF, v8  }
0x60: {  	vm1 =	vlt.u32 v11, $0x8000;
	v8 =	vsub.s32 v5, v2;
	v5 =	vand.u32 $0x7FFFFFFF, v9  }
0x61: {  	vm2 =	vlt.u32 v12, $0x8000;
	vm3 =	vlt.u32 v13, $0x8000;
	v9 =	vsub.s32 v5, v2  }
0x62: {  	v5 =	vsub.s32 v6, v2;
	vm8 =	vlt.u32 v8, $0x8000;
	v6 =	vand.u32 $0x7FFF, v11  }
0x63: {  	vm7 =	vlt.u32 v9, $0x8000;
	vm5 =	vlt.u32 v5, $0x8000;
	v7 =	vand.u32 $0x7FFF, v5  }
0x64: {  	s21 =	simm.s32 $0x0;
	s22 =	simm.s32 $0x84F0;
	s20 =	simm.s32 $0x8170;
	v5 =	vand.u32 $0x7FFF, v4;
	v4 =	vand.u32 $0x7FFF, v12;
	[tilespmem:v3+s2+$0x0] =	vst.idx.add.s32.msk vm4, v1;
	v3 =	vand.u32 $0x7FFF, v13  }
.LBB2_7:
0x65: {  	v10 =	vld [tilespmem:s22+$0x0];
	s21 =	sadd.s32 $0x8, s21;
	v11 =	vand.u32 $0x7FFF, v8;
	v12 =	vand.u32 $0x7FFF, v9;
	vm6 =	vmmov vm8  }
0x66: {  	vm4 =	vmmov vm7;
	v8 =	vld [tilespmem:s22+$0xFFFFFFA0];
	p0 =	slt.u32 s21, $0x78  }
0x67: {  	v9 =	vld [tilespmem:s22+$0xFFFFFFB0]  }
0x68: {  	v13 =	vld [tilespmem:s22+$0xFFFFFFC0]  }
0x69: {  	v14 =	vld [tilespmem:s22+$0xFFFFFFD0]  }
0x6a: {  	v15 =	vld [tilespmem:s22+$0xFFFFFFE0];
	v10 =	vand.u32 $0x7FFFFFFF, v10  }
0x6b: {  	v8 =	vand.u32 $0x7FFFFFFF, v8;
	v16 =	vld [tilespmem:s22+$0xFFFFFFF0];
	v10 =	vsub.s32 v10, v2  }
0x6c: {  	v17 =	vld [tilespmem:s22+$0xFFFFFF90];
	v18 =	vsub.s32 v8, v2;
	v8 =	vand.u32 $0x7FFFFFFF, v9;
	vm9 =	vlt.u32 v10, $0x8000  }
0x6d: {  	v10 =	vand.u32 $0x7FFF, v10;
	v19 =	vsub.s32 v8, v2;
	v8 =	vand.u32 $0x7FFFFFFF, v13;
	[tilespmem:v7+s2+$0x0] =	vst.idx.add.s32.msk vm5, v1  }
0x6e: {  	v13 =	vsub.s32 v8, v2;
	v7 =	vand.u32 $0x7FFFFFFF, v14;
	[tilespmem:v5+s2+$0x0] =	vst.idx.add.s32.msk vm0, v1;
	vm0 =	vlt.u32 v18, $0x8000  }
0x6f: {  	v14 =	vsub.s32 v7, v2;
	v5 =	vand.u32 $0x7FFFFFFF, v15;
	[tilespmem:v6+s2+$0x0] =	vst.idx.add.s32.msk vm1, v1;
	vm1 =	vlt.u32 v19, $0x8000  }
.Ltmp2:
0x70: {  	v8 =	vsub.s32 v5, v2;
	v5 =	vand.u32 $0x7FFFFFFF, v16;
	[tilespmem:v4+s2+$0x0] =	vst.idx.add.s32.msk vm2, v1;
	vm2 =	vlt.u32 v13, $0x8000;
	(pc) =	sbr.rel @p0 .LBB2_7-.Ltmp2, $4  }
0x71: {  	v4 =	vand.u32 $0x7FFFFFFF, v17;
	v9 =	vsub.s32 v5, v2;
	[tilespmem:v3+s2+$0x0] =	vst.idx.add.s32.msk vm3, v1;
	vm3 =	vlt.u32 v14, $0x8000  }
0x72: {  	vm8 =	vlt.u32 v8, $0x8000;
	v3 =	vsub.s32 v4, v2;
	vm7 =	vlt.u32 v9, $0x8000;
	[tilespmem:v10+s2+$0x0] =	vst.idx.add.s32.msk vm9, v1  }
0x73: {  	v5 =	vand.u32 $0x7FFF, v18;
	vm5 =	vlt.u32 v3, $0x8000;
	v7 =	vand.u32 $0x7FFF, v3;
	[tilespmem:v11+s2+$0x0] =	vst.idx.add.s32.msk vm6, v1  }
0x74: {  	s22 =	sadd.s32 $0x400, s22;
	v6 =	vand.u32 $0x7FFF, v19;
	v4 =	vand.u32 $0x7FFF, v13;
	v3 =	vand.u32 $0x7FFF, v14;
	[tilespmem:v12+s2+$0x0] =	vst.idx.add.s32.msk vm4, v1  }
0x75: {  	_ =	sdelay $0x4  }
0x76: {  	v8 =	vand.u32 $0x7FFF, v8;
	[tilespmem:v7+s2+$0x0] =	vst.idx.add.s32.msk vm5, v1  }
0x77: {  	v7 =	vand.u32 $0x7FFF, v9;
	[tilespmem:v5+s2+$0x0] =	vst.idx.add.s32.msk vm0, v1  }
0x78: {  	[tilespmem:v6+s2+$0x0] =	vst.idx.add.s32.msk vm1, v1  }
0x79: {  	[tilespmem:v4+s2+$0x0] =	vst.idx.add.s32.msk vm2, v1  }
0x7a: {  	[tilespmem:v3+s2+$0x0] =	vst.idx.add.s32.msk vm3, v1  }
0x7b: {  	[tilespmem:v8+s2+$0x0] =	vst.idx.add.s32.msk vm8, v1  }
0x7c: {  	[tilespmem:v7+s2+$0x0] =	vst.idx.add.s32.msk vm7, v1  }
0x7d: {  	v3 =	vld [tilespmem:s20+$0x0]  }
0x7e: {  	v4 =	vld [tilespmem:s20+$0xFFFFFFA0]  }
0x7f: {  	v5 =	vld [tilespmem:s20+$0xFFFFFFB0]  }
0x80: {  	v6 =	vld [tilespmem:s20+$0xFFFFFFC0]  }
0x81: {  	v10 =	vld [tilespmem:s20+$0xFFFFFF90]  }
0x82: {  	v7 =	vld [tilespmem:s20+$0xFFFFFFD0]  }
0x83: {  	vm4 =	vmmov vm8;
	vm6 =	vmmov vm7;
	v8 =	vld [tilespmem:s20+$0xFFFFFFE0]  }
0x84: {  	v9 =	vld [tilespmem:s20+$0xFFFFFFF0];
	v3 =	vand.u32 $0x7FFFFFFF, v3;
	v4 =	vand.u32 $0x7FFFFFFF, v4;
	v5 =	vand.u32 $0x7FFFFFFF, v5  }
0x85: {  	v3 =	vsub.s32 v3, v2;
	v4 =	vsub.s32 v4, v2;
	v11 =	vsub.s32 v5, v2  }
0x86: {  	v5 =	vand.u32 $0x7FFFFFFF, v6;
	v6 =	vand.u32 $0x7FFFFFFF, v10;
	vm4 =	vlt.u32 v3, $0x8000  }
0x87: {  	v3 =	vand.u32 $0x7FFF, v3;
	v12 =	vsub.s32 v5, v2;
	v5 =	vand.u32 $0x7FFFFFFF, v7  }
0x88: {  	vm0 =	vlt.u32 v4, $0x8000;
	v13 =	vsub.s32 v5, v2;
	v5 =	vand.u32 $0x7FFFFFFF, v8  }
0x89: {  	vm1 =	vlt.u32 v11, $0x8000;
	v8 =	vsub.s32 v5, v2;
	v5 =	vand.u32 $0x7FFFFFFF, v9  }
0x8a: {  	vm2 =	vlt.u32 v12, $0x8000;
	vm3 =	vlt.u32 v13, $0x8000;
	v9 =	vsub.s32 v5, v2  }
0x8b: {  	v5 =	vsub.s32 v6, v2;
	vm8 =	vlt.u32 v8, $0x8000;
	v6 =	vand.u32 $0x7FFF, v11  }
0x8c: {  	vm7 =	vlt.u32 v9, $0x8000;
	vm5 =	vlt.u32 v5, $0x8000;
	v7 =	vand.u32 $0x7FFF, v5  }
0x8d: {  	s21 =	simm.s32 $0x0;
	s22 =	simm.s32 $0x8570;
	s20 =	simm.s32 $0x81F0;
	v5 =	vand.u32 $0x7FFF, v4;
	v4 =	vand.u32 $0x7FFF, v12;
	[tilespmem:v3+s2+$0x0] =	vst.idx.add.s32.msk vm4, v1;
	v3 =	vand.u32 $0x7FFF, v13  }
.LBB2_9:
0x8e: {  	v10 =	vld [tilespmem:s22+$0x0];
	s21 =	sadd.s32 $0x8, s21;
	v11 =	vand.u32 $0x7FFF, v8;
	v12 =	vand.u32 $0x7FFF, v9;
	vm6 =	vmmov vm8  }
0x8f: {  	vm4 =	vmmov vm7;
	v8 =	vld [tilespmem:s22+$0xFFFFFFA0];
	p0 =	slt.u32 s21, $0x78  }
0x90: {  	v9 =	vld [tilespmem:s22+$0xFFFFFFB0]  }
0x91: {  	v13 =	vld [tilespmem:s22+$0xFFFFFFC0]  }
0x92: {  	v14 =	vld [tilespmem:s22+$0xFFFFFFD0]  }
0x93: {  	v15 =	vld [tilespmem:s22+$0xFFFFFFE0];
	v10 =	vand.u32 $0x7FFFFFFF, v10  }
0x94: {  	v8 =	vand.u32 $0x7FFFFFFF, v8;
	v16 =	vld [tilespmem:s22+$0xFFFFFFF0];
	v10 =	vsub.s32 v10, v2  }
0x95: {  	v17 =	vld [tilespmem:s22+$0xFFFFFF90];
	v18 =	vsub.s32 v8, v2;
	v8 =	vand.u32 $0x7FFFFFFF, v9;
	vm9 =	vlt.u32 v10, $0x8000  }
0x96: {  	v10 =	vand.u32 $0x7FFF, v10;
	v19 =	vsub.s32 v8, v2;
	v8 =	vand.u32 $0x7FFFFFFF, v13;
	[tilespmem:v7+s2+$0x0] =	vst.idx.add.s32.msk vm5, v1  }
0x97: {  	v13 =	vsub.s32 v8, v2;
	v7 =	vand.u32 $0x7FFFFFFF, v14;
	[tilespmem:v5+s2+$0x0] =	vst.idx.add.s32.msk vm0, v1;
	vm0 =	vlt.u32 v18, $0x8000  }
0x98: {  	v14 =	vsub.s32 v7, v2;
	v5 =	vand.u32 $0x7FFFFFFF, v15;
	[tilespmem:v6+s2+$0x0] =	vst.idx.add.s32.msk vm1, v1;
	vm1 =	vlt.u32 v19, $0x8000  }
.Ltmp3:
0x99: {  	v8 =	vsub.s32 v5, v2;
	v5 =	vand.u32 $0x7FFFFFFF, v16;
	[tilespmem:v4+s2+$0x0] =	vst.idx.add.s32.msk vm2, v1;
	vm2 =	vlt.u32 v13, $0x8000;
	(pc) =	sbr.rel @p0 .LBB2_9-.Ltmp3, $4  }
0x9a: {  	v4 =	vand.u32 $0x7FFFFFFF, v17;
	v9 =	vsub.s32 v5, v2;
	[tilespmem:v3+s2+$0x0] =	vst.idx.add.s32.msk vm3, v1;
	vm3 =	vlt.u32 v14, $0x8000  }
0x9b: {  	vm8 =	vlt.u32 v8, $0x8000;
	v3 =	vsub.s32 v4, v2;
	vm7 =	vlt.u32 v9, $0x8000;
	[tilespmem:v10+s2+$0x0] =	vst.idx.add.s32.msk vm9, v1  }
0x9c: {  	v5 =	vand.u32 $0x7FFF, v18;
	vm5 =	vlt.u32 v3, $0x8000;
	v7 =	vand.u32 $0x7FFF, v3;
	[tilespmem:v11+s2+$0x0] =	vst.idx.add.s32.msk vm6, v1  }
0x9d: {  	s22 =	sadd.s32 $0x400, s22;
	v6 =	vand.u32 $0x7FFF, v19;
	v4 =	vand.u32 $0x7FFF, v13;
	v3 =	vand.u32 $0x7FFF, v14;
	[tilespmem:v12+s2+$0x0] =	vst.idx.add.s32.msk vm4, v1  }
0x9e: {  	_ =	sdelay $0x4  }
0x9f: {  	v8 =	vand.u32 $0x7FFF, v8;
	[tilespmem:v7+s2+$0x0] =	vst.idx.add.s32.msk vm5, v1  }
0xa0: {  	v7 =	vand.u32 $0x7FFF, v9;
	[tilespmem:v5+s2+$0x0] =	vst.idx.add.s32.msk vm0, v1  }
0xa1: {  	[tilespmem:v6+s2+$0x0] =	vst.idx.add.s32.msk vm1, v1  }
0xa2: {  	[tilespmem:v4+s2+$0x0] =	vst.idx.add.s32.msk vm2, v1  }
0xa3: {  	[tilespmem:v3+s2+$0x0] =	vst.idx.add.s32.msk vm3, v1  }
0xa4: {  	[tilespmem:v8+s2+$0x0] =	vst.idx.add.s32.msk vm8, v1  }
0xa5: {  	[tilespmem:v7+s2+$0x0] =	vst.idx.add.s32.msk vm7, v1  }
0xa6: {  	v3 =	vld [tilespmem:s20+$0x0]  }
0xa7: {  	v4 =	vld [tilespmem:s20+$0xFFFFFFA0]  }
0xa8: {  	v5 =	vld [tilespmem:s20+$0xFFFFFFB0]  }
0xa9: {  	v6 =	vld [tilespmem:s20+$0xFFFFFFC0]  }
0xaa: {  	v10 =	vld [tilespmem:s20+$0xFFFFFF90]  }
0xab: {  	v7 =	vld [tilespmem:s20+$0xFFFFFFD0]  }
0xac: {  	vm4 =	vmmov vm8;
	vm6 =	vmmov vm7;
	v8 =	vld [tilespmem:s20+$0xFFFFFFE0]  }
0xad: {  	v9 =	vld [tilespmem:s20+$0xFFFFFFF0];
	v3 =	vand.u32 $0x7FFFFFFF, v3;
	v4 =	vand.u32 $0x7FFFFFFF, v4;
	v5 =	vand.u32 $0x7FFFFFFF, v5  }
0xae: {  	v3 =	vsub.s32 v3, v2;
	v4 =	vsub.s32 v4, v2;
	v11 =	vsub.s32 v5, v2  }
0xaf: {  	v5 =	vand.u32 $0x7FFFFFFF, v6;
	v6 =	vand.u32 $0x7FFFFFFF, v10;
	vm4 =	vlt.u32 v3, $0x8000  }
0xb0: {  	v3 =	vand.u32 $0x7FFF, v3;
	v12 =	vsub.s32 v5, v2;
	v5 =	vand.u32 $0x7FFFFFFF, v7  }
0xb1: {  	vm0 =	vlt.u32 v4, $0x8000;
	v13 =	vsub.s32 v5, v2;
	v5 =	vand.u32 $0x7FFFFFFF, v8  }
0xb2: {  	vm1 =	vlt.u32 v11, $0x8000;
	v8 =	vsub.s32 v5, v2;
	v5 =	vand.u32 $0x7FFFFFFF, v9  }
0xb3: {  	vm2 =	vlt.u32 v12, $0x8000;
	vm3 =	vlt.u32 v13, $0x8000;
	v9 =	vsub.s32 v5, v2  }
0xb4: {  	v5 =	vsub.s32 v6, v2;
	vm8 =	vlt.u32 v8, $0x8000;
	v6 =	vand.u32 $0x7FFF, v11  }
0xb5: {  	vm7 =	vlt.u32 v9, $0x8000;
	vm5 =	vlt.u32 v5, $0x8000;
	v7 =	vand.u32 $0x7FFF, v5  }
0xb6: {  	s21 =	simm.s32 $0x0;
	s22 =	simm.s32 $0x85F0;
	s20 =	simm.s32 $0x8270;
	v5 =	vand.u32 $0x7FFF, v4;
	v4 =	vand.u32 $0x7FFF, v12;
	[tilespmem:v3+s2+$0x0] =	vst.idx.add.s32.msk vm4, v1;
	v3 =	vand.u32 $0x7FFF, v13  }
.LBB2_11:
0xb7: {  	v10 =	vld [tilespmem:s22+$0x0];
	s21 =	sadd.s32 $0x8, s21;
	v11 =	vand.u32 $0x7FFF, v8;
	v12 =	vand.u32 $0x7FFF, v9;
	vm6 =	vmmov vm8  }
0xb8: {  	vm4 =	vmmov vm7;
	v8 =	vld [tilespmem:s22+$0xFFFFFFA0];
	p0 =	slt.u32 s21, $0x78  }
0xb9: {  	v9 =	vld [tilespmem:s22+$0xFFFFFFB0]  }
0xba: {  	v13 =	vld [tilespmem:s22+$0xFFFFFFC0]  }
0xbb: {  	v14 =	vld [tilespmem:s22+$0xFFFFFFD0]  }
0xbc: {  	v15 =	vld [tilespmem:s22+$0xFFFFFFE0];
	v10 =	vand.u32 $0x7FFFFFFF, v10  }
0xbd: {  	v8 =	vand.u32 $0x7FFFFFFF, v8;
	v16 =	vld [tilespmem:s22+$0xFFFFFFF0];
	v10 =	vsub.s32 v10, v2  }
0xbe: {  	v17 =	vld [tilespmem:s22+$0xFFFFFF90];
	v18 =	vsub.s32 v8, v2;
	v8 =	vand.u32 $0x7FFFFFFF, v9;
	vm9 =	vlt.u32 v10, $0x8000  }
0xbf: {  	v10 =	vand.u32 $0x7FFF, v10;
	v19 =	vsub.s32 v8, v2;
	v8 =	vand.u32 $0x7FFFFFFF, v13;
	[tilespmem:v7+s2+$0x0] =	vst.idx.add.s32.msk vm5, v1  }
0xc0: {  	v13 =	vsub.s32 v8, v2;
	v7 =	vand.u32 $0x7FFFFFFF, v14;
	[tilespmem:v5+s2+$0x0] =	vst.idx.add.s32.msk vm0, v1;
	vm0 =	vlt.u32 v18, $0x8000  }
0xc1: {  	v14 =	vsub.s32 v7, v2;
	v5 =	vand.u32 $0x7FFFFFFF, v15;
	[tilespmem:v6+s2+$0x0] =	vst.idx.add.s32.msk vm1, v1;
	vm1 =	vlt.u32 v19, $0x8000  }
.Ltmp4:
0xc2: {  	v8 =	vsub.s32 v5, v2;
	v5 =	vand.u32 $0x7FFFFFFF, v16;
	[tilespmem:v4+s2+$0x0] =	vst.idx.add.s32.msk vm2, v1;
	vm2 =	vlt.u32 v13, $0x8000;
	(pc) =	sbr.rel @p0 .LBB2_11-.Ltmp4, $4  }
0xc3: {  	v4 =	vand.u32 $0x7FFFFFFF, v17;
	v9 =	vsub.s32 v5, v2;
	[tilespmem:v3+s2+$0x0] =	vst.idx.add.s32.msk vm3, v1;
	vm3 =	vlt.u32 v14, $0x8000  }
0xc4: {  	vm8 =	vlt.u32 v8, $0x8000;
	v3 =	vsub.s32 v4, v2;
	vm7 =	vlt.u32 v9, $0x8000;
	[tilespmem:v10+s2+$0x0] =	vst.idx.add.s32.msk vm9, v1  }
0xc5: {  	v5 =	vand.u32 $0x7FFF, v18;
	vm5 =	vlt.u32 v3, $0x8000;
	v7 =	vand.u32 $0x7FFF, v3;
	[tilespmem:v11+s2+$0x0] =	vst.idx.add.s32.msk vm6, v1  }
0xc6: {  	s22 =	sadd.s32 $0x400, s22;
	v6 =	vand.u32 $0x7FFF, v19;
	v4 =	vand.u32 $0x7FFF, v13;
	v3 =	vand.u32 $0x7FFF, v14;
	[tilespmem:v12+s2+$0x0] =	vst.idx.add.s32.msk vm4, v1  }
0xc7: {  	_ =	sdelay $0x4  }
0xc8: {  	v8 =	vand.u32 $0x7FFF, v8;
	[tilespmem:v7+s2+$0x0] =	vst.idx.add.s32.msk vm5, v1  }
0xc9: {  	v7 =	vand.u32 $0x7FFF, v9;
	[tilespmem:v5+s2+$0x0] =	vst.idx.add.s32.msk vm0, v1  }
0xca: {  	[tilespmem:v6+s2+$0x0] =	vst.idx.add.s32.msk vm1, v1  }
0xcb: {  	[tilespmem:v4+s2+$0x0] =	vst.idx.add.s32.msk vm2, v1  }
0xcc: {  	[tilespmem:v3+s2+$0x0] =	vst.idx.add.s32.msk vm3, v1  }
0xcd: {  	[tilespmem:v8+s2+$0x0] =	vst.idx.add.s32.msk vm8, v1  }
0xce: {  	[tilespmem:v7+s2+$0x0] =	vst.idx.add.s32.msk vm7, v1  }
0xcf: {  	v3 =	vld [tilespmem:s20+$0x0]  }
0xd0: {  	v4 =	vld [tilespmem:s20+$0xFFFFFFA0]  }
0xd1: {  	v5 =	vld [tilespmem:s20+$0xFFFFFFB0]  }
0xd2: {  	v6 =	vld [tilespmem:s20+$0xFFFFFFC0]  }
0xd3: {  	v10 =	vld [tilespmem:s20+$0xFFFFFF90]  }
0xd4: {  	v7 =	vld [tilespmem:s20+$0xFFFFFFD0]  }
0xd5: {  	vm4 =	vmmov vm8;
	vm6 =	vmmov vm7;
	v8 =	vld [tilespmem:s20+$0xFFFFFFE0]  }
0xd6: {  	v9 =	vld [tilespmem:s20+$0xFFFFFFF0];
	v3 =	vand.u32 $0x7FFFFFFF, v3;
	v4 =	vand.u32 $0x7FFFFFFF, v4;
	v5 =	vand.u32 $0x7FFFFFFF, v5  }
0xd7: {  	v3 =	vsub.s32 v3, v2;
	v4 =	vsub.s32 v4, v2;
	v11 =	vsub.s32 v5, v2  }
0xd8: {  	v5 =	vand.u32 $0x7FFFFFFF, v6;
	v6 =	vand.u32 $0x7FFFFFFF, v10;
	vm4 =	vlt.u32 v3, $0x8000  }
0xd9: {  	v3 =	vand.u32 $0x7FFF, v3;
	v12 =	vsub.s32 v5, v2;
	v5 =	vand.u32 $0x7FFFFFFF, v7  }
0xda: {  	vm0 =	vlt.u32 v4, $0x8000;
	v13 =	vsub.s32 v5, v2;
	v5 =	vand.u32 $0x7FFFFFFF, v8  }
0xdb: {  	vm1 =	vlt.u32 v11, $0x8000;
	v8 =	vsub.s32 v5, v2;
	v5 =	vand.u32 $0x7FFFFFFF, v9  }
0xdc: {  	vm2 =	vlt.u32 v12, $0x8000;
	vm3 =	vlt.u32 v13, $0x8000;
	v9 =	vsub.s32 v5, v2  }
0xdd: {  	v5 =	vsub.s32 v6, v2;
	vm8 =	vlt.u32 v8, $0x8000;
	v6 =	vand.u32 $0x7FFF, v11  }
0xde: {  	vm7 =	vlt.u32 v9, $0x8000;
	vm5 =	vlt.u32 v5, $0x8000;
	v7 =	vand.u32 $0x7FFF, v5  }
0xdf: {  	s21 =	simm.s32 $0x0;
	s22 =	simm.s32 $0x8670;
	s20 =	simm.s32 $0x82F0;
	v5 =	vand.u32 $0x7FFF, v4;
	v4 =	vand.u32 $0x7FFF, v12;
	[tilespmem:v3+s2+$0x0] =	vst.idx.add.s32.msk vm4, v1;
	v3 =	vand.u32 $0x7FFF, v13  }
.LBB2_13:
0xe0: {  	v10 =	vld [tilespmem:s22+$0x0];
	s21 =	sadd.s32 $0x8, s21;
	v11 =	vand.u32 $0x7FFF, v8;
	v12 =	vand.u32 $0x7FFF, v9;
	vm6 =	vmmov vm8  }
0xe1: {  	vm4 =	vmmov vm7;
	v8 =	vld [tilespmem:s22+$0xFFFFFFA0];
	p0 =	slt.u32 s21, $0x78  }
0xe2: {  	v9 =	vld [tilespmem:s22+$0xFFFFFFB0]  }
0xe3: {  	v13 =	vld [tilespmem:s22+$0xFFFFFFC0]  }
0xe4: {  	v14 =	vld [tilespmem:s22+$0xFFFFFFD0]  }
0xe5: {  	v15 =	vld [tilespmem:s22+$0xFFFFFFE0];
	v10 =	vand.u32 $0x7FFFFFFF, v10  }
0xe6: {  	v8 =	vand.u32 $0x7FFFFFFF, v8;
	v16 =	vld [tilespmem:s22+$0xFFFFFFF0];
	v10 =	vsub.s32 v10, v2  }
0xe7: {  	v17 =	vld [tilespmem:s22+$0xFFFFFF90];
	v18 =	vsub.s32 v8, v2;
	v8 =	vand.u32 $0x7FFFFFFF, v9;
	vm9 =	vlt.u32 v10, $0x8000  }
0xe8: {  	v10 =	vand.u32 $0x7FFF, v10;
	v19 =	vsub.s32 v8, v2;
	v8 =	vand.u32 $0x7FFFFFFF, v13;
	[tilespmem:v7+s2+$0x0] =	vst.idx.add.s32.msk vm5, v1  }
0xe9: {  	v13 =	vsub.s32 v8, v2;
	v7 =	vand.u32 $0x7FFFFFFF, v14;
	[tilespmem:v5+s2+$0x0] =	vst.idx.add.s32.msk vm0, v1;
	vm0 =	vlt.u32 v18, $0x8000  }
0xea: {  	v14 =	vsub.s32 v7, v2;
	v5 =	vand.u32 $0x7FFFFFFF, v15;
	[tilespmem:v6+s2+$0x0] =	vst.idx.add.s32.msk vm1, v1;
	vm1 =	vlt.u32 v19, $0x8000  }
.Ltmp5:
0xeb: {  	v8 =	vsub.s32 v5, v2;
	v5 =	vand.u32 $0x7FFFFFFF, v16;
	[tilespmem:v4+s2+$0x0] =	vst.idx.add.s32.msk vm2, v1;
	vm2 =	vlt.u32 v13, $0x8000;
	(pc) =	sbr.rel @p0 .LBB2_13-.Ltmp5, $4  }
0xec: {  	v4 =	vand.u32 $0x7FFFFFFF, v17;
	v9 =	vsub.s32 v5, v2;
	[tilespmem:v3+s2+$0x0] =	vst.idx.add.s32.msk vm3, v1;
	vm3 =	vlt.u32 v14, $0x8000  }
0xed: {  	vm8 =	vlt.u32 v8, $0x8000;
	v3 =	vsub.s32 v4, v2;
	vm7 =	vlt.u32 v9, $0x8000;
	[tilespmem:v10+s2+$0x0] =	vst.idx.add.s32.msk vm9, v1  }
0xee: {  	v5 =	vand.u32 $0x7FFF, v18;
	vm5 =	vlt.u32 v3, $0x8000;
	v7 =	vand.u32 $0x7FFF, v3;
	[tilespmem:v11+s2+$0x0] =	vst.idx.add.s32.msk vm6, v1  }
0xef: {  	s22 =	sadd.s32 $0x400, s22;
	v6 =	vand.u32 $0x7FFF, v19;
	v4 =	vand.u32 $0x7FFF, v13;
	v3 =	vand.u32 $0x7FFF, v14;
	[tilespmem:v12+s2+$0x0] =	vst.idx.add.s32.msk vm4, v1  }
0xf0: {  	_ =	sdelay $0x4  }
0xf1: {  	v8 =	vand.u32 $0x7FFF, v8;
	[tilespmem:v7+s2+$0x0] =	vst.idx.add.s32.msk vm5, v1  }
0xf2: {  	v7 =	vand.u32 $0x7FFF, v9;
	[tilespmem:v5+s2+$0x0] =	vst.idx.add.s32.msk vm0, v1  }
0xf3: {  	[tilespmem:v6+s2+$0x0] =	vst.idx.add.s32.msk vm1, v1  }
0xf4: {  	[tilespmem:v4+s2+$0x0] =	vst.idx.add.s32.msk vm2, v1  }
0xf5: {  	[tilespmem:v3+s2+$0x0] =	vst.idx.add.s32.msk vm3, v1  }
0xf6: {  	[tilespmem:v8+s2+$0x0] =	vst.idx.add.s32.msk vm8, v1  }
0xf7: {  	[tilespmem:v7+s2+$0x0] =	vst.idx.add.s32.msk vm7, v1  }
0xf8: {  	v3 =	vld [tilespmem:s20+$0x0]  }
0xf9: {  	v4 =	vld [tilespmem:s20+$0xFFFFFFA0]  }
0xfa: {  	v5 =	vld [tilespmem:s20+$0xFFFFFFB0]  }
0xfb: {  	v6 =	vld [tilespmem:s20+$0xFFFFFFC0]  }
0xfc: {  	v10 =	vld [tilespmem:s20+$0xFFFFFF90]  }
0xfd: {  	v7 =	vld [tilespmem:s20+$0xFFFFFFD0]  }
0xfe: {  	vm4 =	vmmov vm8;
	vm6 =	vmmov vm7;
	v8 =	vld [tilespmem:s20+$0xFFFFFFE0]  }
0xff: {  	v9 =	vld [tilespmem:s20+$0xFFFFFFF0];
	v3 =	vand.u32 $0x7FFFFFFF, v3;
	v4 =	vand.u32 $0x7FFFFFFF, v4;
	v5 =	vand.u32 $0x7FFFFFFF, v5  }
0x100: {  	v3 =	vsub.s32 v3, v2;
	v4 =	vsub.s32 v4, v2;
	v11 =	vsub.s32 v5, v2  }
0x101: {  	v5 =	vand.u32 $0x7FFFFFFF, v6;
	v6 =	vand.u32 $0x7FFFFFFF, v10;
	vm4 =	vlt.u32 v3, $0x8000  }
0x102: {  	v3 =	vand.u32 $0x7FFF, v3;
	v12 =	vsub.s32 v5, v2;
	v5 =	vand.u32 $0x7FFFFFFF, v7  }
0x103: {  	vm0 =	vlt.u32 v4, $0x8000;
	v13 =	vsub.s32 v5, v2;
	v5 =	vand.u32 $0x7FFFFFFF, v8  }
0x104: {  	vm1 =	vlt.u32 v11, $0x8000;
	v8 =	vsub.s32 v5, v2;
	v5 =	vand.u32 $0x7FFFFFFF, v9  }
0x105: {  	vm2 =	vlt.u32 v12, $0x8000;
	vm3 =	vlt.u32 v13, $0x8000;
	v9 =	vsub.s32 v5, v2  }
0x106: {  	v5 =	vsub.s32 v6, v2;
	vm8 =	vlt.u32 v8, $0x8000;
	v6 =	vand.u32 $0x7FFF, v11  }
0x107: {  	vm7 =	vlt.u32 v9, $0x8000;
	vm5 =	vlt.u32 v5, $0x8000;
	v7 =	vand.u32 $0x7FFF, v5  }
0x108: {  	s21 =	simm.s32 $0x0;
	s22 =	simm.s32 $0x86F0;
	s20 =	simm.s32 $0x8370;
	v5 =	vand.u32 $0x7FFF, v4;
	v4 =	vand.u32 $0x7FFF, v12;
	[tilespmem:v3+s2+$0x0] =	vst.idx.add.s32.msk vm4, v1;
	v3 =	vand.u32 $0x7FFF, v13  }
.LBB2_15:
0x109: {  	v10 =	vld [tilespmem:s22+$0x0];
	s21 =	sadd.s32 $0x8, s21;
	v11 =	vand.u32 $0x7FFF, v8;
	v12 =	vand.u32 $0x7FFF, v9;
	vm6 =	vmmov vm8  }
0x10a: {  	vm4 =	vmmov vm7;
	v8 =	vld [tilespmem:s22+$0xFFFFFFA0];
	p0 =	slt.u32 s21, $0x78  }
0x10b: {  	v9 =	vld [tilespmem:s22+$0xFFFFFFB0]  }
0x10c: {  	v13 =	vld [tilespmem:s22+$0xFFFFFFC0]  }
0x10d: {  	v14 =	vld [tilespmem:s22+$0xFFFFFFD0]  }
0x10e: {  	v15 =	vld [tilespmem:s22+$0xFFFFFFE0];
	v10 =	vand.u32 $0x7FFFFFFF, v10  }
0x10f: {  	v8 =	vand.u32 $0x7FFFFFFF, v8;
	v16 =	vld [tilespmem:s22+$0xFFFFFFF0];
	v10 =	vsub.s32 v10, v2  }
0x110: {  	v17 =	vld [tilespmem:s22+$0xFFFFFF90];
	v18 =	vsub.s32 v8, v2;
	v8 =	vand.u32 $0x7FFFFFFF, v9;
	vm9 =	vlt.u32 v10, $0x8000  }
0x111: {  	v10 =	vand.u32 $0x7FFF, v10;
	v19 =	vsub.s32 v8, v2;
	v8 =	vand.u32 $0x7FFFFFFF, v13;
	[tilespmem:v7+s2+$0x0] =	vst.idx.add.s32.msk vm5, v1  }
0x112: {  	v13 =	vsub.s32 v8, v2;
	v7 =	vand.u32 $0x7FFFFFFF, v14;
	[tilespmem:v5+s2+$0x0] =	vst.idx.add.s32.msk vm0, v1;
	vm0 =	vlt.u32 v18, $0x8000  }
0x113: {  	v14 =	vsub.s32 v7, v2;
	v5 =	vand.u32 $0x7FFFFFFF, v15;
	[tilespmem:v6+s2+$0x0] =	vst.idx.add.s32.msk vm1, v1;
	vm1 =	vlt.u32 v19, $0x8000  }
.Ltmp6:
0x114: {  	v8 =	vsub.s32 v5, v2;
	v5 =	vand.u32 $0x7FFFFFFF, v16;
	[tilespmem:v4+s2+$0x0] =	vst.idx.add.s32.msk vm2, v1;
	vm2 =	vlt.u32 v13, $0x8000;
	(pc) =	sbr.rel @p0 .LBB2_15-.Ltmp6, $4  }
0x115: {  	v4 =	vand.u32 $0x7FFFFFFF, v17;
	v9 =	vsub.s32 v5, v2;
	[tilespmem:v3+s2+$0x0] =	vst.idx.add.s32.msk vm3, v1;
	vm3 =	vlt.u32 v14, $0x8000  }
0x116: {  	vm8 =	vlt.u32 v8, $0x8000;
	v3 =	vsub.s32 v4, v2;
	vm7 =	vlt.u32 v9, $0x8000;
	[tilespmem:v10+s2+$0x0] =	vst.idx.add.s32.msk vm9, v1  }
0x117: {  	v5 =	vand.u32 $0x7FFF, v18;
	vm5 =	vlt.u32 v3, $0x8000;
	v7 =	vand.u32 $0x7FFF, v3;
	[tilespmem:v11+s2+$0x0] =	vst.idx.add.s32.msk vm6, v1  }
0x118: {  	s22 =	sadd.s32 $0x400, s22;
	v6 =	vand.u32 $0x7FFF, v19;
	v4 =	vand.u32 $0x7FFF, v13;
	v3 =	vand.u32 $0x7FFF, v14;
	[tilespmem:v12+s2+$0x0] =	vst.idx.add.s32.msk vm4, v1  }
0x119: {  	_ =	sdelay $0x4  }
0x11a: {  	v8 =	vand.u32 $0x7FFF, v8;
	[tilespmem:v7+s2+$0x0] =	vst.idx.add.s32.msk vm5, v1  }
0x11b: {  	v7 =	vand.u32 $0x7FFF, v9;
	[tilespmem:v5+s2+$0x0] =	vst.idx.add.s32.msk vm0, v1  }
0x11c: {  	[tilespmem:v6+s2+$0x0] =	vst.idx.add.s32.msk vm1, v1  }
0x11d: {  	[tilespmem:v4+s2+$0x0] =	vst.idx.add.s32.msk vm2, v1  }
0x11e: {  	[tilespmem:v3+s2+$0x0] =	vst.idx.add.s32.msk vm3, v1  }
0x11f: {  	[tilespmem:v8+s2+$0x0] =	vst.idx.add.s32.msk vm8, v1  }
0x120: {  	[tilespmem:v7+s2+$0x0] =	vst.idx.add.s32.msk vm7, v1  }
0x121: {  	v3 =	vld [tilespmem:s20+$0x0]  }
0x122: {  	v4 =	vld [tilespmem:s20+$0xFFFFFFA0]  }
0x123: {  	v5 =	vld [tilespmem:s20+$0xFFFFFFB0]  }
0x124: {  	v6 =	vld [tilespmem:s20+$0xFFFFFFC0]  }
0x125: {  	v10 =	vld [tilespmem:s20+$0xFFFFFF90]  }
0x126: {  	v7 =	vld [tilespmem:s20+$0xFFFFFFD0]  }
0x127: {  	vm4 =	vmmov vm8;
	vm6 =	vmmov vm7;
	v8 =	vld [tilespmem:s20+$0xFFFFFFE0]  }
0x128: {  	v9 =	vld [tilespmem:s20+$0xFFFFFFF0];
	v3 =	vand.u32 $0x7FFFFFFF, v3;
	v4 =	vand.u32 $0x7FFFFFFF, v4;
	v5 =	vand.u32 $0x7FFFFFFF, v5  }
0x129: {  	v3 =	vsub.s32 v3, v2;
	v4 =	vsub.s32 v4, v2;
	v11 =	vsub.s32 v5, v2  }
0x12a: {  	v5 =	vand.u32 $0x7FFFFFFF, v6;
	v6 =	vand.u32 $0x7FFFFFFF, v10;
	vm4 =	vlt.u32 v3, $0x8000  }
0x12b: {  	v3 =	vand.u32 $0x7FFF, v3;
	v12 =	vsub.s32 v5, v2;
	v5 =	vand.u32 $0x7FFFFFFF, v7  }
0x12c: {  	vm0 =	vlt.u32 v4, $0x8000;
	v13 =	vsub.s32 v5, v2;
	v5 =	vand.u32 $0x7FFFFFFF, v8  }
0x12d: {  	vm1 =	vlt.u32 v11, $0x8000;
	v8 =	vsub.s32 v5, v2;
	v5 =	vand.u32 $0x7FFFFFFF, v9  }
0x12e: {  	vm2 =	vlt.u32 v12, $0x8000;
	vm3 =	vlt.u32 v13, $0x8000;
	v9 =	vsub.s32 v5, v2  }
0x12f: {  	v5 =	vsub.s32 v6, v2;
	vm8 =	vlt.u32 v8, $0x8000;
	v6 =	vand.u32 $0x7FFF, v11  }
0x130: {  	vm7 =	vlt.u32 v9, $0x8000;
	vm5 =	vlt.u32 v5, $0x8000;
	v7 =	vand.u32 $0x7FFF, v5  }
0x131: {  	s21 =	simm.s32 $0x0;
	s22 =	simm.s32 $0x8770;
	s20 =	simm.s32 $0x83F0;
	v5 =	vand.u32 $0x7FFF, v4;
	v4 =	vand.u32 $0x7FFF, v12;
	[tilespmem:v3+s2+$0x0] =	vst.idx.add.s32.msk vm4, v1;
	v3 =	vand.u32 $0x7FFF, v13  }
.LBB2_17:
0x132: {  	v10 =	vld [tilespmem:s22+$0x0];
	s21 =	sadd.s32 $0x8, s21;
	v11 =	vand.u32 $0x7FFF, v8;
	v12 =	vand.u32 $0x7FFF, v9;
	vm6 =	vmmov vm8  }
0x133: {  	vm4 =	vmmov vm7;
	v8 =	vld [tilespmem:s22+$0xFFFFFFA0];
	p0 =	slt.u32 s21, $0x78  }
0x134: {  	v9 =	vld [tilespmem:s22+$0xFFFFFFB0]  }
0x135: {  	v13 =	vld [tilespmem:s22+$0xFFFFFFC0]  }
0x136: {  	v14 =	vld [tilespmem:s22+$0xFFFFFFD0]  }
0x137: {  	v15 =	vld [tilespmem:s22+$0xFFFFFFE0];
	v10 =	vand.u32 $0x7FFFFFFF, v10  }
0x138: {  	v8 =	vand.u32 $0x7FFFFFFF, v8;
	v16 =	vld [tilespmem:s22+$0xFFFFFFF0];
	v10 =	vsub.s32 v10, v2  }
0x139: {  	v17 =	vld [tilespmem:s22+$0xFFFFFF90];
	v18 =	vsub.s32 v8, v2;
	v8 =	vand.u32 $0x7FFFFFFF, v9;
	vm9 =	vlt.u32 v10, $0x8000  }
0x13a: {  	v10 =	vand.u32 $0x7FFF, v10;
	v19 =	vsub.s32 v8, v2;
	v8 =	vand.u32 $0x7FFFFFFF, v13;
	[tilespmem:v7+s2+$0x0] =	vst.idx.add.s32.msk vm5, v1  }
0x13b: {  	v13 =	vsub.s32 v8, v2;
	v7 =	vand.u32 $0x7FFFFFFF, v14;
	[tilespmem:v5+s2+$0x0] =	vst.idx.add.s32.msk vm0, v1;
	vm0 =	vlt.u32 v18, $0x8000  }
0x13c: {  	v14 =	vsub.s32 v7, v2;
	v5 =	vand.u32 $0x7FFFFFFF, v15;
	[tilespmem:v6+s2+$0x0] =	vst.idx.add.s32.msk vm1, v1;
	vm1 =	vlt.u32 v19, $0x8000  }
.Ltmp7:
0x13d: {  	v8 =	vsub.s32 v5, v2;
	v5 =	vand.u32 $0x7FFFFFFF, v16;
	[tilespmem:v4+s2+$0x0] =	vst.idx.add.s32.msk vm2, v1;
	vm2 =	vlt.u32 v13, $0x8000;
	(pc) =	sbr.rel @p0 .LBB2_17-.Ltmp7, $4  }
0x13e: {  	v4 =	vand.u32 $0x7FFFFFFF, v17;
	v9 =	vsub.s32 v5, v2;
	[tilespmem:v3+s2+$0x0] =	vst.idx.add.s32.msk vm3, v1;
	vm3 =	vlt.u32 v14, $0x8000  }
0x13f: {  	vm8 =	vlt.u32 v8, $0x8000;
	v3 =	vsub.s32 v4, v2;
	vm7 =	vlt.u32 v9, $0x8000;
	[tilespmem:v10+s2+$0x0] =	vst.idx.add.s32.msk vm9, v1  }
0x140: {  	v5 =	vand.u32 $0x7FFF, v18;
	vm5 =	vlt.u32 v3, $0x8000;
	v7 =	vand.u32 $0x7FFF, v3;
	[tilespmem:v11+s2+$0x0] =	vst.idx.add.s32.msk vm6, v1  }
0x141: {  	s22 =	sadd.s32 $0x400, s22;
	v6 =	vand.u32 $0x7FFF, v19;
	v4 =	vand.u32 $0x7FFF, v13;
	v3 =	vand.u32 $0x7FFF, v14;
	[tilespmem:v12+s2+$0x0] =	vst.idx.add.s32.msk vm4, v1  }
0x142: {  	_ =	sdelay $0x4  }
0x143: {  	v8 =	vand.u32 $0x7FFF, v8;
	[tilespmem:v7+s2+$0x0] =	vst.idx.add.s32.msk vm5, v1  }
0x144: {  	v7 =	vand.u32 $0x7FFF, v9;
	[tilespmem:v5+s2+$0x0] =	vst.idx.add.s32.msk vm0, v1  }
0x145: {  	[tilespmem:v6+s2+$0x0] =	vst.idx.add.s32.msk vm1, v1  }
0x146: {  	[tilespmem:v4+s2+$0x0] =	vst.idx.add.s32.msk vm2, v1  }
0x147: {  	[tilespmem:v3+s2+$0x0] =	vst.idx.add.s32.msk vm3, v1  }
0x148: {  	[tilespmem:v8+s2+$0x0] =	vst.idx.add.s32.msk vm8, v1  }
0x149: {  	[tilespmem:v7+s2+$0x0] =	vst.idx.add.s32.msk vm7, v1  }
0x14a: {  	v3 =	vld [tilespmem:s20+$0x0]  }
0x14b: {  	v4 =	vld [tilespmem:s20+$0xFFFFFFA0]  }
0x14c: {  	v5 =	vld [tilespmem:s20+$0xFFFFFFB0]  }
0x14d: {  	v6 =	vld [tilespmem:s20+$0xFFFFFFC0]  }
0x14e: {  	v10 =	vld [tilespmem:s20+$0xFFFFFF90]  }
0x14f: {  	v7 =	vld [tilespmem:s20+$0xFFFFFFD0]  }
0x150: {  	vm4 =	vmmov vm8;
	vm6 =	vmmov vm7;
	v8 =	vld [tilespmem:s20+$0xFFFFFFE0]  }
0x151: {  	v9 =	vld [tilespmem:s20+$0xFFFFFFF0];
	v3 =	vand.u32 $0x7FFFFFFF, v3;
	v4 =	vand.u32 $0x7FFFFFFF, v4;
	v5 =	vand.u32 $0x7FFFFFFF, v5  }
0x152: {  	v3 =	vsub.s32 v3, v2;
	v4 =	vsub.s32 v4, v2;
	v11 =	vsub.s32 v5, v2  }
0x153: {  	v5 =	vand.u32 $0x7FFFFFFF, v6;
	v6 =	vand.u32 $0x7FFFFFFF, v10;
	vm4 =	vlt.u32 v3, $0x8000  }
0x154: {  	v3 =	vand.u32 $0x7FFF, v3;
	v12 =	vsub.s32 v5, v2;
	v5 =	vand.u32 $0x7FFFFFFF, v7  }
0x155: {  	vm0 =	vlt.u32 v4, $0x8000;
	v13 =	vsub.s32 v5, v2;
	v5 =	vand.u32 $0x7FFFFFFF, v8  }
0x156: {  	vm1 =	vlt.u32 v11, $0x8000;
	v8 =	vsub.s32 v5, v2;
	v5 =	vand.u32 $0x7FFFFFFF, v9  }
0x157: {  	vm2 =	vlt.u32 v12, $0x8000;
	vm3 =	vlt.u32 v13, $0x8000;
	v9 =	vsub.s32 v5, v2  }
0x158: {  	v5 =	vsub.s32 v6, v2;
	vm8 =	vlt.u32 v8, $0x8000;
	v6 =	vand.u32 $0x7FFF, v11  }
0x159: {  	vm7 =	vlt.u32 v9, $0x8000;
	vm5 =	vlt.u32 v5, $0x8000;
	v7 =	vand.u32 $0x7FFF, v5  }
0x15a: {  	s21 =	simm.s32 $0x87F0;
	s20 =	simm.s32 $0x0;
	v5 =	vand.u32 $0x7FFF, v4;
	v4 =	vand.u32 $0x7FFF, v12;
	[tilespmem:v3+s2+$0x0] =	vst.idx.add.s32.msk vm4, v1;
	v3 =	vand.u32 $0x7FFF, v13  }
.LBB2_19:
0x15b: {  	v10 =	vld [tilespmem:s21+$0x0];
	s20 =	sadd.s32 $0x8, s20;
	v11 =	vand.u32 $0x7FFF, v8;
	v12 =	vand.u32 $0x7FFF, v9;
	vm6 =	vmmov vm8  }
0x15c: {  	vm4 =	vmmov vm7;
	v8 =	vld [tilespmem:s21+$0xFFFFFFA0];
	p0 =	slt.u32 s20, $0x78  }
0x15d: {  	v9 =	vld [tilespmem:s21+$0xFFFFFFB0]  }
0x15e: {  	v13 =	vld [tilespmem:s21+$0xFFFFFFC0]  }
0x15f: {  	v14 =	vld [tilespmem:s21+$0xFFFFFFD0]  }
0x160: {  	v15 =	vld [tilespmem:s21+$0xFFFFFFE0];
	v10 =	vand.u32 $0x7FFFFFFF, v10  }
0x161: {  	v8 =	vand.u32 $0x7FFFFFFF, v8;
	v16 =	vld [tilespmem:s21+$0xFFFFFFF0];
	v10 =	vsub.s32 v10, v2  }
0x162: {  	v17 =	vld [tilespmem:s21+$0xFFFFFF90];
	v18 =	vsub.s32 v8, v2;
	v8 =	vand.u32 $0x7FFFFFFF, v9;
	vm9 =	vlt.u32 v10, $0x8000  }
0x163: {  	v10 =	vand.u32 $0x7FFF, v10;
	v19 =	vsub.s32 v8, v2;
	v8 =	vand.u32 $0x7FFFFFFF, v13;
	[tilespmem:v7+s2+$0x0] =	vst.idx.add.s32.msk vm5, v1  }
0x164: {  	v13 =	vsub.s32 v8, v2;
	v7 =	vand.u32 $0x7FFFFFFF, v14;
	[tilespmem:v5+s2+$0x0] =	vst.idx.add.s32.msk vm0, v1;
	vm0 =	vlt.u32 v18, $0x8000  }
0x165: {  	v14 =	vsub.s32 v7, v2;
	v5 =	vand.u32 $0x7FFFFFFF, v15;
	[tilespmem:v6+s2+$0x0] =	vst.idx.add.s32.msk vm1, v1;
	vm1 =	vlt.u32 v19, $0x8000  }
.Ltmp8:
0x166: {  	v8 =	vsub.s32 v5, v2;
	v5 =	vand.u32 $0x7FFFFFFF, v16;
	[tilespmem:v4+s2+$0x0] =	vst.idx.add.s32.msk vm2, v1;
	vm2 =	vlt.u32 v13, $0x8000;
	(pc) =	sbr.rel @p0 .LBB2_19-.Ltmp8, $4  }
0x167: {  	v4 =	vand.u32 $0x7FFFFFFF, v17;
	v9 =	vsub.s32 v5, v2;
	[tilespmem:v3+s2+$0x0] =	vst.idx.add.s32.msk vm3, v1;
	vm3 =	vlt.u32 v14, $0x8000  }
0x168: {  	vm8 =	vlt.u32 v8, $0x8000;
	v3 =	vsub.s32 v4, v2;
	vm7 =	vlt.u32 v9, $0x8000;
	[tilespmem:v10+s2+$0x0] =	vst.idx.add.s32.msk vm9, v1  }
0x169: {  	v5 =	vand.u32 $0x7FFF, v18;
	vm5 =	vlt.u32 v3, $0x8000;
	v7 =	vand.u32 $0x7FFF, v3;
	[tilespmem:v11+s2+$0x0] =	vst.idx.add.s32.msk vm6, v1  }
0x16a: {  	s21 =	sadd.s32 $0x400, s21;
	v6 =	vand.u32 $0x7FFF, v19;
	v4 =	vand.u32 $0x7FFF, v13;
	v3 =	vand.u32 $0x7FFF, v14;
	[tilespmem:v12+s2+$0x0] =	vst.idx.add.s32.msk vm4, v1  }
0x16b: {  	_ =	sdelay $0x4  }
0x16c: {  	v8 =	vand.u32 $0x7FFF, v8;
	[tilespmem:v7+s2+$0x0] =	vst.idx.add.s32.msk vm5, v1  }
0x16d: {  	v7 =	vand.u32 $0x7FFF, v9;
	[tilespmem:v5+s2+$0x0] =	vst.idx.add.s32.msk vm0, v1  }
0x16e: {  	[tilespmem:v6+s2+$0x0] =	vst.idx.add.s32.msk vm1, v1  }
0x16f: {  	[tilespmem:v4+s2+$0x0] =	vst.idx.add.s32.msk vm2, v1;
	s20 =	sshll.u32 s19, $0x1  }
0x170: {  	[tilespmem:v3+s2+$0x0] =	vst.idx.add.s32.msk vm3, v1;
	s20 =	smin.u32 s20, $0x3C  }
0x171: {  	s20 =	sshll.u32 s20, $0xB;
	[tilespmem:v8+s2+$0x0] =	vst.idx.add.s32.msk vm8, v1  }
0x172: {  	s21 =	sadd.s32 s20, s6;
	[tilespmem:v7+s2+$0x0] =	vst.idx.add.s32.msk vm7, v1  }
0x173: {  	[tilespmem:s12], [sflag:$0x1] =	stream.linear.gather [hbm4b:s21+s2], $0x4000, $0x38;
	[tilespmem:$0x10080] =	vst v63  }
0x174: {  	_ =	swait.ge [sflag:s15], $0x4000  }
0x175: {  	[sflag:s15] =	ssyncset.done $0x0  }
0x176: {  	s31 =	simm.s32 $0xC070;
	[sflag:s15] =	ssyncadd.s32 $0xFFFFC000  }
0x177: {  	v3 =	vld [tilespmem:s31+$0x0]  }
0x178: {  	v4 =	vld [tilespmem:s31+$0xFFFFFFA0]  }
0x179: {  	v5 =	vld [tilespmem:s31+$0xFFFFFFB0]  }
0x17a: {  	v6 =	vld [tilespmem:s31+$0xFFFFFFC0]  }
0x17b: {  	v10 =	vld [tilespmem:s31+$0xFFFFFF90]  }
0x17c: {  	v7 =	vld [tilespmem:s31+$0xFFFFFFD0]  }
0x17d: {  	vm4 =	vmmov vm8;
	vm6 =	vmmov vm7;
	v8 =	vld [tilespmem:s31+$0xFFFFFFE0]  }
0x17e: {  	v9 =	vld [tilespmem:s31+$0xFFFFFFF0];
	v3 =	vand.u32 $0x7FFFFFFF, v3;
	v4 =	vand.u32 $0x7FFFFFFF, v4;
	v5 =	vand.u32 $0x7FFFFFFF, v5  }
0x17f: {  	v3 =	vsub.s32 v3, v2;
	v4 =	vsub.s32 v4, v2;
	v11 =	vsub.s32 v5, v2  }
0x180: {  	v5 =	vand.u32 $0x7FFFFFFF, v6;
	v6 =	vand.u32 $0x7FFFFFFF, v10;
	vm4 =	vlt.u32 v3, $0x8000  }
0x181: {  	v3 =	vand.u32 $0x7FFF, v3;
	v12 =	vsub.s32 v5, v2;
	v5 =	vand.u32 $0x7FFFFFFF, v7  }
0x182: {  	vm0 =	vlt.u32 v4, $0x8000;
	v13 =	vsub.s32 v5, v2;
	v5 =	vand.u32 $0x7FFFFFFF, v8  }
0x183: {  	vm1 =	vlt.u32 v11, $0x8000;
	v8 =	vsub.s32 v5, v2;
	v5 =	vand.u32 $0x7FFFFFFF, v9  }
0x184: {  	vm2 =	vlt.u32 v12, $0x8000;
	vm3 =	vlt.u32 v13, $0x8000;
	v9 =	vsub.s32 v5, v2  }
0x185: {  	v5 =	vsub.s32 v6, v2;
	vm8 =	vlt.u32 v8, $0x8000;
	v6 =	vand.u32 $0x7FFF, v11  }
0x186: {  	vm7 =	vlt.u32 v9, $0x8000;
	vm5 =	vlt.u32 v5, $0x8000;
	v7 =	vand.u32 $0x7FFF, v5  }
0x187: {  	s22 =	simm.s32 $0x0;
	s23 =	simm.s32 $0xC470;
	s21 =	simm.s32 $0xC0F0;
	v5 =	vand.u32 $0x7FFF, v4;
	v4 =	vand.u32 $0x7FFF, v12;
	[tilespmem:v3+s2+$0x0] =	vst.idx.add.s32.msk vm4, v1;
	v3 =	vand.u32 $0x7FFF, v13  }
.LBB2_21:
0x188: {  	v10 =	vld [tilespmem:s23+$0x0];
	s22 =	sadd.s32 $0x8, s22;
	v11 =	vand.u32 $0x7FFF, v8;
	v12 =	vand.u32 $0x7FFF, v9;
	vm6 =	vmmov vm8  }
0x189: {  	vm4 =	vmmov vm7;
	v8 =	vld [tilespmem:s23+$0xFFFFFFA0];
	p0 =	slt.u32 s22, $0x78  }
0x18a: {  	v9 =	vld [tilespmem:s23+$0xFFFFFFB0]  }
0x18b: {  	v13 =	vld [tilespmem:s23+$0xFFFFFFC0]  }
0x18c: {  	v14 =	vld [tilespmem:s23+$0xFFFFFFD0]  }
0x18d: {  	v15 =	vld [tilespmem:s23+$0xFFFFFFE0];
	v10 =	vand.u32 $0x7FFFFFFF, v10  }
0x18e: {  	v8 =	vand.u32 $0x7FFFFFFF, v8;
	v16 =	vld [tilespmem:s23+$0xFFFFFFF0];
	v10 =	vsub.s32 v10, v2  }
0x18f: {  	v17 =	vld [tilespmem:s23+$0xFFFFFF90];
	v18 =	vsub.s32 v8, v2;
	v8 =	vand.u32 $0x7FFFFFFF, v9;
	vm9 =	vlt.u32 v10, $0x8000  }
0x190: {  	v10 =	vand.u32 $0x7FFF, v10;
	v19 =	vsub.s32 v8, v2;
	v8 =	vand.u32 $0x7FFFFFFF, v13;
	[tilespmem:v7+s2+$0x0] =	vst.idx.add.s32.msk vm5, v1  }
0x191: {  	v13 =	vsub.s32 v8, v2;
	v7 =	vand.u32 $0x7FFFFFFF, v14;
	[tilespmem:v5+s2+$0x0] =	vst.idx.add.s32.msk vm0, v1;
	vm0 =	vlt.u32 v18, $0x8000  }
0x192: {  	v14 =	vsub.s32 v7, v2;
	v5 =	vand.u32 $0x7FFFFFFF, v15;
	[tilespmem:v6+s2+$0x0] =	vst.idx.add.s32.msk vm1, v1;
	vm1 =	vlt.u32 v19, $0x8000  }
.Ltmp9:
0x193: {  	v8 =	vsub.s32 v5, v2;
	v5 =	vand.u32 $0x7FFFFFFF, v16;
	[tilespmem:v4+s2+$0x0] =	vst.idx.add.s32.msk vm2, v1;
	vm2 =	vlt.u32 v13, $0x8000;
	(pc) =	sbr.rel @p0 .LBB2_21-.Ltmp9, $4  }
0x194: {  	v4 =	vand.u32 $0x7FFFFFFF, v17;
	v9 =	vsub.s32 v5, v2;
	[tilespmem:v3+s2+$0x0] =	vst.idx.add.s32.msk vm3, v1;
	vm3 =	vlt.u32 v14, $0x8000  }
0x195: {  	vm8 =	vlt.u32 v8, $0x8000;
	v3 =	vsub.s32 v4, v2;
	vm7 =	vlt.u32 v9, $0x8000;
	[tilespmem:v10+s2+$0x0] =	vst.idx.add.s32.msk vm9, v1  }
0x196: {  	v5 =	vand.u32 $0x7FFF, v18;
	vm5 =	vlt.u32 v3, $0x8000;
	v7 =	vand.u32 $0x7FFF, v3;
	[tilespmem:v11+s2+$0x0] =	vst.idx.add.s32.msk vm6, v1  }
0x197: {  	s23 =	sadd.s32 $0x400, s23;
	v6 =	vand.u32 $0x7FFF, v19;
	v4 =	vand.u32 $0x7FFF, v13;
	v3 =	vand.u32 $0x7FFF, v14;
	[tilespmem:v12+s2+$0x0] =	vst.idx.add.s32.msk vm4, v1  }
0x198: {  	_ =	sdelay $0x4  }
0x199: {  	v8 =	vand.u32 $0x7FFF, v8;
	[tilespmem:v7+s2+$0x0] =	vst.idx.add.s32.msk vm5, v1  }
0x19a: {  	v7 =	vand.u32 $0x7FFF, v9;
	[tilespmem:v5+s2+$0x0] =	vst.idx.add.s32.msk vm0, v1  }
0x19b: {  	[tilespmem:v6+s2+$0x0] =	vst.idx.add.s32.msk vm1, v1  }
0x19c: {  	[tilespmem:v4+s2+$0x0] =	vst.idx.add.s32.msk vm2, v1  }
0x19d: {  	[tilespmem:v3+s2+$0x0] =	vst.idx.add.s32.msk vm3, v1  }
0x19e: {  	[tilespmem:v8+s2+$0x0] =	vst.idx.add.s32.msk vm8, v1  }
0x19f: {  	[tilespmem:v7+s2+$0x0] =	vst.idx.add.s32.msk vm7, v1  }
0x1a0: {  	v3 =	vld [tilespmem:s21+$0x0]  }
0x1a1: {  	v4 =	vld [tilespmem:s21+$0xFFFFFFA0]  }
0x1a2: {  	v5 =	vld [tilespmem:s21+$0xFFFFFFB0]  }
0x1a3: {  	v6 =	vld [tilespmem:s21+$0xFFFFFFC0]  }
0x1a4: {  	v10 =	vld [tilespmem:s21+$0xFFFFFF90]  }
0x1a5: {  	v7 =	vld [tilespmem:s21+$0xFFFFFFD0]  }
0x1a6: {  	vm4 =	vmmov vm8;
	vm6 =	vmmov vm7;
	v8 =	vld [tilespmem:s21+$0xFFFFFFE0]  }
0x1a7: {  	v9 =	vld [tilespmem:s21+$0xFFFFFFF0];
	v3 =	vand.u32 $0x7FFFFFFF, v3;
	v4 =	vand.u32 $0x7FFFFFFF, v4;
	v5 =	vand.u32 $0x7FFFFFFF, v5  }
0x1a8: {  	v3 =	vsub.s32 v3, v2;
	v4 =	vsub.s32 v4, v2;
	v11 =	vsub.s32 v5, v2  }
0x1a9: {  	v5 =	vand.u32 $0x7FFFFFFF, v6;
	v6 =	vand.u32 $0x7FFFFFFF, v10;
	vm4 =	vlt.u32 v3, $0x8000  }
0x1aa: {  	v3 =	vand.u32 $0x7FFF, v3;
	v12 =	vsub.s32 v5, v2;
	v5 =	vand.u32 $0x7FFFFFFF, v7  }
0x1ab: {  	vm0 =	vlt.u32 v4, $0x8000;
	v13 =	vsub.s32 v5, v2;
	v5 =	vand.u32 $0x7FFFFFFF, v8  }
0x1ac: {  	vm1 =	vlt.u32 v11, $0x8000;
	v8 =	vsub.s32 v5, v2;
	v5 =	vand.u32 $0x7FFFFFFF, v9  }
0x1ad: {  	vm2 =	vlt.u32 v12, $0x8000;
	vm3 =	vlt.u32 v13, $0x8000;
	v9 =	vsub.s32 v5, v2  }
0x1ae: {  	v5 =	vsub.s32 v6, v2;
	vm8 =	vlt.u32 v8, $0x8000;
	v6 =	vand.u32 $0x7FFF, v11  }
0x1af: {  	vm7 =	vlt.u32 v9, $0x8000;
	vm5 =	vlt.u32 v5, $0x8000;
	v7 =	vand.u32 $0x7FFF, v5  }
0x1b0: {  	s22 =	simm.s32 $0x0;
	s23 =	simm.s32 $0xC4F0;
	s21 =	simm.s32 $0xC170;
	v5 =	vand.u32 $0x7FFF, v4;
	v4 =	vand.u32 $0x7FFF, v12;
	[tilespmem:v3+s2+$0x0] =	vst.idx.add.s32.msk vm4, v1;
	v3 =	vand.u32 $0x7FFF, v13  }
.LBB2_23:
0x1b1: {  	v10 =	vld [tilespmem:s23+$0x0];
	s22 =	sadd.s32 $0x8, s22;
	v11 =	vand.u32 $0x7FFF, v8;
	v12 =	vand.u32 $0x7FFF, v9;
	vm6 =	vmmov vm8  }
0x1b2: {  	vm4 =	vmmov vm7;
	v8 =	vld [tilespmem:s23+$0xFFFFFFA0];
	p0 =	slt.u32 s22, $0x78  }
0x1b3: {  	v9 =	vld [tilespmem:s23+$0xFFFFFFB0]  }
0x1b4: {  	v13 =	vld [tilespmem:s23+$0xFFFFFFC0]  }
0x1b5: {  	v14 =	vld [tilespmem:s23+$0xFFFFFFD0]  }
0x1b6: {  	v15 =	vld [tilespmem:s23+$0xFFFFFFE0];
	v10 =	vand.u32 $0x7FFFFFFF, v10  }
0x1b7: {  	v8 =	vand.u32 $0x7FFFFFFF, v8;
	v16 =	vld [tilespmem:s23+$0xFFFFFFF0];
	v10 =	vsub.s32 v10, v2  }
0x1b8: {  	v17 =	vld [tilespmem:s23+$0xFFFFFF90];
	v18 =	vsub.s32 v8, v2;
	v8 =	vand.u32 $0x7FFFFFFF, v9;
	vm9 =	vlt.u32 v10, $0x8000  }
0x1b9: {  	v10 =	vand.u32 $0x7FFF, v10;
	v19 =	vsub.s32 v8, v2;
	v8 =	vand.u32 $0x7FFFFFFF, v13;
	[tilespmem:v7+s2+$0x0] =	vst.idx.add.s32.msk vm5, v1  }
0x1ba: {  	v13 =	vsub.s32 v8, v2;
	v7 =	vand.u32 $0x7FFFFFFF, v14;
	[tilespmem:v5+s2+$0x0] =	vst.idx.add.s32.msk vm0, v1;
	vm0 =	vlt.u32 v18, $0x8000  }
0x1bb: {  	v14 =	vsub.s32 v7, v2;
	v5 =	vand.u32 $0x7FFFFFFF, v15;
	[tilespmem:v6+s2+$0x0] =	vst.idx.add.s32.msk vm1, v1;
	vm1 =	vlt.u32 v19, $0x8000  }
.Ltmp10:
0x1bc: {  	v8 =	vsub.s32 v5, v2;
	v5 =	vand.u32 $0x7FFFFFFF, v16;
	[tilespmem:v4+s2+$0x0] =	vst.idx.add.s32.msk vm2, v1;
	vm2 =	vlt.u32 v13, $0x8000;
	(pc) =	sbr.rel @p0 .LBB2_23-.Ltmp10, $4  }
0x1bd: {  	v4 =	vand.u32 $0x7FFFFFFF, v17;
	v9 =	vsub.s32 v5, v2;
	[tilespmem:v3+s2+$0x0] =	vst.idx.add.s32.msk vm3, v1;
	vm3 =	vlt.u32 v14, $0x8000  }
0x1be: {  	vm8 =	vlt.u32 v8, $0x8000;
	v3 =	vsub.s32 v4, v2;
	vm7 =	vlt.u32 v9, $0x8000;
	[tilespmem:v10+s2+$0x0] =	vst.idx.add.s32.msk vm9, v1  }
0x1bf: {  	v5 =	vand.u32 $0x7FFF, v18;
	vm5 =	vlt.u32 v3, $0x8000;
	v7 =	vand.u32 $0x7FFF, v3;
	[tilespmem:v11+s2+$0x0] =	vst.idx.add.s32.msk vm6, v1  }
0x1c0: {  	s23 =	sadd.s32 $0x400, s23;
	v6 =	vand.u32 $0x7FFF, v19;
	v4 =	vand.u32 $0x7FFF, v13;
	v3 =	vand.u32 $0x7FFF, v14;
	[tilespmem:v12+s2+$0x0] =	vst.idx.add.s32.msk vm4, v1  }
0x1c1: {  	_ =	sdelay $0x4  }
0x1c2: {  	v8 =	vand.u32 $0x7FFF, v8;
	[tilespmem:v7+s2+$0x0] =	vst.idx.add.s32.msk vm5, v1  }
0x1c3: {  	v7 =	vand.u32 $0x7FFF, v9;
	[tilespmem:v5+s2+$0x0] =	vst.idx.add.s32.msk vm0, v1  }
0x1c4: {  	[tilespmem:v6+s2+$0x0] =	vst.idx.add.s32.msk vm1, v1  }
0x1c5: {  	[tilespmem:v4+s2+$0x0] =	vst.idx.add.s32.msk vm2, v1  }
0x1c6: {  	[tilespmem:v3+s2+$0x0] =	vst.idx.add.s32.msk vm3, v1  }
0x1c7: {  	[tilespmem:v8+s2+$0x0] =	vst.idx.add.s32.msk vm8, v1  }
0x1c8: {  	[tilespmem:v7+s2+$0x0] =	vst.idx.add.s32.msk vm7, v1  }
0x1c9: {  	v3 =	vld [tilespmem:s21+$0x0]  }
0x1ca: {  	v4 =	vld [tilespmem:s21+$0xFFFFFFA0]  }
0x1cb: {  	v5 =	vld [tilespmem:s21+$0xFFFFFFB0]  }
0x1cc: {  	v6 =	vld [tilespmem:s21+$0xFFFFFFC0]  }
0x1cd: {  	v10 =	vld [tilespmem:s21+$0xFFFFFF90]  }
0x1ce: {  	v7 =	vld [tilespmem:s21+$0xFFFFFFD0]  }
0x1cf: {  	vm4 =	vmmov vm8;
	vm6 =	vmmov vm7;
	v8 =	vld [tilespmem:s21+$0xFFFFFFE0]  }
0x1d0: {  	v9 =	vld [tilespmem:s21+$0xFFFFFFF0];
	v3 =	vand.u32 $0x7FFFFFFF, v3;
	v4 =	vand.u32 $0x7FFFFFFF, v4;
	v5 =	vand.u32 $0x7FFFFFFF, v5  }
0x1d1: {  	v3 =	vsub.s32 v3, v2;
	v4 =	vsub.s32 v4, v2;
	v11 =	vsub.s32 v5, v2  }
0x1d2: {  	v5 =	vand.u32 $0x7FFFFFFF, v6;
	v6 =	vand.u32 $0x7FFFFFFF, v10;
	vm4 =	vlt.u32 v3, $0x8000  }
0x1d3: {  	v3 =	vand.u32 $0x7FFF, v3;
	v12 =	vsub.s32 v5, v2;
	v5 =	vand.u32 $0x7FFFFFFF, v7  }
0x1d4: {  	vm0 =	vlt.u32 v4, $0x8000;
	v13 =	vsub.s32 v5, v2;
	v5 =	vand.u32 $0x7FFFFFFF, v8  }
0x1d5: {  	vm1 =	vlt.u32 v11, $0x8000;
	v8 =	vsub.s32 v5, v2;
	v5 =	vand.u32 $0x7FFFFFFF, v9  }
0x1d6: {  	vm2 =	vlt.u32 v12, $0x8000;
	vm3 =	vlt.u32 v13, $0x8000;
	v9 =	vsub.s32 v5, v2  }
0x1d7: {  	v5 =	vsub.s32 v6, v2;
	vm8 =	vlt.u32 v8, $0x8000;
	v6 =	vand.u32 $0x7FFF, v11  }
0x1d8: {  	vm7 =	vlt.u32 v9, $0x8000;
	vm5 =	vlt.u32 v5, $0x8000;
	v7 =	vand.u32 $0x7FFF, v5  }
0x1d9: {  	s22 =	simm.s32 $0x0;
	s23 =	simm.s32 $0xC570;
	s21 =	simm.s32 $0xC1F0;
	v5 =	vand.u32 $0x7FFF, v4;
	v4 =	vand.u32 $0x7FFF, v12;
	[tilespmem:v3+s2+$0x0] =	vst.idx.add.s32.msk vm4, v1;
	v3 =	vand.u32 $0x7FFF, v13  }
.LBB2_25:
0x1da: {  	v10 =	vld [tilespmem:s23+$0x0];
	s22 =	sadd.s32 $0x8, s22;
	v11 =	vand.u32 $0x7FFF, v8;
	v12 =	vand.u32 $0x7FFF, v9;
	vm6 =	vmmov vm8  }
0x1db: {  	vm4 =	vmmov vm7;
	v8 =	vld [tilespmem:s23+$0xFFFFFFA0];
	p0 =	slt.u32 s22, $0x78  }
0x1dc: {  	v9 =	vld [tilespmem:s23+$0xFFFFFFB0]  }
0x1dd: {  	v13 =	vld [tilespmem:s23+$0xFFFFFFC0]  }
0x1de: {  	v14 =	vld [tilespmem:s23+$0xFFFFFFD0]  }
0x1df: {  	v15 =	vld [tilespmem:s23+$0xFFFFFFE0];
	v10 =	vand.u32 $0x7FFFFFFF, v10  }
0x1e0: {  	v8 =	vand.u32 $0x7FFFFFFF, v8;
	v16 =	vld [tilespmem:s23+$0xFFFFFFF0];
	v10 =	vsub.s32 v10, v2  }
0x1e1: {  	v17 =	vld [tilespmem:s23+$0xFFFFFF90];
	v18 =	vsub.s32 v8, v2;
	v8 =	vand.u32 $0x7FFFFFFF, v9;
	vm9 =	vlt.u32 v10, $0x8000  }
0x1e2: {  	v10 =	vand.u32 $0x7FFF, v10;
	v19 =	vsub.s32 v8, v2;
	v8 =	vand.u32 $0x7FFFFFFF, v13;
	[tilespmem:v7+s2+$0x0] =	vst.idx.add.s32.msk vm5, v1  }
0x1e3: {  	v13 =	vsub.s32 v8, v2;
	v7 =	vand.u32 $0x7FFFFFFF, v14;
	[tilespmem:v5+s2+$0x0] =	vst.idx.add.s32.msk vm0, v1;
	vm0 =	vlt.u32 v18, $0x8000  }
0x1e4: {  	v14 =	vsub.s32 v7, v2;
	v5 =	vand.u32 $0x7FFFFFFF, v15;
	[tilespmem:v6+s2+$0x0] =	vst.idx.add.s32.msk vm1, v1;
	vm1 =	vlt.u32 v19, $0x8000  }
.Ltmp11:
0x1e5: {  	v8 =	vsub.s32 v5, v2;
	v5 =	vand.u32 $0x7FFFFFFF, v16;
	[tilespmem:v4+s2+$0x0] =	vst.idx.add.s32.msk vm2, v1;
	vm2 =	vlt.u32 v13, $0x8000;
	(pc) =	sbr.rel @p0 .LBB2_25-.Ltmp11, $4  }
0x1e6: {  	v4 =	vand.u32 $0x7FFFFFFF, v17;
	v9 =	vsub.s32 v5, v2;
	[tilespmem:v3+s2+$0x0] =	vst.idx.add.s32.msk vm3, v1;
	vm3 =	vlt.u32 v14, $0x8000  }
0x1e7: {  	vm8 =	vlt.u32 v8, $0x8000;
	v3 =	vsub.s32 v4, v2;
	vm7 =	vlt.u32 v9, $0x8000;
	[tilespmem:v10+s2+$0x0] =	vst.idx.add.s32.msk vm9, v1  }
0x1e8: {  	v5 =	vand.u32 $0x7FFF, v18;
	vm5 =	vlt.u32 v3, $0x8000;
	v7 =	vand.u32 $0x7FFF, v3;
	[tilespmem:v11+s2+$0x0] =	vst.idx.add.s32.msk vm6, v1  }
0x1e9: {  	s23 =	sadd.s32 $0x400, s23;
	v6 =	vand.u32 $0x7FFF, v19;
	v4 =	vand.u32 $0x7FFF, v13;
	v3 =	vand.u32 $0x7FFF, v14;
	[tilespmem:v12+s2+$0x0] =	vst.idx.add.s32.msk vm4, v1  }
0x1ea: {  	_ =	sdelay $0x4  }
0x1eb: {  	v8 =	vand.u32 $0x7FFF, v8;
	[tilespmem:v7+s2+$0x0] =	vst.idx.add.s32.msk vm5, v1  }
0x1ec: {  	v7 =	vand.u32 $0x7FFF, v9;
	[tilespmem:v5+s2+$0x0] =	vst.idx.add.s32.msk vm0, v1  }
0x1ed: {  	[tilespmem:v6+s2+$0x0] =	vst.idx.add.s32.msk vm1, v1  }
0x1ee: {  	[tilespmem:v4+s2+$0x0] =	vst.idx.add.s32.msk vm2, v1  }
0x1ef: {  	[tilespmem:v3+s2+$0x0] =	vst.idx.add.s32.msk vm3, v1  }
0x1f0: {  	[tilespmem:v8+s2+$0x0] =	vst.idx.add.s32.msk vm8, v1  }
0x1f1: {  	[tilespmem:v7+s2+$0x0] =	vst.idx.add.s32.msk vm7, v1  }
0x1f2: {  	v3 =	vld [tilespmem:s21+$0x0]  }
0x1f3: {  	v4 =	vld [tilespmem:s21+$0xFFFFFFA0]  }
0x1f4: {  	v5 =	vld [tilespmem:s21+$0xFFFFFFB0]  }
0x1f5: {  	v6 =	vld [tilespmem:s21+$0xFFFFFFC0]  }
0x1f6: {  	v10 =	vld [tilespmem:s21+$0xFFFFFF90]  }
0x1f7: {  	v7 =	vld [tilespmem:s21+$0xFFFFFFD0]  }
0x1f8: {  	vm4 =	vmmov vm8;
	vm6 =	vmmov vm7;
	v8 =	vld [tilespmem:s21+$0xFFFFFFE0]  }
0x1f9: {  	v9 =	vld [tilespmem:s21+$0xFFFFFFF0];
	v3 =	vand.u32 $0x7FFFFFFF, v3;
	v4 =	vand.u32 $0x7FFFFFFF, v4;
	v5 =	vand.u32 $0x7FFFFFFF, v5  }
0x1fa: {  	v3 =	vsub.s32 v3, v2;
	v4 =	vsub.s32 v4, v2;
	v11 =	vsub.s32 v5, v2  }
0x1fb: {  	v5 =	vand.u32 $0x7FFFFFFF, v6;
	v6 =	vand.u32 $0x7FFFFFFF, v10;
	vm4 =	vlt.u32 v3, $0x8000  }
0x1fc: {  	v3 =	vand.u32 $0x7FFF, v3;
	v12 =	vsub.s32 v5, v2;
	v5 =	vand.u32 $0x7FFFFFFF, v7  }
0x1fd: {  	vm0 =	vlt.u32 v4, $0x8000;
	v13 =	vsub.s32 v5, v2;
	v5 =	vand.u32 $0x7FFFFFFF, v8  }
0x1fe: {  	vm1 =	vlt.u32 v11, $0x8000;
	v8 =	vsub.s32 v5, v2;
	v5 =	vand.u32 $0x7FFFFFFF, v9  }
0x1ff: {  	vm2 =	vlt.u32 v12, $0x8000;
	vm3 =	vlt.u32 v13, $0x8000;
	v9 =	vsub.s32 v5, v2  }
0x200: {  	v5 =	vsub.s32 v6, v2;
	vm8 =	vlt.u32 v8, $0x8000;
	v6 =	vand.u32 $0x7FFF, v11  }
0x201: {  	vm7 =	vlt.u32 v9, $0x8000;
	vm5 =	vlt.u32 v5, $0x8000;
	v7 =	vand.u32 $0x7FFF, v5  }
0x202: {  	s22 =	simm.s32 $0x0;
	s23 =	simm.s32 $0xC5F0;
	s21 =	simm.s32 $0xC270;
	v5 =	vand.u32 $0x7FFF, v4;
	v4 =	vand.u32 $0x7FFF, v12;
	[tilespmem:v3+s2+$0x0] =	vst.idx.add.s32.msk vm4, v1;
	v3 =	vand.u32 $0x7FFF, v13  }
.LBB2_27:
0x203: {  	v10 =	vld [tilespmem:s23+$0x0];
	s22 =	sadd.s32 $0x8, s22;
	v11 =	vand.u32 $0x7FFF, v8;
	v12 =	vand.u32 $0x7FFF, v9;
	vm6 =	vmmov vm8  }
0x204: {  	vm4 =	vmmov vm7;
	v8 =	vld [tilespmem:s23+$0xFFFFFFA0];
	p0 =	slt.u32 s22, $0x78  }
0x205: {  	v9 =	vld [tilespmem:s23+$0xFFFFFFB0]  }
0x206: {  	v13 =	vld [tilespmem:s23+$0xFFFFFFC0]  }
0x207: {  	v14 =	vld [tilespmem:s23+$0xFFFFFFD0]  }
0x208: {  	v15 =	vld [tilespmem:s23+$0xFFFFFFE0];
	v10 =	vand.u32 $0x7FFFFFFF, v10  }
0x209: {  	v8 =	vand.u32 $0x7FFFFFFF, v8;
	v16 =	vld [tilespmem:s23+$0xFFFFFFF0];
	v10 =	vsub.s32 v10, v2  }
0x20a: {  	v17 =	vld [tilespmem:s23+$0xFFFFFF90];
	v18 =	vsub.s32 v8, v2;
	v8 =	vand.u32 $0x7FFFFFFF, v9;
	vm9 =	vlt.u32 v10, $0x8000  }
0x20b: {  	v10 =	vand.u32 $0x7FFF, v10;
	v19 =	vsub.s32 v8, v2;
	v8 =	vand.u32 $0x7FFFFFFF, v13;
	[tilespmem:v7+s2+$0x0] =	vst.idx.add.s32.msk vm5, v1  }
0x20c: {  	v13 =	vsub.s32 v8, v2;
	v7 =	vand.u32 $0x7FFFFFFF, v14;
	[tilespmem:v5+s2+$0x0] =	vst.idx.add.s32.msk vm0, v1;
	vm0 =	vlt.u32 v18, $0x8000  }
0x20d: {  	v14 =	vsub.s32 v7, v2;
	v5 =	vand.u32 $0x7FFFFFFF, v15;
	[tilespmem:v6+s2+$0x0] =	vst.idx.add.s32.msk vm1, v1;
	vm1 =	vlt.u32 v19, $0x8000  }
.Ltmp12:
0x20e: {  	v8 =	vsub.s32 v5, v2;
	v5 =	vand.u32 $0x7FFFFFFF, v16;
	[tilespmem:v4+s2+$0x0] =	vst.idx.add.s32.msk vm2, v1;
	vm2 =	vlt.u32 v13, $0x8000;
	(pc) =	sbr.rel @p0 .LBB2_27-.Ltmp12, $4  }
0x20f: {  	v4 =	vand.u32 $0x7FFFFFFF, v17;
	v9 =	vsub.s32 v5, v2;
	[tilespmem:v3+s2+$0x0] =	vst.idx.add.s32.msk vm3, v1;
	vm3 =	vlt.u32 v14, $0x8000  }
0x210: {  	vm8 =	vlt.u32 v8, $0x8000;
	v3 =	vsub.s32 v4, v2;
	vm7 =	vlt.u32 v9, $0x8000;
	[tilespmem:v10+s2+$0x0] =	vst.idx.add.s32.msk vm9, v1  }
0x211: {  	v5 =	vand.u32 $0x7FFF, v18;
	vm5 =	vlt.u32 v3, $0x8000;
	v7 =	vand.u32 $0x7FFF, v3;
	[tilespmem:v11+s2+$0x0] =	vst.idx.add.s32.msk vm6, v1  }
0x212: {  	s23 =	sadd.s32 $0x400, s23;
	v6 =	vand.u32 $0x7FFF, v19;
	v4 =	vand.u32 $0x7FFF, v13;
	v3 =	vand.u32 $0x7FFF, v14;
	[tilespmem:v12+s2+$0x0] =	vst.idx.add.s32.msk vm4, v1  }
0x213: {  	_ =	sdelay $0x4  }
0x214: {  	v8 =	vand.u32 $0x7FFF, v8;
	[tilespmem:v7+s2+$0x0] =	vst.idx.add.s32.msk vm5, v1  }
0x215: {  	v7 =	vand.u32 $0x7FFF, v9;
	[tilespmem:v5+s2+$0x0] =	vst.idx.add.s32.msk vm0, v1  }
0x216: {  	[tilespmem:v6+s2+$0x0] =	vst.idx.add.s32.msk vm1, v1  }
0x217: {  	[tilespmem:v4+s2+$0x0] =	vst.idx.add.s32.msk vm2, v1  }
0x218: {  	[tilespmem:v3+s2+$0x0] =	vst.idx.add.s32.msk vm3, v1  }
0x219: {  	[tilespmem:v8+s2+$0x0] =	vst.idx.add.s32.msk vm8, v1  }
0x21a: {  	[tilespmem:v7+s2+$0x0] =	vst.idx.add.s32.msk vm7, v1  }
0x21b: {  	v3 =	vld [tilespmem:s21+$0x0]  }
0x21c: {  	v4 =	vld [tilespmem:s21+$0xFFFFFFA0]  }
0x21d: {  	v5 =	vld [tilespmem:s21+$0xFFFFFFB0]  }
0x21e: {  	v6 =	vld [tilespmem:s21+$0xFFFFFFC0]  }
0x21f: {  	v10 =	vld [tilespmem:s21+$0xFFFFFF90]  }
0x220: {  	v7 =	vld [tilespmem:s21+$0xFFFFFFD0]  }
0x221: {  	vm4 =	vmmov vm8;
	vm6 =	vmmov vm7;
	v8 =	vld [tilespmem:s21+$0xFFFFFFE0]  }
0x222: {  	v9 =	vld [tilespmem:s21+$0xFFFFFFF0];
	v3 =	vand.u32 $0x7FFFFFFF, v3;
	v4 =	vand.u32 $0x7FFFFFFF, v4;
	v5 =	vand.u32 $0x7FFFFFFF, v5  }
0x223: {  	v3 =	vsub.s32 v3, v2;
	v4 =	vsub.s32 v4, v2;
	v11 =	vsub.s32 v5, v2  }
0x224: {  	v5 =	vand.u32 $0x7FFFFFFF, v6;
	v6 =	vand.u32 $0x7FFFFFFF, v10;
	vm4 =	vlt.u32 v3, $0x8000  }
0x225: {  	v3 =	vand.u32 $0x7FFF, v3;
	v12 =	vsub.s32 v5, v2;
	v5 =	vand.u32 $0x7FFFFFFF, v7  }
0x226: {  	vm0 =	vlt.u32 v4, $0x8000;
	v13 =	vsub.s32 v5, v2;
	v5 =	vand.u32 $0x7FFFFFFF, v8  }
0x227: {  	vm1 =	vlt.u32 v11, $0x8000;
	v8 =	vsub.s32 v5, v2;
	v5 =	vand.u32 $0x7FFFFFFF, v9  }
0x228: {  	vm2 =	vlt.u32 v12, $0x8000;
	vm3 =	vlt.u32 v13, $0x8000;
	v9 =	vsub.s32 v5, v2  }
0x229: {  	v5 =	vsub.s32 v6, v2;
	vm8 =	vlt.u32 v8, $0x8000;
	v6 =	vand.u32 $0x7FFF, v11  }
0x22a: {  	vm7 =	vlt.u32 v9, $0x8000;
	vm5 =	vlt.u32 v5, $0x8000;
	v7 =	vand.u32 $0x7FFF, v5  }
0x22b: {  	s22 =	simm.s32 $0x0;
	s23 =	simm.s32 $0xC670;
	s21 =	simm.s32 $0xC2F0;
	v5 =	vand.u32 $0x7FFF, v4;
	v4 =	vand.u32 $0x7FFF, v12;
	[tilespmem:v3+s2+$0x0] =	vst.idx.add.s32.msk vm4, v1;
	v3 =	vand.u32 $0x7FFF, v13  }
.LBB2_29:
0x22c: {  	v10 =	vld [tilespmem:s23+$0x0];
	s22 =	sadd.s32 $0x8, s22;
	v11 =	vand.u32 $0x7FFF, v8;
	v12 =	vand.u32 $0x7FFF, v9;
	vm6 =	vmmov vm8  }
0x22d: {  	vm4 =	vmmov vm7;
	v8 =	vld [tilespmem:s23+$0xFFFFFFA0];
	p0 =	slt.u32 s22, $0x78  }
0x22e: {  	v9 =	vld [tilespmem:s23+$0xFFFFFFB0]  }
0x22f: {  	v13 =	vld [tilespmem:s23+$0xFFFFFFC0]  }
0x230: {  	v14 =	vld [tilespmem:s23+$0xFFFFFFD0]  }
0x231: {  	v15 =	vld [tilespmem:s23+$0xFFFFFFE0];
	v10 =	vand.u32 $0x7FFFFFFF, v10  }
0x232: {  	v8 =	vand.u32 $0x7FFFFFFF, v8;
	v16 =	vld [tilespmem:s23+$0xFFFFFFF0];
	v10 =	vsub.s32 v10, v2  }
0x233: {  	v17 =	vld [tilespmem:s23+$0xFFFFFF90];
	v18 =	vsub.s32 v8, v2;
	v8 =	vand.u32 $0x7FFFFFFF, v9;
	vm9 =	vlt.u32 v10, $0x8000  }
0x234: {  	v10 =	vand.u32 $0x7FFF, v10;
	v19 =	vsub.s32 v8, v2;
	v8 =	vand.u32 $0x7FFFFFFF, v13;
	[tilespmem:v7+s2+$0x0] =	vst.idx.add.s32.msk vm5, v1  }
0x235: {  	v13 =	vsub.s32 v8, v2;
	v7 =	vand.u32 $0x7FFFFFFF, v14;
	[tilespmem:v5+s2+$0x0] =	vst.idx.add.s32.msk vm0, v1;
	vm0 =	vlt.u32 v18, $0x8000  }
0x236: {  	v14 =	vsub.s32 v7, v2;
	v5 =	vand.u32 $0x7FFFFFFF, v15;
	[tilespmem:v6+s2+$0x0] =	vst.idx.add.s32.msk vm1, v1;
	vm1 =	vlt.u32 v19, $0x8000  }
.Ltmp13:
0x237: {  	v8 =	vsub.s32 v5, v2;
	v5 =	vand.u32 $0x7FFFFFFF, v16;
	[tilespmem:v4+s2+$0x0] =	vst.idx.add.s32.msk vm2, v1;
	vm2 =	vlt.u32 v13, $0x8000;
	(pc) =	sbr.rel @p0 .LBB2_29-.Ltmp13, $4  }
0x238: {  	v4 =	vand.u32 $0x7FFFFFFF, v17;
	v9 =	vsub.s32 v5, v2;
	[tilespmem:v3+s2+$0x0] =	vst.idx.add.s32.msk vm3, v1;
	vm3 =	vlt.u32 v14, $0x8000  }
0x239: {  	vm8 =	vlt.u32 v8, $0x8000;
	v3 =	vsub.s32 v4, v2;
	vm7 =	vlt.u32 v9, $0x8000;
	[tilespmem:v10+s2+$0x0] =	vst.idx.add.s32.msk vm9, v1  }
0x23a: {  	v5 =	vand.u32 $0x7FFF, v18;
	vm5 =	vlt.u32 v3, $0x8000;
	v7 =	vand.u32 $0x7FFF, v3;
	[tilespmem:v11+s2+$0x0] =	vst.idx.add.s32.msk vm6, v1  }
0x23b: {  	s23 =	sadd.s32 $0x400, s23;
	v6 =	vand.u32 $0x7FFF, v19;
	v4 =	vand.u32 $0x7FFF, v13;
	v3 =	vand.u32 $0x7FFF, v14;
	[tilespmem:v12+s2+$0x0] =	vst.idx.add.s32.msk vm4, v1  }
0x23c: {  	_ =	sdelay $0x4  }
0x23d: {  	v8 =	vand.u32 $0x7FFF, v8;
	[tilespmem:v7+s2+$0x0] =	vst.idx.add.s32.msk vm5, v1  }
0x23e: {  	v7 =	vand.u32 $0x7FFF, v9;
	[tilespmem:v5+s2+$0x0] =	vst.idx.add.s32.msk vm0, v1  }
0x23f: {  	[tilespmem:v6+s2+$0x0] =	vst.idx.add.s32.msk vm1, v1  }
0x240: {  	[tilespmem:v4+s2+$0x0] =	vst.idx.add.s32.msk vm2, v1  }
0x241: {  	[tilespmem:v3+s2+$0x0] =	vst.idx.add.s32.msk vm3, v1  }
0x242: {  	[tilespmem:v8+s2+$0x0] =	vst.idx.add.s32.msk vm8, v1  }
0x243: {  	[tilespmem:v7+s2+$0x0] =	vst.idx.add.s32.msk vm7, v1  }
0x244: {  	v3 =	vld [tilespmem:s21+$0x0]  }
0x245: {  	v4 =	vld [tilespmem:s21+$0xFFFFFFA0]  }
0x246: {  	v5 =	vld [tilespmem:s21+$0xFFFFFFB0]  }
0x247: {  	v6 =	vld [tilespmem:s21+$0xFFFFFFC0]  }
0x248: {  	v10 =	vld [tilespmem:s21+$0xFFFFFF90]  }
0x249: {  	v7 =	vld [tilespmem:s21+$0xFFFFFFD0]  }
0x24a: {  	vm4 =	vmmov vm8;
	vm6 =	vmmov vm7;
	v8 =	vld [tilespmem:s21+$0xFFFFFFE0]  }
0x24b: {  	v9 =	vld [tilespmem:s21+$0xFFFFFFF0];
	v3 =	vand.u32 $0x7FFFFFFF, v3;
	v4 =	vand.u32 $0x7FFFFFFF, v4;
	v5 =	vand.u32 $0x7FFFFFFF, v5  }
0x24c: {  	v3 =	vsub.s32 v3, v2;
	v4 =	vsub.s32 v4, v2;
	v11 =	vsub.s32 v5, v2  }
0x24d: {  	v5 =	vand.u32 $0x7FFFFFFF, v6;
	v6 =	vand.u32 $0x7FFFFFFF, v10;
	vm4 =	vlt.u32 v3, $0x8000  }
0x24e: {  	v3 =	vand.u32 $0x7FFF, v3;
	v12 =	vsub.s32 v5, v2;
	v5 =	vand.u32 $0x7FFFFFFF, v7  }
0x24f: {  	vm0 =	vlt.u32 v4, $0x8000;
	v13 =	vsub.s32 v5, v2;
	v5 =	vand.u32 $0x7FFFFFFF, v8  }
0x250: {  	vm1 =	vlt.u32 v11, $0x8000;
	v8 =	vsub.s32 v5, v2;
	v5 =	vand.u32 $0x7FFFFFFF, v9  }
0x251: {  	vm2 =	vlt.u32 v12, $0x8000;
	vm3 =	vlt.u32 v13, $0x8000;
	v9 =	vsub.s32 v5, v2  }
0x252: {  	v5 =	vsub.s32 v6, v2;
	vm8 =	vlt.u32 v8, $0x8000;
	v6 =	vand.u32 $0x7FFF, v11  }
0x253: {  	vm7 =	vlt.u32 v9, $0x8000;
	vm5 =	vlt.u32 v5, $0x8000;
	v7 =	vand.u32 $0x7FFF, v5  }
0x254: {  	s22 =	simm.s32 $0x0;
	s23 =	simm.s32 $0xC6F0;
	s21 =	simm.s32 $0xC370;
	v5 =	vand.u32 $0x7FFF, v4;
	v4 =	vand.u32 $0x7FFF, v12;
	[tilespmem:v3+s2+$0x0] =	vst.idx.add.s32.msk vm4, v1;
	v3 =	vand.u32 $0x7FFF, v13  }
.LBB2_31:
0x255: {  	v10 =	vld [tilespmem:s23+$0x0];
	s22 =	sadd.s32 $0x8, s22;
	v11 =	vand.u32 $0x7FFF, v8;
	v12 =	vand.u32 $0x7FFF, v9;
	vm6 =	vmmov vm8  }
0x256: {  	vm4 =	vmmov vm7;
	v8 =	vld [tilespmem:s23+$0xFFFFFFA0];
	p0 =	slt.u32 s22, $0x78  }
0x257: {  	v9 =	vld [tilespmem:s23+$0xFFFFFFB0]  }
0x258: {  	v13 =	vld [tilespmem:s23+$0xFFFFFFC0]  }
0x259: {  	v14 =	vld [tilespmem:s23+$0xFFFFFFD0]  }
0x25a: {  	v15 =	vld [tilespmem:s23+$0xFFFFFFE0];
	v10 =	vand.u32 $0x7FFFFFFF, v10  }
0x25b: {  	v8 =	vand.u32 $0x7FFFFFFF, v8;
	v16 =	vld [tilespmem:s23+$0xFFFFFFF0];
	v10 =	vsub.s32 v10, v2  }
0x25c: {  	v17 =	vld [tilespmem:s23+$0xFFFFFF90];
	v18 =	vsub.s32 v8, v2;
	v8 =	vand.u32 $0x7FFFFFFF, v9;
	vm9 =	vlt.u32 v10, $0x8000  }
0x25d: {  	v10 =	vand.u32 $0x7FFF, v10;
	v19 =	vsub.s32 v8, v2;
	v8 =	vand.u32 $0x7FFFFFFF, v13;
	[tilespmem:v7+s2+$0x0] =	vst.idx.add.s32.msk vm5, v1  }
0x25e: {  	v13 =	vsub.s32 v8, v2;
	v7 =	vand.u32 $0x7FFFFFFF, v14;
	[tilespmem:v5+s2+$0x0] =	vst.idx.add.s32.msk vm0, v1;
	vm0 =	vlt.u32 v18, $0x8000  }
0x25f: {  	v14 =	vsub.s32 v7, v2;
	v5 =	vand.u32 $0x7FFFFFFF, v15;
	[tilespmem:v6+s2+$0x0] =	vst.idx.add.s32.msk vm1, v1;
	vm1 =	vlt.u32 v19, $0x8000  }
.Ltmp14:
0x260: {  	v8 =	vsub.s32 v5, v2;
	v5 =	vand.u32 $0x7FFFFFFF, v16;
	[tilespmem:v4+s2+$0x0] =	vst.idx.add.s32.msk vm2, v1;
	vm2 =	vlt.u32 v13, $0x8000;
	(pc) =	sbr.rel @p0 .LBB2_31-.Ltmp14, $4  }
0x261: {  	v4 =	vand.u32 $0x7FFFFFFF, v17;
	v9 =	vsub.s32 v5, v2;
	[tilespmem:v3+s2+$0x0] =	vst.idx.add.s32.msk vm3, v1;
	vm3 =	vlt.u32 v14, $0x8000  }
0x262: {  	vm8 =	vlt.u32 v8, $0x8000;
	v3 =	vsub.s32 v4, v2;
	vm7 =	vlt.u32 v9, $0x8000;
	[tilespmem:v10+s2+$0x0] =	vst.idx.add.s32.msk vm9, v1  }
0x263: {  	v5 =	vand.u32 $0x7FFF, v18;
	vm5 =	vlt.u32 v3, $0x8000;
	v7 =	vand.u32 $0x7FFF, v3;
	[tilespmem:v11+s2+$0x0] =	vst.idx.add.s32.msk vm6, v1  }
0x264: {  	s23 =	sadd.s32 $0x400, s23;
	v6 =	vand.u32 $0x7FFF, v19;
	v4 =	vand.u32 $0x7FFF, v13;
	v3 =	vand.u32 $0x7FFF, v14;
	[tilespmem:v12+s2+$0x0] =	vst.idx.add.s32.msk vm4, v1  }
0x265: {  	_ =	sdelay $0x4  }
0x266: {  	v8 =	vand.u32 $0x7FFF, v8;
	[tilespmem:v7+s2+$0x0] =	vst.idx.add.s32.msk vm5, v1  }
0x267: {  	v7 =	vand.u32 $0x7FFF, v9;
	[tilespmem:v5+s2+$0x0] =	vst.idx.add.s32.msk vm0, v1  }
0x268: {  	[tilespmem:v6+s2+$0x0] =	vst.idx.add.s32.msk vm1, v1  }
0x269: {  	[tilespmem:v4+s2+$0x0] =	vst.idx.add.s32.msk vm2, v1  }
0x26a: {  	[tilespmem:v3+s2+$0x0] =	vst.idx.add.s32.msk vm3, v1  }
0x26b: {  	[tilespmem:v8+s2+$0x0] =	vst.idx.add.s32.msk vm8, v1  }
0x26c: {  	[tilespmem:v7+s2+$0x0] =	vst.idx.add.s32.msk vm7, v1  }
0x26d: {  	v3 =	vld [tilespmem:s21+$0x0]  }
0x26e: {  	v4 =	vld [tilespmem:s21+$0xFFFFFFA0]  }
0x26f: {  	v5 =	vld [tilespmem:s21+$0xFFFFFFB0]  }
0x270: {  	v6 =	vld [tilespmem:s21+$0xFFFFFFC0]  }
0x271: {  	v10 =	vld [tilespmem:s21+$0xFFFFFF90]  }
0x272: {  	v7 =	vld [tilespmem:s21+$0xFFFFFFD0]  }
0x273: {  	vm4 =	vmmov vm8;
	vm6 =	vmmov vm7;
	v8 =	vld [tilespmem:s21+$0xFFFFFFE0]  }
0x274: {  	v9 =	vld [tilespmem:s21+$0xFFFFFFF0];
	v3 =	vand.u32 $0x7FFFFFFF, v3;
	v4 =	vand.u32 $0x7FFFFFFF, v4;
	v5 =	vand.u32 $0x7FFFFFFF, v5  }
0x275: {  	v3 =	vsub.s32 v3, v2;
	v4 =	vsub.s32 v4, v2;
	v11 =	vsub.s32 v5, v2  }
0x276: {  	v5 =	vand.u32 $0x7FFFFFFF, v6;
	v6 =	vand.u32 $0x7FFFFFFF, v10;
	vm4 =	vlt.u32 v3, $0x8000  }
0x277: {  	v3 =	vand.u32 $0x7FFF, v3;
	v12 =	vsub.s32 v5, v2;
	v5 =	vand.u32 $0x7FFFFFFF, v7  }
0x278: {  	vm0 =	vlt.u32 v4, $0x8000;
	v13 =	vsub.s32 v5, v2;
	v5 =	vand.u32 $0x7FFFFFFF, v8  }
0x279: {  	vm1 =	vlt.u32 v11, $0x8000;
	v8 =	vsub.s32 v5, v2;
	v5 =	vand.u32 $0x7FFFFFFF, v9  }
0x27a: {  	vm2 =	vlt.u32 v12, $0x8000;
	vm3 =	vlt.u32 v13, $0x8000;
	v9 =	vsub.s32 v5, v2  }
0x27b: {  	v5 =	vsub.s32 v6, v2;
	vm8 =	vlt.u32 v8, $0x8000;
	v6 =	vand.u32 $0x7FFF, v11  }
0x27c: {  	vm7 =	vlt.u32 v9, $0x8000;
	vm5 =	vlt.u32 v5, $0x8000;
	v7 =	vand.u32 $0x7FFF, v5  }
0x27d: {  	s22 =	simm.s32 $0x0;
	s23 =	simm.s32 $0xC770;
	s21 =	simm.s32 $0xC3F0;
	v5 =	vand.u32 $0x7FFF, v4;
	v4 =	vand.u32 $0x7FFF, v12;
	[tilespmem:v3+s2+$0x0] =	vst.idx.add.s32.msk vm4, v1;
	v3 =	vand.u32 $0x7FFF, v13  }
.LBB2_33:
0x27e: {  	v10 =	vld [tilespmem:s23+$0x0];
	s22 =	sadd.s32 $0x8, s22;
	v11 =	vand.u32 $0x7FFF, v8;
	v12 =	vand.u32 $0x7FFF, v9;
	vm6 =	vmmov vm8  }
0x27f: {  	vm4 =	vmmov vm7;
	v8 =	vld [tilespmem:s23+$0xFFFFFFA0];
	p0 =	slt.u32 s22, $0x78  }
0x280: {  	v9 =	vld [tilespmem:s23+$0xFFFFFFB0]  }
0x281: {  	v13 =	vld [tilespmem:s23+$0xFFFFFFC0]  }
0x282: {  	v14 =	vld [tilespmem:s23+$0xFFFFFFD0]  }
0x283: {  	v15 =	vld [tilespmem:s23+$0xFFFFFFE0];
	v10 =	vand.u32 $0x7FFFFFFF, v10  }
0x284: {  	v8 =	vand.u32 $0x7FFFFFFF, v8;
	v16 =	vld [tilespmem:s23+$0xFFFFFFF0];
	v10 =	vsub.s32 v10, v2  }
0x285: {  	v17 =	vld [tilespmem:s23+$0xFFFFFF90];
	v18 =	vsub.s32 v8, v2;
	v8 =	vand.u32 $0x7FFFFFFF, v9;
	vm9 =	vlt.u32 v10, $0x8000  }
0x286: {  	v10 =	vand.u32 $0x7FFF, v10;
	v19 =	vsub.s32 v8, v2;
	v8 =	vand.u32 $0x7FFFFFFF, v13;
	[tilespmem:v7+s2+$0x0] =	vst.idx.add.s32.msk vm5, v1  }
0x287: {  	v13 =	vsub.s32 v8, v2;
	v7 =	vand.u32 $0x7FFFFFFF, v14;
	[tilespmem:v5+s2+$0x0] =	vst.idx.add.s32.msk vm0, v1;
	vm0 =	vlt.u32 v18, $0x8000  }
0x288: {  	v14 =	vsub.s32 v7, v2;
	v5 =	vand.u32 $0x7FFFFFFF, v15;
	[tilespmem:v6+s2+$0x0] =	vst.idx.add.s32.msk vm1, v1;
	vm1 =	vlt.u32 v19, $0x8000  }
.Ltmp15:
0x289: {  	v8 =	vsub.s32 v5, v2;
	v5 =	vand.u32 $0x7FFFFFFF, v16;
	[tilespmem:v4+s2+$0x0] =	vst.idx.add.s32.msk vm2, v1;
	vm2 =	vlt.u32 v13, $0x8000;
	(pc) =	sbr.rel @p0 .LBB2_33-.Ltmp15, $4  }
0x28a: {  	v4 =	vand.u32 $0x7FFFFFFF, v17;
	v9 =	vsub.s32 v5, v2;
	[tilespmem:v3+s2+$0x0] =	vst.idx.add.s32.msk vm3, v1;
	vm3 =	vlt.u32 v14, $0x8000  }
0x28b: {  	vm8 =	vlt.u32 v8, $0x8000;
	v3 =	vsub.s32 v4, v2;
	vm7 =	vlt.u32 v9, $0x8000;
	[tilespmem:v10+s2+$0x0] =	vst.idx.add.s32.msk vm9, v1  }
0x28c: {  	v5 =	vand.u32 $0x7FFF, v18;
	vm5 =	vlt.u32 v3, $0x8000;
	v7 =	vand.u32 $0x7FFF, v3;
	[tilespmem:v11+s2+$0x0] =	vst.idx.add.s32.msk vm6, v1  }
0x28d: {  	s23 =	sadd.s32 $0x400, s23;
	v6 =	vand.u32 $0x7FFF, v19;
	v4 =	vand.u32 $0x7FFF, v13;
	v3 =	vand.u32 $0x7FFF, v14;
	[tilespmem:v12+s2+$0x0] =	vst.idx.add.s32.msk vm4, v1  }
0x28e: {  	_ =	sdelay $0x4  }
0x28f: {  	v8 =	vand.u32 $0x7FFF, v8;
	[tilespmem:v7+s2+$0x0] =	vst.idx.add.s32.msk vm5, v1  }
0x290: {  	v7 =	vand.u32 $0x7FFF, v9;
	[tilespmem:v5+s2+$0x0] =	vst.idx.add.s32.msk vm0, v1  }
0x291: {  	[tilespmem:v6+s2+$0x0] =	vst.idx.add.s32.msk vm1, v1  }
0x292: {  	[tilespmem:v4+s2+$0x0] =	vst.idx.add.s32.msk vm2, v1  }
0x293: {  	[tilespmem:v3+s2+$0x0] =	vst.idx.add.s32.msk vm3, v1  }
0x294: {  	[tilespmem:v8+s2+$0x0] =	vst.idx.add.s32.msk vm8, v1  }
0x295: {  	[tilespmem:v7+s2+$0x0] =	vst.idx.add.s32.msk vm7, v1  }
0x296: {  	v3 =	vld [tilespmem:s21+$0x0]  }
0x297: {  	v4 =	vld [tilespmem:s21+$0xFFFFFFA0]  }
0x298: {  	v5 =	vld [tilespmem:s21+$0xFFFFFFB0]  }
0x299: {  	v6 =	vld [tilespmem:s21+$0xFFFFFFC0]  }
0x29a: {  	v10 =	vld [tilespmem:s21+$0xFFFFFF90]  }
0x29b: {  	v7 =	vld [tilespmem:s21+$0xFFFFFFD0]  }
0x29c: {  	vm4 =	vmmov vm8;
	vm6 =	vmmov vm7;
	v8 =	vld [tilespmem:s21+$0xFFFFFFE0]  }
0x29d: {  	v9 =	vld [tilespmem:s21+$0xFFFFFFF0];
	v3 =	vand.u32 $0x7FFFFFFF, v3;
	v4 =	vand.u32 $0x7FFFFFFF, v4;
	v5 =	vand.u32 $0x7FFFFFFF, v5  }
0x29e: {  	v3 =	vsub.s32 v3, v2;
	v4 =	vsub.s32 v4, v2;
	v11 =	vsub.s32 v5, v2  }
0x29f: {  	v5 =	vand.u32 $0x7FFFFFFF, v6;
	v6 =	vand.u32 $0x7FFFFFFF, v10;
	vm4 =	vlt.u32 v3, $0x8000  }
0x2a0: {  	v3 =	vand.u32 $0x7FFF, v3;
	v12 =	vsub.s32 v5, v2;
	v5 =	vand.u32 $0x7FFFFFFF, v7  }
0x2a1: {  	vm0 =	vlt.u32 v4, $0x8000;
	v13 =	vsub.s32 v5, v2;
	v5 =	vand.u32 $0x7FFFFFFF, v8  }
0x2a2: {  	vm1 =	vlt.u32 v11, $0x8000;
	v8 =	vsub.s32 v5, v2;
	v5 =	vand.u32 $0x7FFFFFFF, v9  }
0x2a3: {  	vm2 =	vlt.u32 v12, $0x8000;
	vm3 =	vlt.u32 v13, $0x8000;
	v9 =	vsub.s32 v5, v2  }
0x2a4: {  	v5 =	vsub.s32 v6, v2;
	vm8 =	vlt.u32 v8, $0x8000;
	v6 =	vand.u32 $0x7FFF, v11  }
0x2a5: {  	vm7 =	vlt.u32 v9, $0x8000;
	vm5 =	vlt.u32 v5, $0x8000;
	v7 =	vand.u32 $0x7FFF, v5  }
0x2a6: {  	s22 =	simm.s32 $0xC7F0;
	s21 =	simm.s32 $0x0;
	v5 =	vand.u32 $0x7FFF, v4;
	v4 =	vand.u32 $0x7FFF, v12;
	[tilespmem:v3+s2+$0x0] =	vst.idx.add.s32.msk vm4, v1;
	v3 =	vand.u32 $0x7FFF, v13  }
.LBB2_35:
0x2a7: {  	v10 =	vld [tilespmem:s22+$0x0];
	s21 =	sadd.s32 $0x8, s21;
	v11 =	vand.u32 $0x7FFF, v8;
	v12 =	vand.u32 $0x7FFF, v9;
	vm6 =	vmmov vm8  }
0x2a8: {  	vm4 =	vmmov vm7;
	v8 =	vld [tilespmem:s22+$0xFFFFFFA0];
	p0 =	slt.u32 s21, $0x78  }
0x2a9: {  	v9 =	vld [tilespmem:s22+$0xFFFFFFB0]  }
0x2aa: {  	v13 =	vld [tilespmem:s22+$0xFFFFFFC0]  }
0x2ab: {  	v14 =	vld [tilespmem:s22+$0xFFFFFFD0]  }
0x2ac: {  	v15 =	vld [tilespmem:s22+$0xFFFFFFE0];
	v10 =	vand.u32 $0x7FFFFFFF, v10  }
0x2ad: {  	v8 =	vand.u32 $0x7FFFFFFF, v8;
	v16 =	vld [tilespmem:s22+$0xFFFFFFF0];
	v10 =	vsub.s32 v10, v2  }
0x2ae: {  	v17 =	vld [tilespmem:s22+$0xFFFFFF90];
	v18 =	vsub.s32 v8, v2;
	v8 =	vand.u32 $0x7FFFFFFF, v9;
	vm9 =	vlt.u32 v10, $0x8000  }
0x2af: {  	v10 =	vand.u32 $0x7FFF, v10;
	v19 =	vsub.s32 v8, v2;
	v8 =	vand.u32 $0x7FFFFFFF, v13;
	[tilespmem:v7+s2+$0x0] =	vst.idx.add.s32.msk vm5, v1  }
0x2b0: {  	v13 =	vsub.s32 v8, v2;
	v7 =	vand.u32 $0x7FFFFFFF, v14;
	[tilespmem:v5+s2+$0x0] =	vst.idx.add.s32.msk vm0, v1;
	vm0 =	vlt.u32 v18, $0x8000  }
0x2b1: {  	v14 =	vsub.s32 v7, v2;
	v5 =	vand.u32 $0x7FFFFFFF, v15;
	[tilespmem:v6+s2+$0x0] =	vst.idx.add.s32.msk vm1, v1;
	vm1 =	vlt.u32 v19, $0x8000  }
.Ltmp16:
0x2b2: {  	v8 =	vsub.s32 v5, v2;
	v5 =	vand.u32 $0x7FFFFFFF, v16;
	[tilespmem:v4+s2+$0x0] =	vst.idx.add.s32.msk vm2, v1;
	vm2 =	vlt.u32 v13, $0x8000;
	(pc) =	sbr.rel @p0 .LBB2_35-.Ltmp16, $4  }
0x2b3: {  	v4 =	vand.u32 $0x7FFFFFFF, v17;
	v9 =	vsub.s32 v5, v2;
	[tilespmem:v3+s2+$0x0] =	vst.idx.add.s32.msk vm3, v1;
	vm3 =	vlt.u32 v14, $0x8000  }
0x2b4: {  	vm8 =	vlt.u32 v8, $0x8000;
	v3 =	vsub.s32 v4, v2;
	vm7 =	vlt.u32 v9, $0x8000;
	[tilespmem:v10+s2+$0x0] =	vst.idx.add.s32.msk vm9, v1  }
0x2b5: {  	v5 =	vand.u32 $0x7FFF, v18;
	vm5 =	vlt.u32 v3, $0x8000;
	v7 =	vand.u32 $0x7FFF, v3;
	[tilespmem:v11+s2+$0x0] =	vst.idx.add.s32.msk vm6, v1  }
0x2b6: {  	s22 =	sadd.s32 $0x400, s22;
	v6 =	vand.u32 $0x7FFF, v19;
	v4 =	vand.u32 $0x7FFF, v13;
	v3 =	vand.u32 $0x7FFF, v14;
	[tilespmem:v12+s2+$0x0] =	vst.idx.add.s32.msk vm4, v1  }
0x2b7: {  	_ =	sdelay $0x4  }
0x2b8: {  	v8 =	vand.u32 $0x7FFF, v8;
	[tilespmem:v7+s2+$0x0] =	vst.idx.add.s32.msk vm5, v1  }
0x2b9: {  	v63 =	vand.u32 $0x7FFF, v9;
	[tilespmem:v5+s2+$0x0] =	vst.idx.add.s32.msk vm0, v1;
	s19 =	sadd.s32 $0x1, s19  }
0x2ba: {  	[tilespmem:v6+s2+$0x0] =	vst.idx.add.s32.msk vm1, v1;
	p0 =	sne.s32 s19, $0x20  }
.Ltmp17:
0x2bb: {  	[tilespmem:v4+s2+$0x0] =	vst.idx.add.s32.msk vm2, v1;
	(pc) =	sbr.rel @p0 .LBB2_4-.Ltmp17, $4  }
0x2bc: {  	[tilespmem:v3+s2+$0x0] =	vst.idx.add.s32.msk vm3, v1  }
0x2bd: {  	[tilespmem:v8+s2+$0x0] =	vst.idx.add.s32.msk vm8, v1  }
0x2be: {  	s20 =	sadd.s32 s20, s7;
	[tilespmem:v63+s2+$0x0] =	vst.idx.add.s32.msk vm7, v1  }
0x2bf: {  	vm4 =	vmmov vm8;
	vm6 =	vmmov vm7;
	[tilespmem:s13], [sflag:$0x2] =	stream.linear.gather [hbm4b:s20+s2], $0x4000, $0x38;
	[tilespmem:$0x10080] =	vst v63  }
0x2c0: {  	_ =	swait.ge [sflag:s14], $0x4000  }
0x2c1: {  	[sflag:s14] =	ssyncset.done $0x0  }
0x2c2: {  	[sflag:s14] =	ssyncadd.s32 $0xFFFFC000  }
0x2c3: {  	s18 =	sadd.s32 $0x1, s18;
	_ =	swait.ge [sflag:s15], $0x4000  }
0x2c4: {  	p0 =	sne.s32 s18, s9;
	[sflag:s15] =	ssyncset.done $0x0  }
.Ltmp18:
0x2c5: {  	[sflag:s15] =	ssyncadd.s32 $0xFFFFC000;
	(pc) =	sbr.rel @p0 .LBB2_1-.Ltmp18, $4  }
0x2c6: {  	[hbm4b:s8+s16] =	stream.strided.scatter [tilespmem:s2], [sflag:$0x3], $0x8000, s17, s16, $0x38;
	[tilespmem:$0x10080] =	vst v63  }
0x2c7: {  	_ =	swait.ge [sflag:s11], $0x8000  }
0x2c8: {  	[sflag:s11] =	ssyncset.done $0x0  }
0x2c9: {  	[sflag:s11] =	ssyncadd.s32 $0xFFFF8000  }
0x2ca: {  	_ =	sfence.sel $0x180000  }
0x2cb: {  	[bflag:$0x0] =	sbarrier.arrive $0xFFFF  }
0x2cc: {  	p0 =	sne.s32 s1, $0x0;
	_ =	strace $0x9000004A  }
0x2cd: {  	s0 =	sadd.s32 @!p0 $0x100000, s0;
	[bflag:$0x2] =	sbarrier.arrive $0xFFFF  }
0x2ce: {  	[sflag:s0] =	ssyncadd.tile.s32 @!p0 $0x1;
	_ =	shalt  }
.Lfunc_end2:
_tile_overlayer_lowered:
.L_overlay_start_2:
0x2cf: {  	(tag) =	ssettag $0x2  }
0x2d0: {  	s0 =	rddreg [dreg:$0x0];
	s2 =	stileid.u32  }
0x2d1: {  	s1 =	rddreg [dreg:$0x1];
	p0 =	sne.s32 s2, $0x0  }
0x2d2: {  	s3 =	rddreg [dreg:$0x2];
	[bflag:$0x3] =	sbarrier.arrive $0xFFFF;
	s2 =	simm.s32 @!p0 $0x1C03  }
0x2d3: {  	[timem:s3], [sflag:s2] =	dma.local @!p0 [hbm:s0], s1  }
0x2d4: {  	s0 =	simm.s32 @!p0 $0x3  }
0x2d5: {  	_ =	swait.ge @!p0 [sflag:s0], s1  }
0x2d6: {  	s1 =	ssub.s32 @!p0 $0x0, s1;
	[sflag:s0] =	ssyncset.done @!p0 $0x0  }
0x2d7: {  	[sflag:s0] =	ssyncadd.s32 @!p0 s1  }
0x2d8: {  	[bflag:$0x3] =	sbarrier.arrive $0xFFFF  }
0x2d9: {  	_ =	shalt  }

</sc_bundles>
